<compile_context>
chip_gen: v7x
topology: tpu7x:2x2x1
jax: 0.10.2.dev20260603
libtpu: 0.0.44.dev20260713+nightly
codegen_flags: <defaults>
</compile_context>

<pallas_src>
import functools

import jax
import jax.numpy as jnp
import numpy as np
from jax import lax
from jax.experimental import pallas as pl
from jax.experimental.pallas import tpu as pltpu
from jax.experimental.pallas import tpu_sc as plsc

N = 10000
E = 160000
PD = 256
HD = 512
NUM_OBJ = 151
ORT_DIMS = 200
NREL = 51
RELP = 64
RELW = 128
SRCW = PD // 4 + RELP
DTW = HD // 4 + PD // 2
HS_SCALE = 16.0
SUB_SCALE = 4.0
NP_ = 10240

NC, NS = 2, 16
NW = NC * NS
CH = 200

BLKN = 1024
BLKE = 1600

SL_START = (0, 76800)
SL_E = (76800, 83200)
SL_EPW = (2400, 2600)
SL_NCH = (12, 13)
SL_BLK0 = (0, 48)

_F32 = jnp.float32

_sc_mesh = plsc.VectorSubcoreMesh(
    core_axis_name="c", subcore_axis_name="s", num_cores=NC, num_subcores=NS)


def _wid():
    return lax.axis_index("s") * NC + lax.axis_index("c")


def _pack_bf16(x):
    w = x.shape[1] // 2
    xb = x.astype(jnp.bfloat16)
    lo = lax.bitcast_convert_type(xb[:, :w], jnp.uint16).astype(jnp.uint32)
    hi = lax.bitcast_convert_type(xb[:, w:], jnp.uint16).astype(jnp.uint32)
    return lax.bitcast_convert_type(lo | (hi << 16), jnp.int32)


def _unpack_bf16(p):
    u = lax.bitcast_convert_type(p, jnp.uint32)
    lo = lax.bitcast_convert_type((u & 0xFFFF).astype(jnp.uint16),
                                  jnp.bfloat16).astype(_F32)
    hi = lax.bitcast_convert_type((u >> 16).astype(jnp.uint16),
                                  jnp.bfloat16).astype(_F32)
    return jnp.concatenate([lo, hi], axis=1)


_F8 = jnp.float8_e4m3fn


def _pack_f8(x, scale):
    w = x.shape[1] // 4
    xb = (x * scale).astype(_F8)
    acc = None
    for k in range(4):
        b = lax.bitcast_convert_type(xb[:, k * w:(k + 1) * w],
                                     jnp.uint8).astype(jnp.uint32) << (8 * k)
        acc = b if acc is None else acc | b
    return lax.bitcast_convert_type(acc, jnp.int32)


def _unpack_f8(p, inv_scale):
    u = lax.bitcast_convert_type(p, jnp.uint32)
    parts = []
    for k in range(4):
        b = ((u >> (8 * k)) & 0xFF).astype(jnp.uint8)
        parts.append(
            lax.bitcast_convert_type(b, _F8).astype(_F32) * inv_scale)
    return jnp.concatenate(parts, axis=1)


def _node_body(ofeat, octx, posp, lab, ortp,
               W_low, b_low, W_high, b_high, W_s, b_s, W_o, b_o, W_ws, b_ws,
               W_wo, sub_o, hs_o, dt_o):
    wl = W_low[...]
    label_t = jnp.dot(ortp[...], wl[261:461, :],
                      preferred_element_type=_F32)
    iot = lax.broadcasted_iota(jnp.int32, (BLKN, 256), 1)
    oh = (iot == lab[...]).astype(_F32)
    rep = (jnp.dot(ofeat[...], wl[:256, :], preferred_element_type=_F32)
           + jnp.dot(posp[...], wl[256:264, :], preferred_element_type=_F32)
           + jnp.dot(oh, label_t, preferred_element_type=_F32)
           + b_low[...]
           + jnp.dot(octx[...], W_high[...], preferred_element_type=_F32)
           + b_high[...])
    sub = jnp.dot(rep, W_s[...], preferred_element_type=_F32) + b_s[...]
    obj = jnp.dot(rep, W_o[...], preferred_element_type=_F32) + b_o[...]
    sub_o[...] = _pack_f8(sub, SUB_SCALE)
    hs_o[...] = _pack_f8(
        jnp.dot(sub, W_ws[...], preferred_element_type=_F32), HS_SCALE)
    ho = _pack_f8(
        jnp.dot(obj, W_wo[...], preferred_element_type=_F32) + b_ws[...],
        HS_SCALE)
    dt_o[...] = jnp.concatenate([ho, _pack_bf16(obj)], axis=1)


def _node_stage(ofeat, octx, posp, lab, ortp, W_low, b_low, W_high, b_high,
                W_s, b_s, W_o, b_o, W_ws, b_ws, W_wo):
    row = lambda i: (i, 0)
    fixed = lambda i: (0, 0)
    return pl.pallas_call(
        _node_body,
        grid=(NP_ // BLKN,),
        in_specs=[
            pl.BlockSpec((BLKN, PD), row),
            pl.BlockSpec((BLKN, HD), row),
            pl.BlockSpec((BLKN, 8), row),
            pl.BlockSpec((BLKN, 1), row),
            pl.BlockSpec((256, ORT_DIMS), fixed),
            pl.BlockSpec((461, PD), fixed),
            pl.BlockSpec((1, PD), fixed),
            pl.BlockSpec((HD, PD), fixed),
            pl.BlockSpec((1, PD), fixed),
            pl.BlockSpec((PD, PD), fixed),
            pl.BlockSpec((1, PD), fixed),
            pl.BlockSpec((PD, PD), fixed),
            pl.BlockSpec((1, PD), fixed),
            pl.BlockSpec((PD, HD), fixed),
            pl.BlockSpec((1, HD), fixed),
            pl.BlockSpec((PD, HD), fixed),
        ],
        out_specs=[
            pl.BlockSpec((BLKN, PD // 4), row),
            pl.BlockSpec((BLKN, HD // 4), row),
            pl.BlockSpec((BLKN, DTW), row),
        ],
        out_shape=[
            jax.ShapeDtypeStruct((NP_, PD // 4), jnp.int32),
            jax.ShapeDtypeStruct((NP_, HD // 4), jnp.int32),
            jax.ShapeDtypeStruct((NP_, DTW), jnp.int32),
        ],
    )(ofeat, octx, posp, lab, ortp, W_low, b_low, W_high, b_high,
      W_s, b_s, W_o, b_o, W_ws, b_ws, W_wo)


def _make_gather2(slab):
    start, epw, nch, esz = (SL_START[slab], SL_EPW[slab], SL_NCH[slab],
                            SL_E[slab])

    def body(hs, dt, src, dst, g1, g2, idx_s, idx_d, buf1, buf2, sem):
        base = _wid() * epw

        def step(i, _):
            off = base + i * CH
            pltpu.sync_copy(src.at[pl.ds(start + off, CH)], idx_s)
            pltpu.sync_copy(dst.at[pl.ds(start + off, CH)], idx_d)
            c1 = pltpu.async_copy(hs.at[idx_s], buf1, sem)
            c2 = pltpu.async_copy(dt.at[idx_d], buf2, sem)
            c1.wait()
            c2.wait()
            pltpu.sync_copy(buf1, g1.at[pl.ds(off, CH)])
            pltpu.sync_copy(buf2, g2.at[pl.ds(off, CH)])
            return 0

        lax.fori_loop(0, nch, step, 0)

    return functools.partial(
        pl.kernel,
        out_type=[jax.ShapeDtypeStruct((esz, HD // 4), jnp.int32),
                  jax.ShapeDtypeStruct((esz, DTW), jnp.int32)],
        mesh=_sc_mesh,
        scratch_types=[
            pltpu.VMEM((CH,), jnp.int32),
            pltpu.VMEM((CH,), jnp.int32),
            pltpu.VMEM((CH, HD // 4), jnp.int32),
            pltpu.VMEM((CH, DTW), jnp.int32),
            pltpu.SemaphoreType.DMA,
        ],
    )(body)


_gather2_s = [_make_gather2(0), _make_gather2(1)]


def _edge1_body(u, g1, g2, W_wu, w_hmp, b_hmp, Wr1p, mw_o):
    ub = u[...].astype(jnp.bfloat16)
    wb = W_wu[...].astype(jnp.bfloat16)
    t = jnp.dot(ub, wb, preferred_element_type=_F32)
    h = jnp.tanh(_unpack_f8(g1[...], 1.0 / HS_SCALE)
                 + _unpack_f8(g2[...], 1.0 / HS_SCALE) + t)
    logit = jnp.sum(h * w_hmp[...], axis=1, keepdims=True) + b_hmp[...]
    att = jax.nn.sigmoid(logit)
    r1b = Wr1p[...].astype(jnp.bfloat16)
    mw_o[...] = att * jnp.dot(ub, r1b, preferred_element_type=_F32)


def _edge1(slab, u, g1, g2, W_wu, w_hmp, b_hmp, Wr1p):
    blk0, esz = SL_BLK0[slab], SL_E[slab]
    rowg = lambda i: (i + blk0, 0)
    row = lambda i: (i, 0)
    fixed = lambda i: (0, 0)
    return pl.pallas_call(
        _edge1_body,
        grid=(esz // BLKE,),
        in_specs=[
            pl.BlockSpec((BLKE, PD), rowg),
            pl.BlockSpec((BLKE, HD // 4), row),
            pl.BlockSpec((BLKE, HD // 4), row),
            pl.BlockSpec((PD, HD), fixed),
            pl.BlockSpec((1, HD), fixed),
            pl.BlockSpec((1, 1), fixed),
            pl.BlockSpec((PD, RELW), fixed),
        ],
        out_specs=pl.BlockSpec((BLKE, RELW), row),
        out_shape=jax.ShapeDtypeStruct((esz, RELW), _F32),
    )(u, g1, g2, W_wu, w_hmp, b_hmp, Wr1p)


def _make_scatter(slab):
    start, epw, nch = SL_START[slab], SL_EPW[slab], SL_NCH[slab]
    rps = NP_ // NS

    def body(mw, src, zer, out, idx_v, buf, aggsh):
        cid = lax.axis_index("c")
        sid = lax.axis_index("s")
        wid = sid * NC + cid
        pltpu.sync_copy(zer.at[pl.ds(sid * rps, rps)],
                        aggsh.at[pl.ds(sid * rps, rps)])
        plsc.subcore_barrier()
        base = wid * epw

        def step(i, _):
            off = base + i * CH
            pltpu.sync_copy(src.at[pl.ds(start + off, CH)], idx_v)
            pltpu.sync_copy(mw.at[pl.ds(off, CH)], buf)
            pltpu.sync_copy(buf, aggsh.at[idx_v], add=True)
            return 0

        lax.fori_loop(0, nch, step, 0)
        plsc.subcore_barrier()
        pltpu.sync_copy(aggsh.at[pl.ds(sid * rps, rps)],
                        out.at[pl.ds(cid * NP_ + sid * rps, rps)])

    return functools.partial(
        pl.kernel,
        out_type=jax.ShapeDtypeStruct((2 * NP_, RELW), _F32),
        mesh=_sc_mesh,
        scratch_types=[
            pltpu.VMEM((CH,), jnp.int32),
            pltpu.VMEM((CH, RELW), _F32),
            pltpu.VMEM_SHARED((NP_, RELW), _F32),
        ],
    )(body)


_scatter_s = [_make_scatter(0), _make_scatter(1)]


def _combine_body(pa0, pa1, pb0, pb1, sub, out_o):
    agg = pa0[...] + pa1[...] + pb0[...] + pb1[...]
    out_o[...] = jnp.concatenate([sub[...], _pack_bf16(agg)], axis=1)


def _combine(parts_a, parts_b, sub):
    h0 = lambda i: (i, 0)
    h1 = lambda i: (i + NP_ // BLKN, 0)
    return pl.pallas_call(
        _combine_body,
        grid=(NP_ // BLKN,),
        in_specs=[pl.BlockSpec((BLKN, RELW), h0),
                  pl.BlockSpec((BLKN, RELW), h1),
                  pl.BlockSpec((BLKN, RELW), h0),
                  pl.BlockSpec((BLKN, RELW), h1),
                  pl.BlockSpec((BLKN, PD // 4), h0)],
        out_specs=pl.BlockSpec((BLKN, SRCW), h0),
        out_shape=jax.ShapeDtypeStruct((NP_, SRCW), jnp.int32),
    )(parts_a, parts_a, parts_b, parts_b, sub)


def _make_gather3(slab):
    start, epw, nch, esz = (SL_START[slab], SL_EPW[slab], SL_NCH[slab],
                            SL_E[slab])

    def body(tsrc, src, gs, idx_s, b1, sem):
        base = _wid() * epw

        def step(i, _):
            off = base + i * CH
            pltpu.sync_copy(src.at[pl.ds(start + off, CH)], idx_s)
            c1 = pltpu.async_copy(tsrc.at[idx_s], b1, sem)
            c1.wait()
            pltpu.sync_copy(b1, gs.at[pl.ds(off, CH)])
            return 0

        lax.fori_loop(0, nch, step, 0)

    return functools.partial(
        pl.kernel,
        out_type=jax.ShapeDtypeStruct((esz, SRCW), jnp.int32),
        mesh=_sc_mesh,
        scratch_types=[
            pltpu.VMEM((CH,), jnp.int32),
            pltpu.VMEM((CH, SRCW), jnp.int32),
            pltpu.SemaphoreType.DMA,
        ],
    )(body)


_gather3_s = [_make_gather3(0), _make_gather3(1)]


def _edge2_body(gs, g2, mw, spt, Wr1p, Wr2p, brel, out_o):
    g = gs[...]
    s1 = _unpack_f8(g[:, :PD // 4], 1.0 / SUB_SCALE)
    ag = _unpack_bf16(g[:, PD // 4:])
    p = s1 * _unpack_bf16(g2[...])
    full = (jnp.dot(p, Wr1p[...], preferred_element_type=_F32)
            + jnp.dot(spt[...], Wr2p[...], preferred_element_type=_F32)
            + ag[:, :RELP] + mw[...][:, :RELP] + brel[...])
    out_o[...] = full[:, :NREL]


def _edge2(slab, gs, g2, mw, spt, Wr1p, Wr2p, brel):
    blk0, esz = SL_BLK0[slab], SL_E[slab]
    rowg = lambda i: (i + blk0, 0)
    row = lambda i: (i, 0)
    row1 = lambda i: (i, 1)
    fixed = lambda i: (0, 0)
    return pl.pallas_call(
        _edge2_body,
        grid=(esz // BLKE,),
        in_specs=[
            pl.BlockSpec((BLKE, SRCW), row),
            pl.BlockSpec((BLKE, PD // 2), row1),
            pl.BlockSpec((BLKE, RELW), row),
            pl.BlockSpec((BLKE, 64), rowg),
            pl.BlockSpec((PD, RELP), fixed),
            pl.BlockSpec((64, RELP), fixed),
            pl.BlockSpec((1, RELP), fixed),
        ],
        out_specs=pl.BlockSpec((BLKE, NREL), row),
        out_shape=jax.ShapeDtypeStruct((esz, NREL), _F32),
    )(gs, g2, mw, spt, Wr1p, Wr2p, brel)


def kernel(obj_feats, obj_ctx, pos_embed, union_feats, spt_feats, pair_idx,
           obj_labels, W_low, b_low, W_high, b_high, W_s, b_s, W_o, b_o,
           W_ws, b_ws, W_wo, W_wu, W_hmp, b_hmp, W_rel, b_rel):
    ind = jnp.arange(1, NUM_OBJ + 1, dtype=_F32)[:, None]
    lin = jnp.linspace(-np.pi, np.pi, ORT_DIMS, dtype=_F32)[None, :]
    t = ind * lin
    ortp = jnp.zeros((256, ORT_DIMS), _F32).at[:NUM_OBJ].set(
        jnp.sin(t) + jnp.cos(t))

    pad_n = NP_ - N
    ofeat = jnp.pad(obj_feats, ((0, pad_n), (0, 0)))
    octx = jnp.pad(obj_ctx, ((0, pad_n), (0, 0)))
    posp = jnp.pad(pos_embed, ((0, pad_n), (0, 3)))
    lab = jnp.pad(obj_labels.astype(jnp.int32), (0, pad_n))[:, None]

    src = pair_idx[:, 0].astype(jnp.int32)
    dst = pair_idx[:, 1].astype(jnp.int32)

    Wr1p = jnp.pad(W_rel[:PD], ((0, 0), (0, RELP - NREL)))
    Wr1w = jnp.pad(W_rel[:PD], ((0, 0), (0, RELW - NREL)))
    Wr2p = jnp.pad(W_rel[PD:], ((0, 0), (0, RELP - NREL)))
    brelp = jnp.pad(b_rel, (0, RELP - NREL))[None, :]
    w_hmp = W_hmp.reshape(1, HD)
    b_hmp2 = b_hmp.reshape(1, 1)
    zer = jnp.zeros((NP_, RELW), _F32)

    sub_p, hs_p, dt_p = _node_stage(
        ofeat, octx, posp, lab, ortp, W_low, b_low[None, :], W_high,
        b_high[None, :], W_s, b_s[None, :], W_o, b_o[None, :], W_ws,
        b_ws[None, :], W_wo)

    g1a, g2a = _gather2_s[0](hs_p, dt_p, src, dst)
    g1b, g2b = _gather2_s[1](hs_p, dt_p, src, dst)

    mwa = _edge1(0, union_feats, g1a, g2a, W_wu, w_hmp, b_hmp2, Wr1w)
    mwb = _edge1(1, union_feats, g1b, g2b, W_wu, w_hmp, b_hmp2, Wr1w)

    parts_a = _scatter_s[0](mwa, src, zer)
    parts_b = _scatter_s[1](mwb, src, zer)
    tsrc = _combine(parts_a, parts_b, sub_p)

    gsa = _gather3_s[0](tsrc, src)
    gsb = _gather3_s[1](tsrc, src)

    outa = _edge2(0, gsa, g2a, mwa, spt_feats, Wr1p, Wr2p, brelp)
    outb = _edge2(1, gsb, g2b, mwb, spt_feats, Wr1p, Wr2p, brelp)
    return jnp.concatenate([outa, outb], axis=0)

# --- scband reference (transcript-rebuilt; emitter-appended) ---
"""Pipeline reference for scband-hlnet-predictor-42554535968906 (READ-ONLY COPY).

The authoritative reference and input builder live on the scoring server;
editing this copy changes nothing except your own understanding.
"""

import jax, jax.numpy as jnp
import numpy as np

N = 10000
E = 160000
PD = 256
HD = 512
NUM_OBJ = 151
NUM_REL = 51
ORT_DIMS = 200


def _ort_embeds(k, dims):
    ind = jnp.arange(1, k + 1, dtype=jnp.float32)[:, None]
    lin = jnp.linspace(-np.pi, np.pi, dims, dtype=jnp.float32)[None, :]
    t = ind * lin
    return jnp.sin(t) + jnp.cos(t)


def setup_inputs(seed: int = 0):
    key = jax.random.key(seed)
    ks = [jax.random.fold_in(key, i) for i in range(32)]
    s = 0.02
    inp = {}
    inp["obj_feats"] = jax.random.normal(ks[0], (N, PD), dtype=jnp.float32)
    inp["obj_ctx"] = jax.random.normal(ks[1], (N, HD), dtype=jnp.float32)
    inp["pos_embed"] = jax.random.uniform(ks[2], (N, 5), dtype=jnp.float32)
    inp["union_feats"] = jax.random.normal(ks[3], (E, PD), dtype=jnp.float32)
    inp["spt_feats"] = jax.random.normal(ks[4], (E, 64), dtype=jnp.float32)
    inp["pair_idx"] = jax.random.randint(ks[5], (E, 2), 0, N, dtype=jnp.int64 if jax.config.jax_enable_x64 else jnp.int32)
    inp["obj_labels"] = jax.random.randint(ks[6], (N,), 0, NUM_OBJ, dtype=jnp.int64 if jax.config.jax_enable_x64 else jnp.int32)
    inp["W_low"] = jax.random.normal(ks[7], (PD + 5 + ORT_DIMS, PD), dtype=jnp.float32) * s
    inp["b_low"] = jnp.zeros((PD,), dtype=jnp.float32)
    inp["W_high"] = jax.random.normal(ks[8], (HD, PD), dtype=jnp.float32) * s
    inp["b_high"] = jnp.zeros((PD,), dtype=jnp.float32)
    inp["W_s"] = jax.random.normal(ks[9], (PD, PD), dtype=jnp.float32) * s
    inp["b_s"] = jnp.zeros((PD,), dtype=jnp.float32)
    inp["W_o"] = jax.random.normal(ks[10], (PD, PD), dtype=jnp.float32) * s
    inp["b_o"] = jnp.zeros((PD,), dtype=jnp.float32)
    inp["W_ws"] = jax.random.normal(ks[11], (PD, HD), dtype=jnp.float32) * s
    inp["b_ws"] = jnp.zeros((HD,), dtype=jnp.float32)
    inp["W_wo"] = jax.random.normal(ks[12], (PD, HD), dtype=jnp.float32) * s
    inp["W_wu"] = jax.random.normal(ks[13], (PD, HD), dtype=jnp.float32) * s
    inp["W_hmp"] = jax.random.normal(ks[14], (HD, 1), dtype=jnp.float32) * s
    inp["b_hmp"] = jnp.zeros((1,), dtype=jnp.float32)
    inp["W_rel"] = jax.random.normal(ks[15], (PD + 64, NUM_REL), dtype=jnp.float32) * s
    inp["b_rel"] = jnp.zeros((NUM_REL,), dtype=jnp.float32)
    return inp


def reference(obj_feats, obj_ctx, pos_embed, union_feats, spt_feats, pair_idx, obj_labels,
              W_low, b_low, W_high, b_high, W_s, b_s, W_o, b_o,
              W_ws, b_ws, W_wo, W_wu, W_hmp, b_hmp, W_rel, b_rel):
    # HLNetPredictor (distilled): ort label embedding -> merge_obj_low/high ->
    # post_emb_s/o -> edge gathers -> HMP gated attention -> scatter-add message
    # aggregation -> rel_compress with 64-d spatial features.
    ort = _ort_embeds(NUM_OBJ, ORT_DIMS)
    obj_embed = jnp.take(ort, obj_labels, axis=0)                     # gather [N,200]
    low_in = jnp.concatenate([obj_feats, pos_embed, obj_embed], axis=-1)
    obj_low = low_in @ W_low + b_low
    obj_rep = obj_low + obj_ctx @ W_high + b_high
    sub = obj_rep @ W_s + b_s
    obj = obj_rep @ W_o + b_o
    src = pair_idx[:, 0]
    dst = pair_idx[:, 1]
    head = jnp.take(sub, src, axis=0)                                 # gather [E,PD]
    tail = jnp.take(obj, dst, axis=0)                                 # gather [E,PD]
    h = jnp.tanh(head @ W_ws + tail @ W_wo + union_feats @ W_wu + b_ws)
    att = jax.nn.sigmoid(h @ W_hmp + b_hmp)                           # [E,1]
    msg = att * union_feats
    agg = jax.ops.segment_sum(msg, src, num_segments=N)               # scatter-add [N,PD]
    prod_rep = head * tail + msg + jnp.take(agg, src, axis=0)
    rel_logits = jnp.concatenate([prod_rep, spt_feats], axis=-1) @ W_rel + b_rel
    return rel_logits

if __name__ == "__main__":
    import jax
    _d = setup_inputs()
    print(jax.jit(kernel)(*tuple(_d.values())))

</pallas_src>

<mosaic_0001>
#map = affine_map<(d0, d1) -> (0, 0)>
#map1 = affine_map<(d0, d1) -> (0)>
module attributes {stable_mosaic.version = 14 : i64} {
  func.func @body(%arg0: i32, %arg1: i32, %arg2: memref<10240x128xi32, #tpu.memory_space<hbm>>, %arg3: memref<10240x256xi32, #tpu.memory_space<hbm>>, %arg4: memref<160000xi32, #tpu.memory_space<hbm>>, %arg5: memref<160000xi32, #tpu.memory_space<hbm>>, %arg6: memref<83200x128xi32, #tpu.memory_space<hbm>>, %arg7: memref<83200x256xi32, #tpu.memory_space<hbm>>, %arg8: memref<200xi32, #tpu.memory_space<vmem>>, %arg9: memref<200xi32, #tpu.memory_space<vmem>>, %arg10: memref<200x128xi32, #tpu.memory_space<vmem>>, %arg11: memref<200x256xi32, #tpu.memory_space<vmem>>, %arg12: memref<!tpu.dma_semaphore, #tpu.memory_space<semaphore_mem>>) attributes {dimension_semantics = [#tpu.dimension_semantics<core_parallel>, #tpu.dimension_semantics<subcore_parallel>], iteration_bounds = array<i64: 2, 16>, scalar_prefetch = 0 : i64, scratch_operands = 5 : i64, tpu.core_type = #tpu.core_type<sc_vector_subcore>, window_params = [{transform_indices = #map}, {transform_indices = #map}, {transform_indices = #map1}, {transform_indices = #map1}, {transform_indices = #map}, {transform_indices = #map}]} {
    %mul3A = arith.constant 2 : i32
    %mul3A_0 = arith.muli %arg1, %mul3A : i32
    %add3A = arith.addi %mul3A_0, %arg0 : i32
    %mul3A_1 = arith.constant 2600 : i32
    %mul3A_2 = arith.muli %add3A, %mul3A_1 : i32
    %scan3A = arith.constant 0 : i32
    %scan3A_3 = arith.constant 0 : i32
    %scan3A_4 = arith.constant 13 : i32
    %scan3A_5 = arith.addi %scan3A_3, %scan3A_4 : i32
    %scan3A_6 = arith.constant 1 : i32
    %scan3A_7 = scf.for %scan3A_9 = %scan3A_3 to %scan3A_5 step %scan3A_6 iter_args(%scan3A_10 = %scan3A) -> (i32)  : i32 {
      %mul3A_11 = arith.constant 200 : i32
      %mul3A_12 = arith.muli %scan3A_9, %mul3A_11 : i32
      %add3A_13 = arith.addi %mul3A_2, %mul3A_12 : i32
      %add3A_14 = arith.constant 76800 : i32
      %add3A_15 = arith.addi %add3A_14, %add3A_13 : i32
      "tpu.region"() ({
        %run_scoped3A = tpu.sem_alloc : memref<!tpu.dma_semaphore, #tpu.memory_space<semaphore_mem>>
        %dma_start3A_29 = tpu.memref_slice %arg4[%add3A_15] : memref<160000xi32, #tpu.memory_space<hbm>> -> memref<200xi32, #tpu.memory_space<hbm>>
        %dma_start3A_30 = tpu.memref_slice %arg4[%add3A_15] : memref<160000xi32, #tpu.memory_space<hbm>> -> memref<200xi32, #tpu.memory_space<hbm>>
        tpu.enqueue_dma source(%dma_start3A_30 : memref<200xi32, #tpu.memory_space<hbm>>) target(%arg8 : memref<200xi32, #tpu.memory_space<vmem>>) target_semaphore(%run_scoped3A : memref<!tpu.dma_semaphore, #tpu.memory_space<semaphore_mem>>)
        %dma_wait3A_31 = tpu.memref_slice %arg4[%add3A_15] : memref<160000xi32, #tpu.memory_space<hbm>> -> memref<200xi32, #tpu.memory_space<hbm>>
        %dma_wait3A_32 = tpu.memref_slice %arg4[%add3A_15] : memref<160000xi32, #tpu.memory_space<hbm>> -> memref<200xi32, #tpu.memory_space<hbm>>
        tpu.wait_dma2 semaphore(%run_scoped3A : memref<!tpu.dma_semaphore, #tpu.memory_space<semaphore_mem>>) src(%dma_wait3A_32 : memref<200xi32, #tpu.memory_space<hbm>>) dst(%arg8 : memref<200xi32, #tpu.memory_space<vmem>>)
        tpu.yield
      }) : () -> ()
      %add3A_16 = arith.constant 76800 : i32
      %add3A_17 = arith.addi %add3A_16, %add3A_13 : i32
      "tpu.region"() ({
        %run_scoped3A = tpu.sem_alloc : memref<!tpu.dma_semaphore, #tpu.memory_space<semaphore_mem>>
        %dma_start3A_29 = tpu.memref_slice %arg5[%add3A_17] : memref<160000xi32, #tpu.memory_space<hbm>> -> memref<200xi32, #tpu.memory_space<hbm>>
        %dma_start3A_30 = tpu.memref_slice %arg5[%add3A_17] : memref<160000xi32, #tpu.memory_space<hbm>> -> memref<200xi32, #tpu.memory_space<hbm>>
        tpu.enqueue_dma source(%dma_start3A_30 : memref<200xi32, #tpu.memory_space<hbm>>) target(%arg9 : memref<200xi32, #tpu.memory_space<vmem>>) target_semaphore(%run_scoped3A : memref<!tpu.dma_semaphore, #tpu.memory_space<semaphore_mem>>)
        %dma_wait3A_31 = tpu.memref_slice %arg5[%add3A_17] : memref<160000xi32, #tpu.memory_space<hbm>> -> memref<200xi32, #tpu.memory_space<hbm>>
        %dma_wait3A_32 = tpu.memref_slice %arg5[%add3A_17] : memref<160000xi32, #tpu.memory_space<hbm>> -> memref<200xi32, #tpu.memory_space<hbm>>
        tpu.wait_dma2 semaphore(%run_scoped3A : memref<!tpu.dma_semaphore, #tpu.memory_space<semaphore_mem>>) src(%dma_wait3A_32 : memref<200xi32, #tpu.memory_space<hbm>>) dst(%arg9 : memref<200xi32, #tpu.memory_space<vmem>>)
        tpu.yield
      }) : () -> ()
      %dma_start3A = arith.constant 0 : i32
      %dma_start3A_18 = arith.constant 0 : i32
      %dma_start3A_19 = tpu.memref_slice %arg2[%dma_start3A, %dma_start3A_18] : memref<10240x128xi32, #tpu.memory_space<hbm>> -> memref<10240x128xi32, #tpu.memory_space<hbm>>
      tpu.enqueue_indirect_dma source(%dma_start3A_19 : memref<10240x128xi32, #tpu.memory_space<hbm>>) target(%arg10 : memref<200x128xi32, #tpu.memory_space<vmem>>) offsets(%arg8 : memref<200xi32, #tpu.memory_space<vmem>>) semaphore(%arg12 : memref<!tpu.dma_semaphore, #tpu.memory_space<semaphore_mem>>)
      %dma_start3A_20 = arith.constant 0 : i32
      %dma_start3A_21 = arith.constant 0 : i32
      %dma_start3A_22 = tpu.memref_slice %arg3[%dma_start3A_20, %dma_start3A_21] : memref<10240x256xi32, #tpu.memory_space<hbm>> -> memref<10240x256xi32, #tpu.memory_space<hbm>>
      tpu.enqueue_indirect_dma source(%dma_start3A_22 : memref<10240x256xi32, #tpu.memory_space<hbm>>) target(%arg11 : memref<200x256xi32, #tpu.memory_space<vmem>>) offsets(%arg9 : memref<200xi32, #tpu.memory_space<vmem>>) semaphore(%arg12 : memref<!tpu.dma_semaphore, #tpu.memory_space<semaphore_mem>>)
      %dma_wait3A = arith.constant 0 : i32
      %dma_wait3A_23 = arith.constant 0 : i32
      %dma_wait3A_24 = tpu.memref_slice %arg2[%dma_wait3A, %dma_wait3A_23] : memref<10240x128xi32, #tpu.memory_space<hbm>> -> memref<10240x128xi32, #tpu.memory_space<hbm>>
      tpu.wait_indirect_dma semaphore(%arg12 : memref<!tpu.dma_semaphore, #tpu.memory_space<semaphore_mem>>) src(%dma_wait3A_24 : memref<10240x128xi32, #tpu.memory_space<hbm>>) dst(%arg10 : memref<200x128xi32, #tpu.memory_space<vmem>>)
      %dma_wait3A_25 = arith.constant 0 : i32
      %dma_wait3A_26 = arith.constant 0 : i32
      %dma_wait3A_27 = tpu.memref_slice %arg3[%dma_wait3A_25, %dma_wait3A_26] : memref<10240x256xi32, #tpu.memory_space<hbm>> -> memref<10240x256xi32, #tpu.memory_space<hbm>>
      tpu.wait_indirect_dma semaphore(%arg12 : memref<!tpu.dma_semaphore, #tpu.memory_space<semaphore_mem>>) src(%dma_wait3A_27 : memref<10240x256xi32, #tpu.memory_space<hbm>>) dst(%arg11 : memref<200x256xi32, #tpu.memory_space<vmem>>)
      "tpu.region"() ({
        %run_scoped3A = tpu.sem_alloc : memref<!tpu.dma_semaphore, #tpu.memory_space<semaphore_mem>>
        %dma_start3A_29 = arith.constant 0 : i32
        %dma_start3A_30 = tpu.memref_slice %arg6[%add3A_13, %dma_start3A_29] : memref<83200x128xi32, #tpu.memory_space<hbm>> -> memref<200x128xi32, #tpu.memory_space<hbm>>
        %dma_start3A_31 = arith.constant 0 : i32
        %dma_start3A_32 = tpu.memref_slice %arg6[%add3A_13, %dma_start3A_31] : memref<83200x128xi32, #tpu.memory_space<hbm>> -> memref<200x128xi32, #tpu.memory_space<hbm>>
        tpu.enqueue_dma source(%arg10 : memref<200x128xi32, #tpu.memory_space<vmem>>) target(%dma_start3A_32 : memref<200x128xi32, #tpu.memory_space<hbm>>) target_semaphore(%run_scoped3A : memref<!tpu.dma_semaphore, #tpu.memory_space<semaphore_mem>>)
        %dma_wait3A_33 = arith.constant 0 : i32
        %dma_wait3A_34 = tpu.memref_slice %arg6[%add3A_13, %dma_wait3A_33] : memref<83200x128xi32, #tpu.memory_space<hbm>> -> memref<200x128xi32, #tpu.memory_space<hbm>>
        %dma_wait3A_35 = arith.constant 0 : i32
        %dma_wait3A_36 = tpu.memref_slice %arg6[%add3A_13, %dma_wait3A_35] : memref<83200x128xi32, #tpu.memory_space<hbm>> -> memref<200x128xi32, #tpu.memory_space<hbm>>
        tpu.wait_dma2 semaphore(%run_scoped3A : memref<!tpu.dma_semaphore, #tpu.memory_space<semaphore_mem>>) src(%arg10 : memref<200x128xi32, #tpu.memory_space<vmem>>) dst(%dma_wait3A_36 : memref<200x128xi32, #tpu.memory_space<hbm>>)
        tpu.yield
      }) : () -> ()
      "tpu.region"() ({
        %run_scoped3A = tpu.sem_alloc : memref<!tpu.dma_semaphore, #tpu.memory_space<semaphore_mem>>
        %dma_start3A_29 = arith.constant 0 : i32
        %dma_start3A_30 = tpu.memref_slice %arg7[%add3A_13, %dma_start3A_29] : memref<83200x256xi32, #tpu.memory_space<hbm>> -> memref<200x256xi32, #tpu.memory_space<hbm>>
        %dma_start3A_31 = arith.constant 0 : i32
        %dma_start3A_32 = tpu.memref_slice %arg7[%add3A_13, %dma_start3A_31] : memref<83200x256xi32, #tpu.memory_space<hbm>> -> memref<200x256xi32, #tpu.memory_space<hbm>>
        tpu.enqueue_dma source(%arg11 : memref<200x256xi32, #tpu.memory_space<vmem>>) target(%dma_start3A_32 : memref<200x256xi32, #tpu.memory_space<hbm>>) target_semaphore(%run_scoped3A : memref<!tpu.dma_semaphore, #tpu.memory_space<semaphore_mem>>)
        %dma_wait3A_33 = arith.constant 0 : i32
        %dma_wait3A_34 = tpu.memref_slice %arg7[%add3A_13, %dma_wait3A_33] : memref<83200x256xi32, #tpu.memory_space<hbm>> -> memref<200x256xi32, #tpu.memory_space<hbm>>
        %dma_wait3A_35 = arith.constant 0 : i32
        %dma_wait3A_36 = tpu.memref_slice %arg7[%add3A_13, %dma_wait3A_35] : memref<83200x256xi32, #tpu.memory_space<hbm>> -> memref<200x256xi32, #tpu.memory_space<hbm>>
        tpu.wait_dma2 semaphore(%run_scoped3A : memref<!tpu.dma_semaphore, #tpu.memory_space<semaphore_mem>>) src(%arg11 : memref<200x256xi32, #tpu.memory_space<vmem>>) dst(%dma_wait3A_36 : memref<200x256xi32, #tpu.memory_space<hbm>>)
        tpu.yield
      }) : () -> ()
      %scan3A_28 = arith.constant 0 : i32
      scf.yield %scan3A_28 : i32
    }
    %scan3A_8 = arith.constant 13 : i32
    return
  }
}

#map = affine_map<(d0, d1) -> (0, 0)>
#map1 = affine_map<(d0, d1) -> (0)>
module attributes {stable_mosaic.version = 14 : i64} {
  func.func @body(%arg0: i32, %arg1: i32, %arg2: memref<83200x128xf32, #tpu.memory_space<hbm>>, %arg3: memref<160000xi32, #tpu.memory_space<hbm>>, %arg4: memref<10240x128xf32, #tpu.memory_space<hbm>>, %arg5: memref<20480x128xf32, #tpu.memory_space<hbm>>, %arg6: memref<200xi32, #tpu.memory_space<vmem>>, %arg7: memref<200x128xf32, #tpu.memory_space<vmem>>, %arg8: memref<10240x128xf32, #tpu.memory_space<vmem_shared>>) attributes {dimension_semantics = [#tpu.dimension_semantics<core_parallel>, #tpu.dimension_semantics<subcore_parallel>], iteration_bounds = array<i64: 2, 16>, scalar_prefetch = 0 : i64, scratch_operands = 3 : i64, tpu.core_type = #tpu.core_type<sc_vector_subcore>, window_params = [{transform_indices = #map}, {transform_indices = #map1}, {transform_indices = #map}, {transform_indices = #map}]} {
    %mul3A = arith.constant 2 : i32
    %mul3A_0 = arith.muli %arg1, %mul3A : i32
    %add3A = arith.addi %mul3A_0, %arg0 : i32
    %mul3A_1 = arith.constant 640 : i32
    %mul3A_2 = arith.muli %arg1, %mul3A_1 : i32
    %mul3A_3 = arith.constant 640 : i32
    %mul3A_4 = arith.muli %arg1, %mul3A_3 : i32
    "tpu.region"() ({
      %run_scoped3A = tpu.sem_alloc : memref<!tpu.dma_semaphore, #tpu.memory_space<semaphore_mem>>
      %dma_start3A = arith.constant 0 : i32
      %dma_start3A_21 = tpu.memref_slice %arg8[%mul3A_4, %dma_start3A] : memref<10240x128xf32, #tpu.memory_space<vmem_shared>> -> memref<640x128xf32, #tpu.memory_space<vmem_shared>>
      %dma_start3A_22 = arith.constant 0 : i32
      %dma_start3A_23 = tpu.memref_slice %arg4[%mul3A_2, %dma_start3A_22] : memref<10240x128xf32, #tpu.memory_space<hbm>> -> memref<640x128xf32, #tpu.memory_space<hbm>>
      tpu.enqueue_dma source(%dma_start3A_23 : memref<640x128xf32, #tpu.memory_space<hbm>>) target(%dma_start3A_21 : memref<640x128xf32, #tpu.memory_space<vmem_shared>>) target_semaphore(%run_scoped3A : memref<!tpu.dma_semaphore, #tpu.memory_space<semaphore_mem>>)
      %dma_wait3A = arith.constant 0 : i32
      %dma_wait3A_24 = tpu.memref_slice %arg8[%mul3A_4, %dma_wait3A] : memref<10240x128xf32, #tpu.memory_space<vmem_shared>> -> memref<640x128xf32, #tpu.memory_space<vmem_shared>>
      %dma_wait3A_25 = arith.constant 0 : i32
      %dma_wait3A_26 = tpu.memref_slice %arg4[%mul3A_2, %dma_wait3A_25] : memref<10240x128xf32, #tpu.memory_space<hbm>> -> memref<640x128xf32, #tpu.memory_space<hbm>>
      tpu.wait_dma2 semaphore(%run_scoped3A : memref<!tpu.dma_semaphore, #tpu.memory_space<semaphore_mem>>) src(%dma_wait3A_26 : memref<640x128xf32, #tpu.memory_space<hbm>>) dst(%dma_wait3A_24 : memref<640x128xf32, #tpu.memory_space<vmem_shared>>)
      tpu.yield
    }) : () -> ()
    %barrier3A = arith.constant 0 : index
    tpu.barrier barrier_id(%barrier3A)
    %mul3A_5 = arith.constant 2600 : i32
    %mul3A_6 = arith.muli %add3A, %mul3A_5 : i32
    %scan3A = arith.constant 0 : i32
    %scan3A_7 = arith.constant 0 : i32
    %scan3A_8 = arith.constant 13 : i32
    %scan3A_9 = arith.addi %scan3A_7, %scan3A_8 : i32
    %scan3A_10 = arith.constant 1 : i32
    %scan3A_11 = scf.for %scan3A_21 = %scan3A_7 to %scan3A_9 step %scan3A_10 iter_args(%scan3A_22 = %scan3A) -> (i32)  : i32 {
      %mul3A_23 = arith.constant 200 : i32
      %mul3A_24 = arith.muli %scan3A_21, %mul3A_23 : i32
      %add3A_25 = arith.addi %mul3A_6, %mul3A_24 : i32
      %add3A_26 = arith.constant 76800 : i32
      %add3A_27 = arith.addi %add3A_26, %add3A_25 : i32
      "tpu.region"() ({
        %run_scoped3A = tpu.sem_alloc : memref<!tpu.dma_semaphore, #tpu.memory_space<semaphore_mem>>
        %dma_start3A = tpu.memref_slice %arg3[%add3A_27] : memref<160000xi32, #tpu.memory_space<hbm>> -> memref<200xi32, #tpu.memory_space<hbm>>
        %dma_start3A_29 = tpu.memref_slice %arg3[%add3A_27] : memref<160000xi32, #tpu.memory_space<hbm>> -> memref<200xi32, #tpu.memory_space<hbm>>
        tpu.enqueue_dma source(%dma_start3A_29 : memref<200xi32, #tpu.memory_space<hbm>>) target(%arg6 : memref<200xi32, #tpu.memory_space<vmem>>) target_semaphore(%run_scoped3A : memref<!tpu.dma_semaphore, #tpu.memory_space<semaphore_mem>>)
        %dma_wait3A = tpu.memref_slice %arg3[%add3A_27] : memref<160000xi32, #tpu.memory_space<hbm>> -> memref<200xi32, #tpu.memory_space<hbm>>
        %dma_wait3A_30 = tpu.memref_slice %arg3[%add3A_27] : memref<160000xi32, #tpu.memory_space<hbm>> -> memref<200xi32, #tpu.memory_space<hbm>>
        tpu.wait_dma2 semaphore(%run_scoped3A : memref<!tpu.dma_semaphore, #tpu.memory_space<semaphore_mem>>) src(%dma_wait3A_30 : memref<200xi32, #tpu.memory_space<hbm>>) dst(%arg6 : memref<200xi32, #tpu.memory_space<vmem>>)
        tpu.yield
      }) : () -> ()
      "tpu.region"() ({
        %run_scoped3A = tpu.sem_alloc : memref<!tpu.dma_semaphore, #tpu.memory_space<semaphore_mem>>
        %dma_start3A = arith.constant 0 : i32
        %dma_start3A_29 = tpu.memref_slice %arg2[%add3A_25, %dma_start3A] : memref<83200x128xf32, #tpu.memory_space<hbm>> -> memref<200x128xf32, #tpu.memory_space<hbm>>
        %dma_start3A_30 = arith.constant 0 : i32
        %dma_start3A_31 = tpu.memref_slice %arg2[%add3A_25, %dma_start3A_30] : memref<83200x128xf32, #tpu.memory_space<hbm>> -> memref<200x128xf32, #tpu.memory_space<hbm>>
        tpu.enqueue_dma source(%dma_start3A_31 : memref<200x128xf32, #tpu.memory_space<hbm>>) target(%arg7 : memref<200x128xf32, #tpu.memory_space<vmem>>) target_semaphore(%run_scoped3A : memref<!tpu.dma_semaphore, #tpu.memory_space<semaphore_mem>>)
        %dma_wait3A = arith.constant 0 : i32
        %dma_wait3A_32 = tpu.memref_slice %arg2[%add3A_25, %dma_wait3A] : memref<83200x128xf32, #tpu.memory_space<hbm>> -> memref<200x128xf32, #tpu.memory_space<hbm>>
        %dma_wait3A_33 = arith.constant 0 : i32
        %dma_wait3A_34 = tpu.memref_slice %arg2[%add3A_25, %dma_wait3A_33] : memref<83200x128xf32, #tpu.memory_space<hbm>> -> memref<200x128xf32, #tpu.memory_space<hbm>>
        tpu.wait_dma2 semaphore(%run_scoped3A : memref<!tpu.dma_semaphore, #tpu.memory_space<semaphore_mem>>) src(%dma_wait3A_34 : memref<200x128xf32, #tpu.memory_space<hbm>>) dst(%arg7 : memref<200x128xf32, #tpu.memory_space<vmem>>)
        tpu.yield
      }) : () -> ()
      "tpu.region"() ({
        %run_scoped3A = tpu.sem_alloc : memref<!tpu.dma_semaphore, #tpu.memory_space<semaphore_mem>>
        %dma_start3A = arith.constant 0 : i32
        %dma_start3A_29 = arith.constant 0 : i32
        %dma_start3A_30 = tpu.memref_slice %arg8[%dma_start3A, %dma_start3A_29] : memref<10240x128xf32, #tpu.memory_space<vmem_shared>> -> memref<10240x128xf32, #tpu.memory_space<vmem_shared>>
        tpu.enqueue_indirect_dma source(%arg7 : memref<200x128xf32, #tpu.memory_space<vmem>>) target(%dma_start3A_30 : memref<10240x128xf32, #tpu.memory_space<vmem_shared>>) offsets(%arg6 : memref<200xi32, #tpu.memory_space<vmem>>) semaphore(%run_scoped3A : memref<!tpu.dma_semaphore, #tpu.memory_space<semaphore_mem>>) {add = true}
        %dma_wait3A = arith.constant 0 : i32
        %dma_wait3A_31 = arith.constant 0 : i32
        %dma_wait3A_32 = tpu.memref_slice %arg8[%dma_wait3A, %dma_wait3A_31] : memref<10240x128xf32, #tpu.memory_space<vmem_shared>> -> memref<10240x128xf32, #tpu.memory_space<vmem_shared>>
        tpu.wait_indirect_dma semaphore(%run_scoped3A : memref<!tpu.dma_semaphore, #tpu.memory_space<semaphore_mem>>) src(%arg7 : memref<200x128xf32, #tpu.memory_space<vmem>>) dst(%dma_wait3A_32 : memref<10240x128xf32, #tpu.memory_space<vmem_shared>>)
        tpu.yield
      }) : () -> ()
      %scan3A_28 = arith.constant 0 : i32
      scf.yield %scan3A_28 : i32
    }
    %scan3A_12 = arith.constant 13 : i32
    %barrier3A_13 = arith.constant 0 : index
    tpu.barrier barrier_id(%barrier3A_13)
    %mul3A_14 = arith.constant 640 : i32
    %mul3A_15 = arith.muli %arg1, %mul3A_14 : i32
    %mul3A_16 = arith.constant 10240 : i32
    %mul3A_17 = arith.muli %arg0, %mul3A_16 : i32
    %mul3A_18 = arith.constant 640 : i32
    %mul3A_19 = arith.muli %arg1, %mul3A_18 : i32
    %add3A_20 = arith.addi %mul3A_17, %mul3A_19 : i32
    "tpu.region"() ({
      %run_scoped3A = tpu.sem_alloc : memref<!tpu.dma_semaphore, #tpu.memory_space<semaphore_mem>>
      %dma_start3A = arith.constant 0 : i32
      %dma_start3A_21 = tpu.memref_slice %arg5[%add3A_20, %dma_start3A] : memref<20480x128xf32, #tpu.memory_space<hbm>> -> memref<640x128xf32, #tpu.memory_space<hbm>>
      %dma_start3A_22 = arith.constant 0 : i32
      %dma_start3A_23 = tpu.memref_slice %arg8[%mul3A_15, %dma_start3A_22] : memref<10240x128xf32, #tpu.memory_space<vmem_shared>> -> memref<640x128xf32, #tpu.memory_space<vmem_shared>>
      tpu.enqueue_dma source(%dma_start3A_23 : memref<640x128xf32, #tpu.memory_space<vmem_shared>>) target(%dma_start3A_21 : memref<640x128xf32, #tpu.memory_space<hbm>>) target_semaphore(%run_scoped3A : memref<!tpu.dma_semaphore, #tpu.memory_space<semaphore_mem>>)
      %dma_wait3A = arith.constant 0 : i32
      %dma_wait3A_24 = tpu.memref_slice %arg5[%add3A_20, %dma_wait3A] : memref<20480x128xf32, #tpu.memory_space<hbm>> -> memref<640x128xf32, #tpu.memory_space<hbm>>
      %dma_wait3A_25 = arith.constant 0 : i32
      %dma_wait3A_26 = tpu.memref_slice %arg8[%mul3A_15, %dma_wait3A_25] : memref<10240x128xf32, #tpu.memory_space<vmem_shared>> -> memref<640x128xf32, #tpu.memory_space<vmem_shared>>
      tpu.wait_dma2 semaphore(%run_scoped3A : memref<!tpu.dma_semaphore, #tpu.memory_space<semaphore_mem>>) src(%dma_wait3A_26 : memref<640x128xf32, #tpu.memory_space<vmem_shared>>) dst(%dma_wait3A_24 : memref<640x128xf32, #tpu.memory_space<hbm>>)
      tpu.yield
    }) : () -> ()
    return
  }
}

#map = affine_map<(d0, d1) -> (0, 0)>
#map1 = affine_map<(d0, d1) -> (0)>
module attributes {stable_mosaic.version = 14 : i64} {
  func.func @body(%arg0: i32, %arg1: i32, %arg2: memref<76800x128xf32, #tpu.memory_space<hbm>>, %arg3: memref<160000xi32, #tpu.memory_space<hbm>>, %arg4: memref<10240x128xf32, #tpu.memory_space<hbm>>, %arg5: memref<20480x128xf32, #tpu.memory_space<hbm>>, %arg6: memref<200xi32, #tpu.memory_space<vmem>>, %arg7: memref<200x128xf32, #tpu.memory_space<vmem>>, %arg8: memref<10240x128xf32, #tpu.memory_space<vmem_shared>>) attributes {dimension_semantics = [#tpu.dimension_semantics<core_parallel>, #tpu.dimension_semantics<subcore_parallel>], iteration_bounds = array<i64: 2, 16>, scalar_prefetch = 0 : i64, scratch_operands = 3 : i64, tpu.core_type = #tpu.core_type<sc_vector_subcore>, window_params = [{transform_indices = #map}, {transform_indices = #map1}, {transform_indices = #map}, {transform_indices = #map}]} {
    %mul3A = arith.constant 2 : i32
    %mul3A_0 = arith.muli %arg1, %mul3A : i32
    %add3A = arith.addi %mul3A_0, %arg0 : i32
    %mul3A_1 = arith.constant 640 : i32
    %mul3A_2 = arith.muli %arg1, %mul3A_1 : i32
    %mul3A_3 = arith.constant 640 : i32
    %mul3A_4 = arith.muli %arg1, %mul3A_3 : i32
    "tpu.region"() ({
      %run_scoped3A = tpu.sem_alloc : memref<!tpu.dma_semaphore, #tpu.memory_space<semaphore_mem>>
      %dma_start3A = arith.constant 0 : i32
      %dma_start3A_21 = tpu.memref_slice %arg8[%mul3A_4, %dma_start3A] : memref<10240x128xf32, #tpu.memory_space<vmem_shared>> -> memref<640x128xf32, #tpu.memory_space<vmem_shared>>
      %dma_start3A_22 = arith.constant 0 : i32
      %dma_start3A_23 = tpu.memref_slice %arg4[%mul3A_2, %dma_start3A_22] : memref<10240x128xf32, #tpu.memory_space<hbm>> -> memref<640x128xf32, #tpu.memory_space<hbm>>
      tpu.enqueue_dma source(%dma_start3A_23 : memref<640x128xf32, #tpu.memory_space<hbm>>) target(%dma_start3A_21 : memref<640x128xf32, #tpu.memory_space<vmem_shared>>) target_semaphore(%run_scoped3A : memref<!tpu.dma_semaphore, #tpu.memory_space<semaphore_mem>>)
      %dma_wait3A = arith.constant 0 : i32
      %dma_wait3A_24 = tpu.memref_slice %arg8[%mul3A_4, %dma_wait3A] : memref<10240x128xf32, #tpu.memory_space<vmem_shared>> -> memref<640x128xf32, #tpu.memory_space<vmem_shared>>
      %dma_wait3A_25 = arith.constant 0 : i32
      %dma_wait3A_26 = tpu.memref_slice %arg4[%mul3A_2, %dma_wait3A_25] : memref<10240x128xf32, #tpu.memory_space<hbm>> -> memref<640x128xf32, #tpu.memory_space<hbm>>
      tpu.wait_dma2 semaphore(%run_scoped3A : memref<!tpu.dma_semaphore, #tpu.memory_space<semaphore_mem>>) src(%dma_wait3A_26 : memref<640x128xf32, #tpu.memory_space<hbm>>) dst(%dma_wait3A_24 : memref<640x128xf32, #tpu.memory_space<vmem_shared>>)
      tpu.yield
    }) : () -> ()
    %barrier3A = arith.constant 0 : index
    tpu.barrier barrier_id(%barrier3A)
    %mul3A_5 = arith.constant 2400 : i32
    %mul3A_6 = arith.muli %add3A, %mul3A_5 : i32
    %scan3A = arith.constant 0 : i32
    %scan3A_7 = arith.constant 0 : i32
    %scan3A_8 = arith.constant 12 : i32
    %scan3A_9 = arith.addi %scan3A_7, %scan3A_8 : i32
    %scan3A_10 = arith.constant 1 : i32
    %scan3A_11 = scf.for %scan3A_21 = %scan3A_7 to %scan3A_9 step %scan3A_10 iter_args(%scan3A_22 = %scan3A) -> (i32)  : i32 {
      %mul3A_23 = arith.constant 200 : i32
      %mul3A_24 = arith.muli %scan3A_21, %mul3A_23 : i32
      %add3A_25 = arith.addi %mul3A_6, %mul3A_24 : i32
      %add3A_26 = arith.constant 0 : i32
      %add3A_27 = arith.addi %add3A_26, %add3A_25 : i32
      "tpu.region"() ({
        %run_scoped3A = tpu.sem_alloc : memref<!tpu.dma_semaphore, #tpu.memory_space<semaphore_mem>>
        %dma_start3A = tpu.memref_slice %arg3[%add3A_27] : memref<160000xi32, #tpu.memory_space<hbm>> -> memref<200xi32, #tpu.memory_space<hbm>>
        %dma_start3A_29 = tpu.memref_slice %arg3[%add3A_27] : memref<160000xi32, #tpu.memory_space<hbm>> -> memref<200xi32, #tpu.memory_space<hbm>>
        tpu.enqueue_dma source(%dma_start3A_29 : memref<200xi32, #tpu.memory_space<hbm>>) target(%arg6 : memref<200xi32, #tpu.memory_space<vmem>>) target_semaphore(%run_scoped3A : memref<!tpu.dma_semaphore, #tpu.memory_space<semaphore_mem>>)
        %dma_wait3A = tpu.memref_slice %arg3[%add3A_27] : memref<160000xi32, #tpu.memory_space<hbm>> -> memref<200xi32, #tpu.memory_space<hbm>>
        %dma_wait3A_30 = tpu.memref_slice %arg3[%add3A_27] : memref<160000xi32, #tpu.memory_space<hbm>> -> memref<200xi32, #tpu.memory_space<hbm>>
        tpu.wait_dma2 semaphore(%run_scoped3A : memref<!tpu.dma_semaphore, #tpu.memory_space<semaphore_mem>>) src(%dma_wait3A_30 : memref<200xi32, #tpu.memory_space<hbm>>) dst(%arg6 : memref<200xi32, #tpu.memory_space<vmem>>)
        tpu.yield
      }) : () -> ()
      "tpu.region"() ({
        %run_scoped3A = tpu.sem_alloc : memref<!tpu.dma_semaphore, #tpu.memory_space<semaphore_mem>>
        %dma_start3A = arith.constant 0 : i32
        %dma_start3A_29 = tpu.memref_slice %arg2[%add3A_25, %dma_start3A] : memref<76800x128xf32, #tpu.memory_space<hbm>> -> memref<200x128xf32, #tpu.memory_space<hbm>>
        %dma_start3A_30 = arith.constant 0 : i32
        %dma_start3A_31 = tpu.memref_slice %arg2[%add3A_25, %dma_start3A_30] : memref<76800x128xf32, #tpu.memory_space<hbm>> -> memref<200x128xf32, #tpu.memory_space<hbm>>
        tpu.enqueue_dma source(%dma_start3A_31 : memref<200x128xf32, #tpu.memory_space<hbm>>) target(%arg7 : memref<200x128xf32, #tpu.memory_space<vmem>>) target_semaphore(%run_scoped3A : memref<!tpu.dma_semaphore, #tpu.memory_space<semaphore_mem>>)
        %dma_wait3A = arith.constant 0 : i32
        %dma_wait3A_32 = tpu.memref_slice %arg2[%add3A_25, %dma_wait3A] : memref<76800x128xf32, #tpu.memory_space<hbm>> -> memref<200x128xf32, #tpu.memory_space<hbm>>
        %dma_wait3A_33 = arith.constant 0 : i32
        %dma_wait3A_34 = tpu.memref_slice %arg2[%add3A_25, %dma_wait3A_33] : memref<76800x128xf32, #tpu.memory_space<hbm>> -> memref<200x128xf32, #tpu.memory_space<hbm>>
        tpu.wait_dma2 semaphore(%run_scoped3A : memref<!tpu.dma_semaphore, #tpu.memory_space<semaphore_mem>>) src(%dma_wait3A_34 : memref<200x128xf32, #tpu.memory_space<hbm>>) dst(%arg7 : memref<200x128xf32, #tpu.memory_space<vmem>>)
        tpu.yield
      }) : () -> ()
      "tpu.region"() ({
        %run_scoped3A = tpu.sem_alloc : memref<!tpu.dma_semaphore, #tpu.memory_space<semaphore_mem>>
        %dma_start3A = arith.constant 0 : i32
        %dma_start3A_29 = arith.constant 0 : i32
        %dma_start3A_30 = tpu.memref_slice %arg8[%dma_start3A, %dma_start3A_29] : memref<10240x128xf32, #tpu.memory_space<vmem_shared>> -> memref<10240x128xf32, #tpu.memory_space<vmem_shared>>
        tpu.enqueue_indirect_dma source(%arg7 : memref<200x128xf32, #tpu.memory_space<vmem>>) target(%dma_start3A_30 : memref<10240x128xf32, #tpu.memory_space<vmem_shared>>) offsets(%arg6 : memref<200xi32, #tpu.memory_space<vmem>>) semaphore(%run_scoped3A : memref<!tpu.dma_semaphore, #tpu.memory_space<semaphore_mem>>) {add = true}
        %dma_wait3A = arith.constant 0 : i32
        %dma_wait3A_31 = arith.constant 0 : i32
        %dma_wait3A_32 = tpu.memref_slice %arg8[%dma_wait3A, %dma_wait3A_31] : memref<10240x128xf32, #tpu.memory_space<vmem_shared>> -> memref<10240x128xf32, #tpu.memory_space<vmem_shared>>
        tpu.wait_indirect_dma semaphore(%run_scoped3A : memref<!tpu.dma_semaphore, #tpu.memory_space<semaphore_mem>>) src(%arg7 : memref<200x128xf32, #tpu.memory_space<vmem>>) dst(%dma_wait3A_32 : memref<10240x128xf32, #tpu.memory_space<vmem_shared>>)
        tpu.yield
      }) : () -> ()
      %scan3A_28 = arith.constant 0 : i32
      scf.yield %scan3A_28 : i32
    }
    %scan3A_12 = arith.constant 12 : i32
    %barrier3A_13 = arith.constant 0 : index
    tpu.barrier barrier_id(%barrier3A_13)
    %mul3A_14 = arith.constant 640 : i32
    %mul3A_15 = arith.muli %arg1, %mul3A_14 : i32
    %mul3A_16 = arith.constant 10240 : i32
    %mul3A_17 = arith.muli %arg0, %mul3A_16 : i32
    %mul3A_18 = arith.constant 640 : i32
    %mul3A_19 = arith.muli %arg1, %mul3A_18 : i32
    %add3A_20 = arith.addi %mul3A_17, %mul3A_19 : i32
    "tpu.region"() ({
      %run_scoped3A = tpu.sem_alloc : memref<!tpu.dma_semaphore, #tpu.memory_space<semaphore_mem>>
      %dma_start3A = arith.constant 0 : i32
      %dma_start3A_21 = tpu.memref_slice %arg5[%add3A_20, %dma_start3A] : memref<20480x128xf32, #tpu.memory_space<hbm>> -> memref<640x128xf32, #tpu.memory_space<hbm>>
      %dma_start3A_22 = arith.constant 0 : i32
      %dma_start3A_23 = tpu.memref_slice %arg8[%mul3A_15, %dma_start3A_22] : memref<10240x128xf32, #tpu.memory_space<vmem_shared>> -> memref<640x128xf32, #tpu.memory_space<vmem_shared>>
      tpu.enqueue_dma source(%dma_start3A_23 : memref<640x128xf32, #tpu.memory_space<vmem_shared>>) target(%dma_start3A_21 : memref<640x128xf32, #tpu.memory_space<hbm>>) target_semaphore(%run_scoped3A : memref<!tpu.dma_semaphore, #tpu.memory_space<semaphore_mem>>)
      %dma_wait3A = arith.constant 0 : i32
      %dma_wait3A_24 = tpu.memref_slice %arg5[%add3A_20, %dma_wait3A] : memref<20480x128xf32, #tpu.memory_space<hbm>> -> memref<640x128xf32, #tpu.memory_space<hbm>>
      %dma_wait3A_25 = arith.constant 0 : i32
      %dma_wait3A_26 = tpu.memref_slice %arg8[%mul3A_15, %dma_wait3A_25] : memref<10240x128xf32, #tpu.memory_space<vmem_shared>> -> memref<640x128xf32, #tpu.memory_space<vmem_shared>>
      tpu.wait_dma2 semaphore(%run_scoped3A : memref<!tpu.dma_semaphore, #tpu.memory_space<semaphore_mem>>) src(%dma_wait3A_26 : memref<640x128xf32, #tpu.memory_space<vmem_shared>>) dst(%dma_wait3A_24 : memref<640x128xf32, #tpu.memory_space<hbm>>)
      tpu.yield
    }) : () -> ()
    return
  }
}

#map = affine_map<(d0, d1) -> (0, 0)>
#map1 = affine_map<(d0, d1) -> (0)>
module attributes {stable_mosaic.version = 14 : i64} {
  func.func @body(%arg0: i32, %arg1: i32, %arg2: memref<10240x128xi32, #tpu.memory_space<hbm>>, %arg3: memref<10240x256xi32, #tpu.memory_space<hbm>>, %arg4: memref<160000xi32, #tpu.memory_space<hbm>>, %arg5: memref<160000xi32, #tpu.memory_space<hbm>>, %arg6: memref<76800x128xi32, #tpu.memory_space<hbm>>, %arg7: memref<76800x256xi32, #tpu.memory_space<hbm>>, %arg8: memref<200xi32, #tpu.memory_space<vmem>>, %arg9: memref<200xi32, #tpu.memory_space<vmem>>, %arg10: memref<200x128xi32, #tpu.memory_space<vmem>>, %arg11: memref<200x256xi32, #tpu.memory_space<vmem>>, %arg12: memref<!tpu.dma_semaphore, #tpu.memory_space<semaphore_mem>>) attributes {dimension_semantics = [#tpu.dimension_semantics<core_parallel>, #tpu.dimension_semantics<subcore_parallel>], iteration_bounds = array<i64: 2, 16>, scalar_prefetch = 0 : i64, scratch_operands = 5 : i64, tpu.core_type = #tpu.core_type<sc_vector_subcore>, window_params = [{transform_indices = #map}, {transform_indices = #map}, {transform_indices = #map1}, {transform_indices = #map1}, {transform_indices = #map}, {transform_indices = #map}]} {
    %mul3A = arith.constant 2 : i32
    %mul3A_0 = arith.muli %arg1, %mul3A : i32
    %add3A = arith.addi %mul3A_0, %arg0 : i32
    %mul3A_1 = arith.constant 2400 : i32
    %mul3A_2 = arith.muli %add3A, %mul3A_1 : i32
    %scan3A = arith.constant 0 : i32
    %scan3A_3 = arith.constant 0 : i32
    %scan3A_4 = arith.constant 12 : i32
    %scan3A_5 = arith.addi %scan3A_3, %scan3A_4 : i32
    %scan3A_6 = arith.constant 1 : i32
    %scan3A_7 = scf.for %scan3A_9 = %scan3A_3 to %scan3A_5 step %scan3A_6 iter_args(%scan3A_10 = %scan3A) -> (i32)  : i32 {
      %mul3A_11 = arith.constant 200 : i32
      %mul3A_12 = arith.muli %scan3A_9, %mul3A_11 : i32
      %add3A_13 = arith.addi %mul3A_2, %mul3A_12 : i32
      %add3A_14 = arith.constant 0 : i32
      %add3A_15 = arith.addi %add3A_14, %add3A_13 : i32
      "tpu.region"() ({
        %run_scoped3A = tpu.sem_alloc : memref<!tpu.dma_semaphore, #tpu.memory_space<semaphore_mem>>
        %dma_start3A_29 = tpu.memref_slice %arg4[%add3A_15] : memref<160000xi32, #tpu.memory_space<hbm>> -> memref<200xi32, #tpu.memory_space<hbm>>
        %dma_start3A_30 = tpu.memref_slice %arg4[%add3A_15] : memref<160000xi32, #tpu.memory_space<hbm>> -> memref<200xi32, #tpu.memory_space<hbm>>
        tpu.enqueue_dma source(%dma_start3A_30 : memref<200xi32, #tpu.memory_space<hbm>>) target(%arg8 : memref<200xi32, #tpu.memory_space<vmem>>) target_semaphore(%run_scoped3A : memref<!tpu.dma_semaphore, #tpu.memory_space<semaphore_mem>>)
        %dma_wait3A_31 = tpu.memref_slice %arg4[%add3A_15] : memref<160000xi32, #tpu.memory_space<hbm>> -> memref<200xi32, #tpu.memory_space<hbm>>
        %dma_wait3A_32 = tpu.memref_slice %arg4[%add3A_15] : memref<160000xi32, #tpu.memory_space<hbm>> -> memref<200xi32, #tpu.memory_space<hbm>>
        tpu.wait_dma2 semaphore(%run_scoped3A : memref<!tpu.dma_semaphore, #tpu.memory_space<semaphore_mem>>) src(%dma_wait3A_32 : memref<200xi32, #tpu.memory_space<hbm>>) dst(%arg8 : memref<200xi32, #tpu.memory_space<vmem>>)
        tpu.yield
      }) : () -> ()
      %add3A_16 = arith.constant 0 : i32
      %add3A_17 = arith.addi %add3A_16, %add3A_13 : i32
      "tpu.region"() ({
        %run_scoped3A = tpu.sem_alloc : memref<!tpu.dma_semaphore, #tpu.memory_space<semaphore_mem>>
        %dma_start3A_29 = tpu.memref_slice %arg5[%add3A_17] : memref<160000xi32, #tpu.memory_space<hbm>> -> memref<200xi32, #tpu.memory_space<hbm>>
        %dma_start3A_30 = tpu.memref_slice %arg5[%add3A_17] : memref<160000xi32, #tpu.memory_space<hbm>> -> memref<200xi32, #tpu.memory_space<hbm>>
        tpu.enqueue_dma source(%dma_start3A_30 : memref<200xi32, #tpu.memory_space<hbm>>) target(%arg9 : memref<200xi32, #tpu.memory_space<vmem>>) target_semaphore(%run_scoped3A : memref<!tpu.dma_semaphore, #tpu.memory_space<semaphore_mem>>)
        %dma_wait3A_31 = tpu.memref_slice %arg5[%add3A_17] : memref<160000xi32, #tpu.memory_space<hbm>> -> memref<200xi32, #tpu.memory_space<hbm>>
        %dma_wait3A_32 = tpu.memref_slice %arg5[%add3A_17] : memref<160000xi32, #tpu.memory_space<hbm>> -> memref<200xi32, #tpu.memory_space<hbm>>
        tpu.wait_dma2 semaphore(%run_scoped3A : memref<!tpu.dma_semaphore, #tpu.memory_space<semaphore_mem>>) src(%dma_wait3A_32 : memref<200xi32, #tpu.memory_space<hbm>>) dst(%arg9 : memref<200xi32, #tpu.memory_space<vmem>>)
        tpu.yield
      }) : () -> ()
      %dma_start3A = arith.constant 0 : i32
      %dma_start3A_18 = arith.constant 0 : i32
      %dma_start3A_19 = tpu.memref_slice %arg2[%dma_start3A, %dma_start3A_18] : memref<10240x128xi32, #tpu.memory_space<hbm>> -> memref<10240x128xi32, #tpu.memory_space<hbm>>
      tpu.enqueue_indirect_dma source(%dma_start3A_19 : memref<10240x128xi32, #tpu.memory_space<hbm>>) target(%arg10 : memref<200x128xi32, #tpu.memory_space<vmem>>) offsets(%arg8 : memref<200xi32, #tpu.memory_space<vmem>>) semaphore(%arg12 : memref<!tpu.dma_semaphore, #tpu.memory_space<semaphore_mem>>)
      %dma_start3A_20 = arith.constant 0 : i32
      %dma_start3A_21 = arith.constant 0 : i32
      %dma_start3A_22 = tpu.memref_slice %arg3[%dma_start3A_20, %dma_start3A_21] : memref<10240x256xi32, #tpu.memory_space<hbm>> -> memref<10240x256xi32, #tpu.memory_space<hbm>>
      tpu.enqueue_indirect_dma source(%dma_start3A_22 : memref<10240x256xi32, #tpu.memory_space<hbm>>) target(%arg11 : memref<200x256xi32, #tpu.memory_space<vmem>>) offsets(%arg9 : memref<200xi32, #tpu.memory_space<vmem>>) semaphore(%arg12 : memref<!tpu.dma_semaphore, #tpu.memory_space<semaphore_mem>>)
      %dma_wait3A = arith.constant 0 : i32
      %dma_wait3A_23 = arith.constant 0 : i32
      %dma_wait3A_24 = tpu.memref_slice %arg2[%dma_wait3A, %dma_wait3A_23] : memref<10240x128xi32, #tpu.memory_space<hbm>> -> memref<10240x128xi32, #tpu.memory_space<hbm>>
      tpu.wait_indirect_dma semaphore(%arg12 : memref<!tpu.dma_semaphore, #tpu.memory_space<semaphore_mem>>) src(%dma_wait3A_24 : memref<10240x128xi32, #tpu.memory_space<hbm>>) dst(%arg10 : memref<200x128xi32, #tpu.memory_space<vmem>>)
      %dma_wait3A_25 = arith.constant 0 : i32
      %dma_wait3A_26 = arith.constant 0 : i32
      %dma_wait3A_27 = tpu.memref_slice %arg3[%dma_wait3A_25, %dma_wait3A_26] : memref<10240x256xi32, #tpu.memory_space<hbm>> -> memref<10240x256xi32, #tpu.memory_space<hbm>>
      tpu.wait_indirect_dma semaphore(%arg12 : memref<!tpu.dma_semaphore, #tpu.memory_space<semaphore_mem>>) src(%dma_wait3A_27 : memref<10240x256xi32, #tpu.memory_space<hbm>>) dst(%arg11 : memref<200x256xi32, #tpu.memory_space<vmem>>)
      "tpu.region"() ({
        %run_scoped3A = tpu.sem_alloc : memref<!tpu.dma_semaphore, #tpu.memory_space<semaphore_mem>>
        %dma_start3A_29 = arith.constant 0 : i32
        %dma_start3A_30 = tpu.memref_slice %arg6[%add3A_13, %dma_start3A_29] : memref<76800x128xi32, #tpu.memory_space<hbm>> -> memref<200x128xi32, #tpu.memory_space<hbm>>
        %dma_start3A_31 = arith.constant 0 : i32
        %dma_start3A_32 = tpu.memref_slice %arg6[%add3A_13, %dma_start3A_31] : memref<76800x128xi32, #tpu.memory_space<hbm>> -> memref<200x128xi32, #tpu.memory_space<hbm>>
        tpu.enqueue_dma source(%arg10 : memref<200x128xi32, #tpu.memory_space<vmem>>) target(%dma_start3A_32 : memref<200x128xi32, #tpu.memory_space<hbm>>) target_semaphore(%run_scoped3A : memref<!tpu.dma_semaphore, #tpu.memory_space<semaphore_mem>>)
        %dma_wait3A_33 = arith.constant 0 : i32
        %dma_wait3A_34 = tpu.memref_slice %arg6[%add3A_13, %dma_wait3A_33] : memref<76800x128xi32, #tpu.memory_space<hbm>> -> memref<200x128xi32, #tpu.memory_space<hbm>>
        %dma_wait3A_35 = arith.constant 0 : i32
        %dma_wait3A_36 = tpu.memref_slice %arg6[%add3A_13, %dma_wait3A_35] : memref<76800x128xi32, #tpu.memory_space<hbm>> -> memref<200x128xi32, #tpu.memory_space<hbm>>
        tpu.wait_dma2 semaphore(%run_scoped3A : memref<!tpu.dma_semaphore, #tpu.memory_space<semaphore_mem>>) src(%arg10 : memref<200x128xi32, #tpu.memory_space<vmem>>) dst(%dma_wait3A_36 : memref<200x128xi32, #tpu.memory_space<hbm>>)
        tpu.yield
      }) : () -> ()
      "tpu.region"() ({
        %run_scoped3A = tpu.sem_alloc : memref<!tpu.dma_semaphore, #tpu.memory_space<semaphore_mem>>
        %dma_start3A_29 = arith.constant 0 : i32
        %dma_start3A_30 = tpu.memref_slice %arg7[%add3A_13, %dma_start3A_29] : memref<76800x256xi32, #tpu.memory_space<hbm>> -> memref<200x256xi32, #tpu.memory_space<hbm>>
        %dma_start3A_31 = arith.constant 0 : i32
        %dma_start3A_32 = tpu.memref_slice %arg7[%add3A_13, %dma_start3A_31] : memref<76800x256xi32, #tpu.memory_space<hbm>> -> memref<200x256xi32, #tpu.memory_space<hbm>>
        tpu.enqueue_dma source(%arg11 : memref<200x256xi32, #tpu.memory_space<vmem>>) target(%dma_start3A_32 : memref<200x256xi32, #tpu.memory_space<hbm>>) target_semaphore(%run_scoped3A : memref<!tpu.dma_semaphore, #tpu.memory_space<semaphore_mem>>)
        %dma_wait3A_33 = arith.constant 0 : i32
        %dma_wait3A_34 = tpu.memref_slice %arg7[%add3A_13, %dma_wait3A_33] : memref<76800x256xi32, #tpu.memory_space<hbm>> -> memref<200x256xi32, #tpu.memory_space<hbm>>
        %dma_wait3A_35 = arith.constant 0 : i32
        %dma_wait3A_36 = tpu.memref_slice %arg7[%add3A_13, %dma_wait3A_35] : memref<76800x256xi32, #tpu.memory_space<hbm>> -> memref<200x256xi32, #tpu.memory_space<hbm>>
        tpu.wait_dma2 semaphore(%run_scoped3A : memref<!tpu.dma_semaphore, #tpu.memory_space<semaphore_mem>>) src(%arg11 : memref<200x256xi32, #tpu.memory_space<vmem>>) dst(%dma_wait3A_36 : memref<200x256xi32, #tpu.memory_space<hbm>>)
        tpu.yield
      }) : () -> ()
      %scan3A_28 = arith.constant 0 : i32
      scf.yield %scan3A_28 : i32
    }
    %scan3A_8 = arith.constant 12 : i32
    return
  }
}

#map = affine_map<(d0, d1) -> (0, 0)>
#map1 = affine_map<(d0, d1) -> (0)>
module attributes {stable_mosaic.version = 14 : i64} {
  func.func @body(%arg0: i32, %arg1: i32, %arg2: memref<10240x128xi32, #tpu.memory_space<hbm>>, %arg3: memref<160000xi32, #tpu.memory_space<hbm>>, %arg4: memref<76800x128xi32, #tpu.memory_space<hbm>>, %arg5: memref<200xi32, #tpu.memory_space<vmem>>, %arg6: memref<200x128xi32, #tpu.memory_space<vmem>>, %arg7: memref<!tpu.dma_semaphore, #tpu.memory_space<semaphore_mem>>) attributes {dimension_semantics = [#tpu.dimension_semantics<core_parallel>, #tpu.dimension_semantics<subcore_parallel>], iteration_bounds = array<i64: 2, 16>, scalar_prefetch = 0 : i64, scratch_operands = 3 : i64, tpu.core_type = #tpu.core_type<sc_vector_subcore>, window_params = [{transform_indices = #map}, {transform_indices = #map1}, {transform_indices = #map}]} {
    %mul3A = arith.constant 2 : i32
    %mul3A_0 = arith.muli %arg1, %mul3A : i32
    %add3A = arith.addi %mul3A_0, %arg0 : i32
    %mul3A_1 = arith.constant 2400 : i32
    %mul3A_2 = arith.muli %add3A, %mul3A_1 : i32
    %scan3A = arith.constant 0 : i32
    %scan3A_3 = arith.constant 0 : i32
    %scan3A_4 = arith.constant 12 : i32
    %scan3A_5 = arith.addi %scan3A_3, %scan3A_4 : i32
    %scan3A_6 = arith.constant 1 : i32
    %scan3A_7 = scf.for %scan3A_9 = %scan3A_3 to %scan3A_5 step %scan3A_6 iter_args(%scan3A_10 = %scan3A) -> (i32)  : i32 {
      %mul3A_11 = arith.constant 200 : i32
      %mul3A_12 = arith.muli %scan3A_9, %mul3A_11 : i32
      %add3A_13 = arith.addi %mul3A_2, %mul3A_12 : i32
      %add3A_14 = arith.constant 0 : i32
      %add3A_15 = arith.addi %add3A_14, %add3A_13 : i32
      "tpu.region"() ({
        %run_scoped3A = tpu.sem_alloc : memref<!tpu.dma_semaphore, #tpu.memory_space<semaphore_mem>>
        %dma_start3A_21 = tpu.memref_slice %arg3[%add3A_15] : memref<160000xi32, #tpu.memory_space<hbm>> -> memref<200xi32, #tpu.memory_space<hbm>>
        %dma_start3A_22 = tpu.memref_slice %arg3[%add3A_15] : memref<160000xi32, #tpu.memory_space<hbm>> -> memref<200xi32, #tpu.memory_space<hbm>>
        tpu.enqueue_dma source(%dma_start3A_22 : memref<200xi32, #tpu.memory_space<hbm>>) target(%arg5 : memref<200xi32, #tpu.memory_space<vmem>>) target_semaphore(%run_scoped3A : memref<!tpu.dma_semaphore, #tpu.memory_space<semaphore_mem>>)
        %dma_wait3A_23 = tpu.memref_slice %arg3[%add3A_15] : memref<160000xi32, #tpu.memory_space<hbm>> -> memref<200xi32, #tpu.memory_space<hbm>>
        %dma_wait3A_24 = tpu.memref_slice %arg3[%add3A_15] : memref<160000xi32, #tpu.memory_space<hbm>> -> memref<200xi32, #tpu.memory_space<hbm>>
        tpu.wait_dma2 semaphore(%run_scoped3A : memref<!tpu.dma_semaphore, #tpu.memory_space<semaphore_mem>>) src(%dma_wait3A_24 : memref<200xi32, #tpu.memory_space<hbm>>) dst(%arg5 : memref<200xi32, #tpu.memory_space<vmem>>)
        tpu.yield
      }) : () -> ()
      %dma_start3A = arith.constant 0 : i32
      %dma_start3A_16 = arith.constant 0 : i32
      %dma_start3A_17 = tpu.memref_slice %arg2[%dma_start3A, %dma_start3A_16] : memref<10240x128xi32, #tpu.memory_space<hbm>> -> memref<10240x128xi32, #tpu.memory_space<hbm>>
      tpu.enqueue_indirect_dma source(%dma_start3A_17 : memref<10240x128xi32, #tpu.memory_space<hbm>>) target(%arg6 : memref<200x128xi32, #tpu.memory_space<vmem>>) offsets(%arg5 : memref<200xi32, #tpu.memory_space<vmem>>) semaphore(%arg7 : memref<!tpu.dma_semaphore, #tpu.memory_space<semaphore_mem>>)
      %dma_wait3A = arith.constant 0 : i32
      %dma_wait3A_18 = arith.constant 0 : i32
      %dma_wait3A_19 = tpu.memref_slice %arg2[%dma_wait3A, %dma_wait3A_18] : memref<10240x128xi32, #tpu.memory_space<hbm>> -> memref<10240x128xi32, #tpu.memory_space<hbm>>
      tpu.wait_indirect_dma semaphore(%arg7 : memref<!tpu.dma_semaphore, #tpu.memory_space<semaphore_mem>>) src(%dma_wait3A_19 : memref<10240x128xi32, #tpu.memory_space<hbm>>) dst(%arg6 : memref<200x128xi32, #tpu.memory_space<vmem>>)
      "tpu.region"() ({
        %run_scoped3A = tpu.sem_alloc : memref<!tpu.dma_semaphore, #tpu.memory_space<semaphore_mem>>
        %dma_start3A_21 = arith.constant 0 : i32
        %dma_start3A_22 = tpu.memref_slice %arg4[%add3A_13, %dma_start3A_21] : memref<76800x128xi32, #tpu.memory_space<hbm>> -> memref<200x128xi32, #tpu.memory_space<hbm>>
        %dma_start3A_23 = arith.constant 0 : i32
        %dma_start3A_24 = tpu.memref_slice %arg4[%add3A_13, %dma_start3A_23] : memref<76800x128xi32, #tpu.memory_space<hbm>> -> memref<200x128xi32, #tpu.memory_space<hbm>>
        tpu.enqueue_dma source(%arg6 : memref<200x128xi32, #tpu.memory_space<vmem>>) target(%dma_start3A_24 : memref<200x128xi32, #tpu.memory_space<hbm>>) target_semaphore(%run_scoped3A : memref<!tpu.dma_semaphore, #tpu.memory_space<semaphore_mem>>)
        %dma_wait3A_25 = arith.constant 0 : i32
        %dma_wait3A_26 = tpu.memref_slice %arg4[%add3A_13, %dma_wait3A_25] : memref<76800x128xi32, #tpu.memory_space<hbm>> -> memref<200x128xi32, #tpu.memory_space<hbm>>
        %dma_wait3A_27 = arith.constant 0 : i32
        %dma_wait3A_28 = tpu.memref_slice %arg4[%add3A_13, %dma_wait3A_27] : memref<76800x128xi32, #tpu.memory_space<hbm>> -> memref<200x128xi32, #tpu.memory_space<hbm>>
        tpu.wait_dma2 semaphore(%run_scoped3A : memref<!tpu.dma_semaphore, #tpu.memory_space<semaphore_mem>>) src(%arg6 : memref<200x128xi32, #tpu.memory_space<vmem>>) dst(%dma_wait3A_28 : memref<200x128xi32, #tpu.memory_space<hbm>>)
        tpu.yield
      }) : () -> ()
      %scan3A_20 = arith.constant 0 : i32
      scf.yield %scan3A_20 : i32
    }
    %scan3A_8 = arith.constant 12 : i32
    return
  }
}

#map = affine_map<(d0, d1) -> (0, 0)>
#map1 = affine_map<(d0, d1) -> (0)>
module attributes {stable_mosaic.version = 14 : i64} {
  func.func @body(%arg0: i32, %arg1: i32, %arg2: memref<10240x128xi32, #tpu.memory_space<hbm>>, %arg3: memref<160000xi32, #tpu.memory_space<hbm>>, %arg4: memref<83200x128xi32, #tpu.memory_space<hbm>>, %arg5: memref<200xi32, #tpu.memory_space<vmem>>, %arg6: memref<200x128xi32, #tpu.memory_space<vmem>>, %arg7: memref<!tpu.dma_semaphore, #tpu.memory_space<semaphore_mem>>) attributes {dimension_semantics = [#tpu.dimension_semantics<core_parallel>, #tpu.dimension_semantics<subcore_parallel>], iteration_bounds = array<i64: 2, 16>, scalar_prefetch = 0 : i64, scratch_operands = 3 : i64, tpu.core_type = #tpu.core_type<sc_vector_subcore>, window_params = [{transform_indices = #map}, {transform_indices = #map1}, {transform_indices = #map}]} {
    %mul3A = arith.constant 2 : i32
    %mul3A_0 = arith.muli %arg1, %mul3A : i32
    %add3A = arith.addi %mul3A_0, %arg0 : i32
    %mul3A_1 = arith.constant 2600 : i32
    %mul3A_2 = arith.muli %add3A, %mul3A_1 : i32
    %scan3A = arith.constant 0 : i32
    %scan3A_3 = arith.constant 0 : i32
    %scan3A_4 = arith.constant 13 : i32
    %scan3A_5 = arith.addi %scan3A_3, %scan3A_4 : i32
    %scan3A_6 = arith.constant 1 : i32
    %scan3A_7 = scf.for %scan3A_9 = %scan3A_3 to %scan3A_5 step %scan3A_6 iter_args(%scan3A_10 = %scan3A) -> (i32)  : i32 {
      %mul3A_11 = arith.constant 200 : i32
      %mul3A_12 = arith.muli %scan3A_9, %mul3A_11 : i32
      %add3A_13 = arith.addi %mul3A_2, %mul3A_12 : i32
      %add3A_14 = arith.constant 76800 : i32
      %add3A_15 = arith.addi %add3A_14, %add3A_13 : i32
      "tpu.region"() ({
        %run_scoped3A = tpu.sem_alloc : memref<!tpu.dma_semaphore, #tpu.memory_space<semaphore_mem>>
        %dma_start3A_21 = tpu.memref_slice %arg3[%add3A_15] : memref<160000xi32, #tpu.memory_space<hbm>> -> memref<200xi32, #tpu.memory_space<hbm>>
        %dma_start3A_22 = tpu.memref_slice %arg3[%add3A_15] : memref<160000xi32, #tpu.memory_space<hbm>> -> memref<200xi32, #tpu.memory_space<hbm>>
        tpu.enqueue_dma source(%dma_start3A_22 : memref<200xi32, #tpu.memory_space<hbm>>) target(%arg5 : memref<200xi32, #tpu.memory_space<vmem>>) target_semaphore(%run_scoped3A : memref<!tpu.dma_semaphore, #tpu.memory_space<semaphore_mem>>)
        %dma_wait3A_23 = tpu.memref_slice %arg3[%add3A_15] : memref<160000xi32, #tpu.memory_space<hbm>> -> memref<200xi32, #tpu.memory_space<hbm>>
        %dma_wait3A_24 = tpu.memref_slice %arg3[%add3A_15] : memref<160000xi32, #tpu.memory_space<hbm>> -> memref<200xi32, #tpu.memory_space<hbm>>
        tpu.wait_dma2 semaphore(%run_scoped3A : memref<!tpu.dma_semaphore, #tpu.memory_space<semaphore_mem>>) src(%dma_wait3A_24 : memref<200xi32, #tpu.memory_space<hbm>>) dst(%arg5 : memref<200xi32, #tpu.memory_space<vmem>>)
        tpu.yield
      }) : () -> ()
      %dma_start3A = arith.constant 0 : i32
      %dma_start3A_16 = arith.constant 0 : i32
      %dma_start3A_17 = tpu.memref_slice %arg2[%dma_start3A, %dma_start3A_16] : memref<10240x128xi32, #tpu.memory_space<hbm>> -> memref<10240x128xi32, #tpu.memory_space<hbm>>
      tpu.enqueue_indirect_dma source(%dma_start3A_17 : memref<10240x128xi32, #tpu.memory_space<hbm>>) target(%arg6 : memref<200x128xi32, #tpu.memory_space<vmem>>) offsets(%arg5 : memref<200xi32, #tpu.memory_space<vmem>>) semaphore(%arg7 : memref<!tpu.dma_semaphore, #tpu.memory_space<semaphore_mem>>)
      %dma_wait3A = arith.constant 0 : i32
      %dma_wait3A_18 = arith.constant 0 : i32
      %dma_wait3A_19 = tpu.memref_slice %arg2[%dma_wait3A, %dma_wait3A_18] : memref<10240x128xi32, #tpu.memory_space<hbm>> -> memref<10240x128xi32, #tpu.memory_space<hbm>>
      tpu.wait_indirect_dma semaphore(%arg7 : memref<!tpu.dma_semaphore, #tpu.memory_space<semaphore_mem>>) src(%dma_wait3A_19 : memref<10240x128xi32, #tpu.memory_space<hbm>>) dst(%arg6 : memref<200x128xi32, #tpu.memory_space<vmem>>)
      "tpu.region"() ({
        %run_scoped3A = tpu.sem_alloc : memref<!tpu.dma_semaphore, #tpu.memory_space<semaphore_mem>>
        %dma_start3A_21 = arith.constant 0 : i32
        %dma_start3A_22 = tpu.memref_slice %arg4[%add3A_13, %dma_start3A_21] : memref<83200x128xi32, #tpu.memory_space<hbm>> -> memref<200x128xi32, #tpu.memory_space<hbm>>
        %dma_start3A_23 = arith.constant 0 : i32
        %dma_start3A_24 = tpu.memref_slice %arg4[%add3A_13, %dma_start3A_23] : memref<83200x128xi32, #tpu.memory_space<hbm>> -> memref<200x128xi32, #tpu.memory_space<hbm>>
        tpu.enqueue_dma source(%arg6 : memref<200x128xi32, #tpu.memory_space<vmem>>) target(%dma_start3A_24 : memref<200x128xi32, #tpu.memory_space<hbm>>) target_semaphore(%run_scoped3A : memref<!tpu.dma_semaphore, #tpu.memory_space<semaphore_mem>>)
        %dma_wait3A_25 = arith.constant 0 : i32
        %dma_wait3A_26 = tpu.memref_slice %arg4[%add3A_13, %dma_wait3A_25] : memref<83200x128xi32, #tpu.memory_space<hbm>> -> memref<200x128xi32, #tpu.memory_space<hbm>>
        %dma_wait3A_27 = arith.constant 0 : i32
        %dma_wait3A_28 = tpu.memref_slice %arg4[%add3A_13, %dma_wait3A_27] : memref<83200x128xi32, #tpu.memory_space<hbm>> -> memref<200x128xi32, #tpu.memory_space<hbm>>
        tpu.wait_dma2 semaphore(%run_scoped3A : memref<!tpu.dma_semaphore, #tpu.memory_space<semaphore_mem>>) src(%arg6 : memref<200x128xi32, #tpu.memory_space<vmem>>) dst(%dma_wait3A_28 : memref<200x128xi32, #tpu.memory_space<hbm>>)
        tpu.yield
      }) : () -> ()
      %scan3A_20 = arith.constant 0 : i32
      scf.yield %scan3A_20 : i32
    }
    %scan3A_8 = arith.constant 13 : i32
    return
  }
}

module attributes {stable_mosaic.version = 14 : i64} {
  func.func @_node_body(%arg0: i32, %arg1: memref<1024x256xf32, #tpu.memory_space<vmem>>, %arg2: memref<1024x512xf32, #tpu.memory_space<vmem>>, %arg3: memref<1024x8xf32, #tpu.memory_space<vmem>>, %arg4: memref<1024x1xi32, #tpu.memory_space<vmem>>, %arg5: memref<256x200xf32, #tpu.memory_space<vmem>>, %arg6: memref<461x256xf32, #tpu.memory_space<vmem>>, %arg7: memref<1x256xf32, #tpu.memory_space<vmem>>, %arg8: memref<512x256xf32, #tpu.memory_space<vmem>>, %arg9: memref<1x256xf32, #tpu.memory_space<vmem>>, %arg10: memref<256x256xf32, #tpu.memory_space<vmem>>, %arg11: memref<1x256xf32, #tpu.memory_space<vmem>>, %arg12: memref<256x256xf32, #tpu.memory_space<vmem>>, %arg13: memref<1x256xf32, #tpu.memory_space<vmem>>, %arg14: memref<256x512xf32, #tpu.memory_space<vmem>>, %arg15: memref<1x512xf32, #tpu.memory_space<vmem>>, %arg16: memref<256x512xf32, #tpu.memory_space<vmem>>, %arg17: memref<1024x64xi32, #tpu.memory_space<vmem>>, %arg18: memref<1024x128xi32, #tpu.memory_space<vmem>>, %arg19: memref<1024x256xi32, #tpu.memory_space<vmem>>) attributes {dimension_semantics = [#tpu.dimension_semantics<arbitrary>], iteration_bounds = array<i64: 10>, scalar_prefetch = 0 : i64, scratch_operands = 0 : i64, tpu.core_type = #tpu.core_type<tc>, window_params = [{transform_indices = @transform_0, window_bounds = array<i64: 1024, 256>}, {transform_indices = @transform_1, window_bounds = array<i64: 1024, 512>}, {transform_indices = @transform_2, window_bounds = array<i64: 1024, 8>}, {transform_indices = @transform_3, window_bounds = array<i64: 1024, 1>}, {pipeline_mode = #tpu.pipeline_mode<synchronous>, transform_indices = @transform_4, window_bounds = array<i64: 256, 200>}, {pipeline_mode = #tpu.pipeline_mode<synchronous>, transform_indices = @transform_5, window_bounds = array<i64: 461, 256>}, {pipeline_mode = #tpu.pipeline_mode<synchronous>, transform_indices = @transform_6, window_bounds = array<i64: 1, 256>}, {pipeline_mode = #tpu.pipeline_mode<synchronous>, transform_indices = @transform_7, window_bounds = array<i64: 512, 256>}, {pipeline_mode = #tpu.pipeline_mode<synchronous>, transform_indices = @transform_8, window_bounds = array<i64: 1, 256>}, {pipeline_mode = #tpu.pipeline_mode<synchronous>, transform_indices = @transform_9, window_bounds = array<i64: 256, 256>}, {pipeline_mode = #tpu.pipeline_mode<synchronous>, transform_indices = @transform_10, window_bounds = array<i64: 1, 256>}, {pipeline_mode = #tpu.pipeline_mode<synchronous>, transform_indices = @transform_11, window_bounds = array<i64: 256, 256>}, {pipeline_mode = #tpu.pipeline_mode<synchronous>, transform_indices = @transform_12, window_bounds = array<i64: 1, 256>}, {pipeline_mode = #tpu.pipeline_mode<synchronous>, transform_indices = @transform_13, window_bounds = array<i64: 256, 512>}, {pipeline_mode = #tpu.pipeline_mode<synchronous>, transform_indices = @transform_14, window_bounds = array<i64: 1, 512>}, {pipeline_mode = #tpu.pipeline_mode<synchronous>, transform_indices = @transform_15, window_bounds = array<i64: 256, 512>}, {transform_indices = @transform_16, window_bounds = array<i64: 1024, 64>}, {transform_indices = @transform_17, window_bounds = array<i64: 1024, 128>}, {transform_indices = @transform_18, window_bounds = array<i64: 1024, 256>}]} {
    %get3A = arith.constant 0 : index
    %get3A_0 = arith.constant 0 : index
    %get3A_1 = vector.load %arg6[%get3A, %get3A_0] : memref<461x256xf32, #tpu.memory_space<vmem>>, vector<461x256xf32>
    %get3A_2 = arith.constant 0 : index
    %get3A_3 = arith.constant 0 : index
    %get3A_4 = vector.load %arg5[%get3A_2, %get3A_3] : memref<256x200xf32, #tpu.memory_space<vmem>>, vector<256x200xf32>
    %slice3A = vector.extract_strided_slice %get3A_1 {offsets = [261, 0], sizes = [200, 256], strides = [1, 1]} : vector<461x256xf32> to vector<200x256xf32>
    %dot_general3A = arith.constant dense<0.000000e+00> : vector<256x256xf32>
    %dot_general3A_5 = tpu.matmul %get3A_4, %slice3A, %dot_general3A {dimension_numbers = #tpu.dot_dimension_numbers<[1], [0], [0], [1], [0, 0, 1, 1], [], []>, transpose_lhs_hint = false} : vector<256x200xf32>, vector<200x256xf32>, vector<256x256xf32> -> vector<256x256xf32>
    %iota3A = tpu.iota {dimensions = array<i32: 1>} : vector<1024x256xi32>
    %get3A_6 = arith.constant 0 : index
    %get3A_7 = arith.constant 0 : index
    %get3A_8 = vector.load %arg4[%get3A_6, %get3A_7] : memref<1024x1xi32, #tpu.memory_space<vmem>>, vector<1024x1xi32>
    %eq3A = vector.broadcast %get3A_8 : vector<1024x1xi32> to vector<1024x256xi32>
    %eq3A_9 = arith.cmpi eq, %iota3A, %eq3A : vector<1024x256xi32>
    %convert_element_type3A = arith.extui %eq3A_9 : vector<1024x256xi1> to vector<1024x256xi32>
    %convert_element_type3A_10 = arith.sitofp %convert_element_type3A : vector<1024x256xi32> to vector<1024x256xf32>
    %get3A_11 = arith.constant 0 : index
    %get3A_12 = arith.constant 0 : index
    %get3A_13 = vector.load %arg1[%get3A_11, %get3A_12] : memref<1024x256xf32, #tpu.memory_space<vmem>>, vector<1024x256xf32>
    %slice3A_14 = vector.extract_strided_slice %get3A_1 {offsets = [0, 0], sizes = [256, 256], strides = [1, 1]} : vector<461x256xf32> to vector<256x256xf32>
    %dot_general3A_15 = arith.constant dense<0.000000e+00> : vector<1024x256xf32>
    %dot_general3A_16 = tpu.matmul %get3A_13, %slice3A_14, %dot_general3A_15 {dimension_numbers = #tpu.dot_dimension_numbers<[1], [0], [0], [1], [0, 0, 1, 1], [], []>, transpose_lhs_hint = false} : vector<1024x256xf32>, vector<256x256xf32>, vector<1024x256xf32> -> vector<1024x256xf32>
    %get3A_17 = arith.constant 0 : index
    %get3A_18 = arith.constant 0 : index
    %get3A_19 = vector.load %arg3[%get3A_17, %get3A_18] : memref<1024x8xf32, #tpu.memory_space<vmem>>, vector<1024x8xf32>
    %slice3A_20 = vector.extract_strided_slice %get3A_1 {offsets = [256, 0], sizes = [8, 256], strides = [1, 1]} : vector<461x256xf32> to vector<8x256xf32>
    %dot_general3A_21 = arith.constant dense<0.000000e+00> : vector<1024x256xf32>
    %dot_general3A_22 = tpu.matmul %get3A_19, %slice3A_20, %dot_general3A_21 {dimension_numbers = #tpu.dot_dimension_numbers<[1], [0], [0], [1], [0, 0, 1, 1], [], []>, transpose_lhs_hint = false} : vector<1024x8xf32>, vector<8x256xf32>, vector<1024x256xf32> -> vector<1024x256xf32>
    %add3A = arith.addf %dot_general3A_16, %dot_general3A_22 : vector<1024x256xf32>
    %dot_general3A_23 = arith.constant dense<0.000000e+00> : vector<1024x256xf32>
    %dot_general3A_24 = tpu.matmul %convert_element_type3A_10, %dot_general3A_5, %dot_general3A_23 {dimension_numbers = #tpu.dot_dimension_numbers<[1], [0], [0], [1], [0, 0, 1, 1], [], []>, transpose_lhs_hint = false} : vector<1024x256xf32>, vector<256x256xf32>, vector<1024x256xf32> -> vector<1024x256xf32>
    %add3A_25 = arith.addf %add3A, %dot_general3A_24 : vector<1024x256xf32>
    %get3A_26 = arith.constant 0 : index
    %get3A_27 = arith.constant 0 : index
    %get3A_28 = vector.load %arg7[%get3A_26, %get3A_27] : memref<1x256xf32, #tpu.memory_space<vmem>>, vector<1x256xf32>
    %add3A_29 = vector.broadcast %get3A_28 : vector<1x256xf32> to vector<1024x256xf32>
    %add3A_30 = arith.addf %add3A_25, %add3A_29 : vector<1024x256xf32>
    %get3A_31 = arith.constant 0 : index
    %get3A_32 = arith.constant 0 : index
    %get3A_33 = vector.load %arg2[%get3A_31, %get3A_32] : memref<1024x512xf32, #tpu.memory_space<vmem>>, vector<1024x512xf32>
    %get3A_34 = arith.constant 0 : index
    %get3A_35 = arith.constant 0 : index
    %get3A_36 = vector.load %arg8[%get3A_34, %get3A_35] : memref<512x256xf32, #tpu.memory_space<vmem>>, vector<512x256xf32>
    %dot_general3A_37 = arith.constant dense<0.000000e+00> : vector<1024x256xf32>
    %dot_general3A_38 = tpu.matmul %get3A_33, %get3A_36, %dot_general3A_37 {dimension_numbers = #tpu.dot_dimension_numbers<[1], [0], [0], [1], [0, 0, 1, 1], [], []>, transpose_lhs_hint = false} : vector<1024x512xf32>, vector<512x256xf32>, vector<1024x256xf32> -> vector<1024x256xf32>
    %add3A_39 = arith.addf %add3A_30, %dot_general3A_38 : vector<1024x256xf32>
    %get3A_40 = arith.constant 0 : index
    %get3A_41 = arith.constant 0 : index
    %get3A_42 = vector.load %arg9[%get3A_40, %get3A_41] : memref<1x256xf32, #tpu.memory_space<vmem>>, vector<1x256xf32>
    %add3A_43 = vector.broadcast %get3A_42 : vector<1x256xf32> to vector<1024x256xf32>
    %add3A_44 = arith.addf %add3A_39, %add3A_43 : vector<1024x256xf32>
    %get3A_45 = arith.constant 0 : index
    %get3A_46 = arith.constant 0 : index
    %get3A_47 = vector.load %arg10[%get3A_45, %get3A_46] : memref<256x256xf32, #tpu.memory_space<vmem>>, vector<256x256xf32>
    %dot_general3A_48 = arith.constant dense<0.000000e+00> : vector<1024x256xf32>
    %dot_general3A_49 = tpu.matmul %add3A_44, %get3A_47, %dot_general3A_48 {dimension_numbers = #tpu.dot_dimension_numbers<[1], [0], [0], [1], [0, 0, 1, 1], [], []>, transpose_lhs_hint = false} : vector<1024x256xf32>, vector<256x256xf32>, vector<1024x256xf32> -> vector<1024x256xf32>
    %get3A_50 = arith.constant 0 : index
    %get3A_51 = arith.constant 0 : index
    %get3A_52 = vector.load %arg11[%get3A_50, %get3A_51] : memref<1x256xf32, #tpu.memory_space<vmem>>, vector<1x256xf32>
    %add3A_53 = vector.broadcast %get3A_52 : vector<1x256xf32> to vector<1024x256xf32>
    %add3A_54 = arith.addf %dot_general3A_49, %add3A_53 : vector<1024x256xf32>
    %get3A_55 = arith.constant 0 : index
    %get3A_56 = arith.constant 0 : index
    %get3A_57 = vector.load %arg12[%get3A_55, %get3A_56] : memref<256x256xf32, #tpu.memory_space<vmem>>, vector<256x256xf32>
    %dot_general3A_58 = arith.constant dense<0.000000e+00> : vector<1024x256xf32>
    %dot_general3A_59 = tpu.matmul %add3A_44, %get3A_57, %dot_general3A_58 {dimension_numbers = #tpu.dot_dimension_numbers<[1], [0], [0], [1], [0, 0, 1, 1], [], []>, transpose_lhs_hint = false} : vector<1024x256xf32>, vector<256x256xf32>, vector<1024x256xf32> -> vector<1024x256xf32>
    %get3A_60 = arith.constant 0 : index
    %get3A_61 = arith.constant 0 : index
    %get3A_62 = vector.load %arg13[%get3A_60, %get3A_61] : memref<1x256xf32, #tpu.memory_space<vmem>>, vector<1x256xf32>
    %add3A_63 = vector.broadcast %get3A_62 : vector<1x256xf32> to vector<1024x256xf32>
    %add3A_64 = arith.addf %dot_general3A_59, %add3A_63 : vector<1024x256xf32>
    %mul3A = arith.constant 4.000000e+00 : f32
    %mul3A_65 = vector.broadcast %mul3A : f32 to vector<1024x256xf32>
    %mul3A_66 = arith.mulf %add3A_54, %mul3A_65 : vector<1024x256xf32>
    %convert_element_type3A_67 = arith.truncf %mul3A_66 : vector<1024x256xf32> to vector<1024x256xf8E4M3FN>
    %slice3A_68 = vector.extract_strided_slice %convert_element_type3A_67 {offsets = [0, 0], sizes = [1024, 64], strides = [1, 1]} : vector<1024x256xf8E4M3FN> to vector<1024x64xf8E4M3FN>
    %bitcast_convert_type3A = tpu.bitcast %slice3A_68 : vector<1024x64xf8E4M3FN> -> vector<1024x64xi8>
    %convert_element_type3A_69 = arith.extui %bitcast_convert_type3A : vector<1024x64xi8> to vector<1024x64xi32>
    %shift_left3A = arith.constant 0 : i32
    %shift_left3A_70 = vector.broadcast %shift_left3A : i32 to vector<1024x64xi32>
    %shift_left3A_71 = arith.shli %convert_element_type3A_69, %shift_left3A_70 : vector<1024x64xi32>
    %slice3A_72 = vector.extract_strided_slice %convert_element_type3A_67 {offsets = [0, 64], sizes = [1024, 64], strides = [1, 1]} : vector<1024x256xf8E4M3FN> to vector<1024x64xf8E4M3FN>
    %bitcast_convert_type3A_73 = tpu.bitcast %slice3A_72 : vector<1024x64xf8E4M3FN> -> vector<1024x64xi8>
    %convert_element_type3A_74 = arith.extui %bitcast_convert_type3A_73 : vector<1024x64xi8> to vector<1024x64xi32>
    %shift_left3A_75 = arith.constant 8 : i32
    %shift_left3A_76 = vector.broadcast %shift_left3A_75 : i32 to vector<1024x64xi32>
    %shift_left3A_77 = arith.shli %convert_element_type3A_74, %shift_left3A_76 : vector<1024x64xi32>
    %or3A = arith.ori %shift_left3A_71, %shift_left3A_77 : vector<1024x64xi32>
    %slice3A_78 = vector.extract_strided_slice %convert_element_type3A_67 {offsets = [0, 128], sizes = [1024, 64], strides = [1, 1]} : vector<1024x256xf8E4M3FN> to vector<1024x64xf8E4M3FN>
    %bitcast_convert_type3A_79 = tpu.bitcast %slice3A_78 : vector<1024x64xf8E4M3FN> -> vector<1024x64xi8>
    %convert_element_type3A_80 = arith.extui %bitcast_convert_type3A_79 : vector<1024x64xi8> to vector<1024x64xi32>
    %shift_left3A_81 = arith.constant 16 : i32
    %shift_left3A_82 = vector.broadcast %shift_left3A_81 : i32 to vector<1024x64xi32>
    %shift_left3A_83 = arith.shli %convert_element_type3A_80, %shift_left3A_82 : vector<1024x64xi32>
    %or3A_84 = arith.ori %or3A, %shift_left3A_83 : vector<1024x64xi32>
    %slice3A_85 = vector.extract_strided_slice %convert_element_type3A_67 {offsets = [0, 192], sizes = [1024, 64], strides = [1, 1]} : vector<1024x256xf8E4M3FN> to vector<1024x64xf8E4M3FN>
    %bitcast_convert_type3A_86 = tpu.bitcast %slice3A_85 : vector<1024x64xf8E4M3FN> -> vector<1024x64xi8>
    %convert_element_type3A_87 = arith.extui %bitcast_convert_type3A_86 : vector<1024x64xi8> to vector<1024x64xi32>
    %shift_left3A_88 = arith.constant 24 : i32
    %shift_left3A_89 = vector.broadcast %shift_left3A_88 : i32 to vector<1024x64xi32>
    %shift_left3A_90 = arith.shli %convert_element_type3A_87, %shift_left3A_89 : vector<1024x64xi32>
    %or3A_91 = arith.ori %or3A_84, %shift_left3A_90 : vector<1024x64xi32>
    %bitcast_convert_type3A_92 = tpu.bitcast %or3A_91 : vector<1024x64xi32> -> vector<1024x64xi32>
    %swap3A = arith.constant 0 : index
    %swap3A_93 = arith.constant 0 : index
    %swap3A_94 = vector.load %arg17[%swap3A, %swap3A_93] : memref<1024x64xi32, #tpu.memory_space<vmem>>, vector<1024x64xi32>
    tpu.vector_store %arg17[%swap3A, %swap3A_93], %bitcast_convert_type3A_92 {strides = array<i32>} : memref<1024x64xi32, #tpu.memory_space<vmem>>, vector<1024x64xi32>,
    %get3A_95 = arith.constant 0 : index
    %get3A_96 = arith.constant 0 : index
    %get3A_97 = vector.load %arg14[%get3A_95, %get3A_96] : memref<256x512xf32, #tpu.memory_space<vmem>>, vector<256x512xf32>
    %dot_general3A_98 = arith.constant dense<0.000000e+00> : vector<1024x512xf32>
    %dot_general3A_99 = tpu.matmul %add3A_54, %get3A_97, %dot_general3A_98 {dimension_numbers = #tpu.dot_dimension_numbers<[1], [0], [0], [1], [0, 0, 1, 1], [], []>, transpose_lhs_hint = false} : vector<1024x256xf32>, vector<256x512xf32>, vector<1024x512xf32> -> vector<1024x512xf32>
    %mul3A_100 = arith.constant 1.600000e+01 : f32
    %mul3A_101 = vector.broadcast %mul3A_100 : f32 to vector<1024x512xf32>
    %mul3A_102 = arith.mulf %dot_general3A_99, %mul3A_101 : vector<1024x512xf32>
    %convert_element_type3A_103 = arith.truncf %mul3A_102 : vector<1024x512xf32> to vector<1024x512xf8E4M3FN>
    %slice3A_104 = vector.extract_strided_slice %convert_element_type3A_103 {offsets = [0, 0], sizes = [1024, 128], strides = [1, 1]} : vector<1024x512xf8E4M3FN> to vector<1024x128xf8E4M3FN>
    %bitcast_convert_type3A_105 = tpu.bitcast %slice3A_104 : vector<1024x128xf8E4M3FN> -> vector<1024x128xi8>
    %convert_element_type3A_106 = arith.extui %bitcast_convert_type3A_105 : vector<1024x128xi8> to vector<1024x128xi32>
    %shift_left3A_107 = arith.constant 0 : i32
    %shift_left3A_108 = vector.broadcast %shift_left3A_107 : i32 to vector<1024x128xi32>
    %shift_left3A_109 = arith.shli %convert_element_type3A_106, %shift_left3A_108 : vector<1024x128xi32>
    %slice3A_110 = vector.extract_strided_slice %convert_element_type3A_103 {offsets = [0, 128], sizes = [1024, 128], strides = [1, 1]} : vector<1024x512xf8E4M3FN> to vector<1024x128xf8E4M3FN>
    %bitcast_convert_type3A_111 = tpu.bitcast %slice3A_110 : vector<1024x128xf8E4M3FN> -> vector<1024x128xi8>
    %convert_element_type3A_112 = arith.extui %bitcast_convert_type3A_111 : vector<1024x128xi8> to vector<1024x128xi32>
    %shift_left3A_113 = arith.constant 8 : i32
    %shift_left3A_114 = vector.broadcast %shift_left3A_113 : i32 to vector<1024x128xi32>
    %shift_left3A_115 = arith.shli %convert_element_type3A_112, %shift_left3A_114 : vector<1024x128xi32>
    %or3A_116 = arith.ori %shift_left3A_109, %shift_left3A_115 : vector<1024x128xi32>
    %slice3A_117 = vector.extract_strided_slice %convert_element_type3A_103 {offsets = [0, 256], sizes = [1024, 128], strides = [1, 1]} : vector<1024x512xf8E4M3FN> to vector<1024x128xf8E4M3FN>
    %bitcast_convert_type3A_118 = tpu.bitcast %slice3A_117 : vector<1024x128xf8E4M3FN> -> vector<1024x128xi8>
    %convert_element_type3A_119 = arith.extui %bitcast_convert_type3A_118 : vector<1024x128xi8> to vector<1024x128xi32>
    %shift_left3A_120 = arith.constant 16 : i32
    %shift_left3A_121 = vector.broadcast %shift_left3A_120 : i32 to vector<1024x128xi32>
    %shift_left3A_122 = arith.shli %convert_element_type3A_119, %shift_left3A_121 : vector<1024x128xi32>
    %or3A_123 = arith.ori %or3A_116, %shift_left3A_122 : vector<1024x128xi32>
    %slice3A_124 = vector.extract_strided_slice %convert_element_type3A_103 {offsets = [0, 384], sizes = [1024, 128], strides = [1, 1]} : vector<1024x512xf8E4M3FN> to vector<1024x128xf8E4M3FN>
    %bitcast_convert_type3A_125 = tpu.bitcast %slice3A_124 : vector<1024x128xf8E4M3FN> -> vector<1024x128xi8>
    %convert_element_type3A_126 = arith.extui %bitcast_convert_type3A_125 : vector<1024x128xi8> to vector<1024x128xi32>
    %shift_left3A_127 = arith.constant 24 : i32
    %shift_left3A_128 = vector.broadcast %shift_left3A_127 : i32 to vector<1024x128xi32>
    %shift_left3A_129 = arith.shli %convert_element_type3A_126, %shift_left3A_128 : vector<1024x128xi32>
    %or3A_130 = arith.ori %or3A_123, %shift_left3A_129 : vector<1024x128xi32>
    %bitcast_convert_type3A_131 = tpu.bitcast %or3A_130 : vector<1024x128xi32> -> vector<1024x128xi32>
    %swap3A_132 = arith.constant 0 : index
    %swap3A_133 = arith.constant 0 : index
    %swap3A_134 = vector.load %arg18[%swap3A_132, %swap3A_133] : memref<1024x128xi32, #tpu.memory_space<vmem>>, vector<1024x128xi32>
    tpu.vector_store %arg18[%swap3A_132, %swap3A_133], %bitcast_convert_type3A_131 {strides = array<i32>} : memref<1024x128xi32, #tpu.memory_space<vmem>>, vector<1024x128xi32>,
    %get3A_135 = arith.constant 0 : index
    %get3A_136 = arith.constant 0 : index
    %get3A_137 = vector.load %arg16[%get3A_135, %get3A_136] : memref<256x512xf32, #tpu.memory_space<vmem>>, vector<256x512xf32>
    %dot_general3A_138 = arith.constant dense<0.000000e+00> : vector<1024x512xf32>
    %dot_general3A_139 = tpu.matmul %add3A_64, %get3A_137, %dot_general3A_138 {dimension_numbers = #tpu.dot_dimension_numbers<[1], [0], [0], [1], [0, 0, 1, 1], [], []>, transpose_lhs_hint = false} : vector<1024x256xf32>, vector<256x512xf32>, vector<1024x512xf32> -> vector<1024x512xf32>
    %get3A_140 = arith.constant 0 : index
    %get3A_141 = arith.constant 0 : index
    %get3A_142 = vector.load %arg15[%get3A_140, %get3A_141] : memref<1x512xf32, #tpu.memory_space<vmem>>, vector<1x512xf32>
    %add3A_143 = vector.broadcast %get3A_142 : vector<1x512xf32> to vector<1024x512xf32>
    %add3A_144 = arith.addf %dot_general3A_139, %add3A_143 : vector<1024x512xf32>
    %mul3A_145 = arith.constant 1.600000e+01 : f32
    %mul3A_146 = vector.broadcast %mul3A_145 : f32 to vector<1024x512xf32>
    %mul3A_147 = arith.mulf %add3A_144, %mul3A_146 : vector<1024x512xf32>
    %convert_element_type3A_148 = arith.truncf %mul3A_147 : vector<1024x512xf32> to vector<1024x512xf8E4M3FN>
    %slice3A_149 = vector.extract_strided_slice %convert_element_type3A_148 {offsets = [0, 0], sizes = [1024, 128], strides = [1, 1]} : vector<1024x512xf8E4M3FN> to vector<1024x128xf8E4M3FN>
    %bitcast_convert_type3A_150 = tpu.bitcast %slice3A_149 : vector<1024x128xf8E4M3FN> -> vector<1024x128xi8>
    %convert_element_type3A_151 = arith.extui %bitcast_convert_type3A_150 : vector<1024x128xi8> to vector<1024x128xi32>
    %shift_left3A_152 = arith.constant 0 : i32
    %shift_left3A_153 = vector.broadcast %shift_left3A_152 : i32 to vector<1024x128xi32>
    %shift_left3A_154 = arith.shli %convert_element_type3A_151, %shift_left3A_153 : vector<1024x128xi32>
    %slice3A_155 = vector.extract_strided_slice %convert_element_type3A_148 {offsets = [0, 128], sizes = [1024, 128], strides = [1, 1]} : vector<1024x512xf8E4M3FN> to vector<1024x128xf8E4M3FN>
    %bitcast_convert_type3A_156 = tpu.bitcast %slice3A_155 : vector<1024x128xf8E4M3FN> -> vector<1024x128xi8>
    %convert_element_type3A_157 = arith.extui %bitcast_convert_type3A_156 : vector<1024x128xi8> to vector<1024x128xi32>
    %shift_left3A_158 = arith.constant 8 : i32
    %shift_left3A_159 = vector.broadcast %shift_left3A_158 : i32 to vector<1024x128xi32>
    %shift_left3A_160 = arith.shli %convert_element_type3A_157, %shift_left3A_159 : vector<1024x128xi32>
    %or3A_161 = arith.ori %shift_left3A_154, %shift_left3A_160 : vector<1024x128xi32>
    %slice3A_162 = vector.extract_strided_slice %convert_element_type3A_148 {offsets = [0, 256], sizes = [1024, 128], strides = [1, 1]} : vector<1024x512xf8E4M3FN> to vector<1024x128xf8E4M3FN>
    %bitcast_convert_type3A_163 = tpu.bitcast %slice3A_162 : vector<1024x128xf8E4M3FN> -> vector<1024x128xi8>
    %convert_element_type3A_164 = arith.extui %bitcast_convert_type3A_163 : vector<1024x128xi8> to vector<1024x128xi32>
    %shift_left3A_165 = arith.constant 16 : i32
    %shift_left3A_166 = vector.broadcast %shift_left3A_165 : i32 to vector<1024x128xi32>
    %shift_left3A_167 = arith.shli %convert_element_type3A_164, %shift_left3A_166 : vector<1024x128xi32>
    %or3A_168 = arith.ori %or3A_161, %shift_left3A_167 : vector<1024x128xi32>
    %slice3A_169 = vector.extract_strided_slice %convert_element_type3A_148 {offsets = [0, 384], sizes = [1024, 128], strides = [1, 1]} : vector<1024x512xf8E4M3FN> to vector<1024x128xf8E4M3FN>
    %bitcast_convert_type3A_170 = tpu.bitcast %slice3A_169 : vector<1024x128xf8E4M3FN> -> vector<1024x128xi8>
    %convert_element_type3A_171 = arith.extui %bitcast_convert_type3A_170 : vector<1024x128xi8> to vector<1024x128xi32>
    %shift_left3A_172 = arith.constant 24 : i32
    %shift_left3A_173 = vector.broadcast %shift_left3A_172 : i32 to vector<1024x128xi32>
    %shift_left3A_174 = arith.shli %convert_element_type3A_171, %shift_left3A_173 : vector<1024x128xi32>
    %or3A_175 = arith.ori %or3A_168, %shift_left3A_174 : vector<1024x128xi32>
    %bitcast_convert_type3A_176 = tpu.bitcast %or3A_175 : vector<1024x128xi32> -> vector<1024x128xi32>
    %convert_element_type3A_177 = arith.truncf %add3A_64 : vector<1024x256xf32> to vector<1024x256xbf16>
    %slice3A_178 = vector.extract_strided_slice %convert_element_type3A_177 {offsets = [0, 0], sizes = [1024, 128], strides = [1, 1]} : vector<1024x256xbf16> to vector<1024x128xbf16>
    %bitcast_convert_type3A_179 = tpu.bitcast %slice3A_178 : vector<1024x128xbf16> -> vector<1024x128xi16>
    %convert_element_type3A_180 = arith.extui %bitcast_convert_type3A_179 : vector<1024x128xi16> to vector<1024x128xi32>
    %slice3A_181 = vector.extract_strided_slice %convert_element_type3A_177 {offsets = [0, 128], sizes = [1024, 128], strides = [1, 1]} : vector<1024x256xbf16> to vector<1024x128xbf16>
    %bitcast_convert_type3A_182 = tpu.bitcast %slice3A_181 : vector<1024x128xbf16> -> vector<1024x128xi16>
    %convert_element_type3A_183 = arith.extui %bitcast_convert_type3A_182 : vector<1024x128xi16> to vector<1024x128xi32>
    %shift_left3A_184 = arith.constant 16 : i32
    %shift_left3A_185 = vector.broadcast %shift_left3A_184 : i32 to vector<1024x128xi32>
    %shift_left3A_186 = arith.shli %convert_element_type3A_183, %shift_left3A_185 : vector<1024x128xi32>
    %or3A_187 = arith.ori %convert_element_type3A_180, %shift_left3A_186 : vector<1024x128xi32>
    %bitcast_convert_type3A_188 = tpu.bitcast %or3A_187 : vector<1024x128xi32> -> vector<1024x128xi32>
    %concatenate3A = tpu.concatenate %bitcast_convert_type3A_176, %bitcast_convert_type3A_188 in 1 : vector<1024x128xi32>, vector<1024x128xi32> -> vector<1024x256xi32>
    %swap3A_189 = arith.constant 0 : index
    %swap3A_190 = arith.constant 0 : index
    %swap3A_191 = vector.load %arg19[%swap3A_189, %swap3A_190] : memref<1024x256xi32, #tpu.memory_space<vmem>>, vector<1024x256xi32>
    tpu.vector_store %arg19[%swap3A_189, %swap3A_190], %concatenate3A {strides = array<i32>} : memref<1024x256xi32, #tpu.memory_space<vmem>>, vector<1024x256xi32>,
    return
  }
  func.func @transform_0(%arg0: i32) -> (i32, i32) {
    %c0_i32 = arith.constant 0 : i32
    %c0_i32_0 = arith.constant 0 : i32
    return %arg0, %c0_i32 : i32, i32
  }
  func.func @transform_1(%arg0: i32) -> (i32, i32) {
    %c0_i32 = arith.constant 0 : i32
    %c0_i32_0 = arith.constant 0 : i32
    return %arg0, %c0_i32 : i32, i32
  }
  func.func @transform_2(%arg0: i32) -> (i32, i32) {
    %c0_i32 = arith.constant 0 : i32
    %c0_i32_0 = arith.constant 0 : i32
    return %arg0, %c0_i32 : i32, i32
  }
  func.func @transform_3(%arg0: i32) -> (i32, i32) {
    %c0_i32 = arith.constant 0 : i32
    %c0_i32_0 = arith.constant 0 : i32
    return %arg0, %c0_i32 : i32, i32
  }
  func.func @transform_4(%arg0: i32) -> (i32, i32) {
    %c0_i32 = arith.constant 0 : i32
    %c0_i32_0 = arith.constant 0 : i32
    %c0_i32_1 = arith.constant 0 : i32
    return %c0_i32, %c0_i32_0 : i32, i32
  }
  func.func @transform_5(%arg0: i32) -> (i32, i32) {
    %c0_i32 = arith.constant 0 : i32
    %c0_i32_0 = arith.constant 0 : i32
    %c0_i32_1 = arith.constant 0 : i32
    return %c0_i32, %c0_i32_0 : i32, i32
  }
  func.func @transform_6(%arg0: i32) -> (i32, i32) {
    %c0_i32 = arith.constant 0 : i32
    %c0_i32_0 = arith.constant 0 : i32
    %c0_i32_1 = arith.constant 0 : i32
    return %c0_i32, %c0_i32_0 : i32, i32
  }
  func.func @transform_7(%arg0: i32) -> (i32, i32) {
    %c0_i32 = arith.constant 0 : i32
    %c0_i32_0 = arith.constant 0 : i32
    %c0_i32_1 = arith.constant 0 : i32
    return %c0_i32, %c0_i32_0 : i32, i32
  }
  func.func @transform_8(%arg0: i32) -> (i32, i32) {
    %c0_i32 = arith.constant 0 : i32
    %c0_i32_0 = arith.constant 0 : i32
    %c0_i32_1 = arith.constant 0 : i32
    return %c0_i32, %c0_i32_0 : i32, i32
  }
  func.func @transform_9(%arg0: i32) -> (i32, i32) {
    %c0_i32 = arith.constant 0 : i32
    %c0_i32_0 = arith.constant 0 : i32
    %c0_i32_1 = arith.constant 0 : i32
    return %c0_i32, %c0_i32_0 : i32, i32
  }
  func.func @transform_10(%arg0: i32) -> (i32, i32) {
    %c0_i32 = arith.constant 0 : i32
    %c0_i32_0 = arith.constant 0 : i32
    %c0_i32_1 = arith.constant 0 : i32
    return %c0_i32, %c0_i32_0 : i32, i32
  }
  func.func @transform_11(%arg0: i32) -> (i32, i32) {
    %c0_i32 = arith.constant 0 : i32
    %c0_i32_0 = arith.constant 0 : i32
    %c0_i32_1 = arith.constant 0 : i32
    return %c0_i32, %c0_i32_0 : i32, i32
  }
  func.func @transform_12(%arg0: i32) -> (i32, i32) {
    %c0_i32 = arith.constant 0 : i32
    %c0_i32_0 = arith.constant 0 : i32
    %c0_i32_1 = arith.constant 0 : i32
    return %c0_i32, %c0_i32_0 : i32, i32
  }
  func.func @transform_13(%arg0: i32) -> (i32, i32) {
    %c0_i32 = arith.constant 0 : i32
    %c0_i32_0 = arith.constant 0 : i32
    %c0_i32_1 = arith.constant 0 : i32
    return %c0_i32, %c0_i32_0 : i32, i32
  }
  func.func @transform_14(%arg0: i32) -> (i32, i32) {
    %c0_i32 = arith.constant 0 : i32
    %c0_i32_0 = arith.constant 0 : i32
    %c0_i32_1 = arith.constant 0 : i32
    return %c0_i32, %c0_i32_0 : i32, i32
  }
  func.func @transform_15(%arg0: i32) -> (i32, i32) {
    %c0_i32 = arith.constant 0 : i32
    %c0_i32_0 = arith.constant 0 : i32
    %c0_i32_1 = arith.constant 0 : i32
    return %c0_i32, %c0_i32_0 : i32, i32
  }
  func.func @transform_16(%arg0: i32) -> (i32, i32) {
    %c0_i32 = arith.constant 0 : i32
    %c0_i32_0 = arith.constant 0 : i32
    return %arg0, %c0_i32 : i32, i32
  }
  func.func @transform_17(%arg0: i32) -> (i32, i32) {
    %c0_i32 = arith.constant 0 : i32
    %c0_i32_0 = arith.constant 0 : i32
    return %arg0, %c0_i32 : i32, i32
  }
  func.func @transform_18(%arg0: i32) -> (i32, i32) {
    %c0_i32 = arith.constant 0 : i32
    %c0_i32_0 = arith.constant 0 : i32
    return %arg0, %c0_i32 : i32, i32
  }
}

module attributes {stable_mosaic.version = 14 : i64} {
  func.func @_edge1_body(%arg0: i32, %arg1: memref<1600x256xf32, #tpu.memory_space<vmem>>, %arg2: memref<1600x128xi32, #tpu.memory_space<vmem>>, %arg3: memref<1600x128xi32, #tpu.memory_space<vmem>>, %arg4: memref<256x512xf32, #tpu.memory_space<vmem>>, %arg5: memref<1x512xf32, #tpu.memory_space<vmem>>, %arg6: memref<1x1xf32, #tpu.memory_space<vmem>>, %arg7: memref<256x128xf32, #tpu.memory_space<vmem>>, %arg8: memref<1600x128xf32, #tpu.memory_space<vmem>>) attributes {dimension_semantics = [#tpu.dimension_semantics<arbitrary>], iteration_bounds = array<i64: 48>, scalar_prefetch = 0 : i64, scratch_operands = 0 : i64, tpu.core_type = #tpu.core_type<tc>, window_params = [{transform_indices = @transform_0, window_bounds = array<i64: 1600, 256>}, {transform_indices = @transform_1, window_bounds = array<i64: 1600, 128>}, {transform_indices = @transform_2, window_bounds = array<i64: 1600, 128>}, {pipeline_mode = #tpu.pipeline_mode<synchronous>, transform_indices = @transform_3, window_bounds = array<i64: 256, 512>}, {pipeline_mode = #tpu.pipeline_mode<synchronous>, transform_indices = @transform_4, window_bounds = array<i64: 1, 512>}, {pipeline_mode = #tpu.pipeline_mode<synchronous>, transform_indices = @transform_5, window_bounds = array<i64: 1, 1>}, {pipeline_mode = #tpu.pipeline_mode<synchronous>, transform_indices = @transform_6, window_bounds = array<i64: 256, 128>}, {transform_indices = @transform_7, window_bounds = array<i64: 1600, 128>}]} {
    %get3A = arith.constant 0 : index
    %get3A_0 = arith.constant 0 : index
    %get3A_1 = vector.load %arg1[%get3A, %get3A_0] : memref<1600x256xf32, #tpu.memory_space<vmem>>, vector<1600x256xf32>
    %convert_element_type3A = arith.truncf %get3A_1 : vector<1600x256xf32> to vector<1600x256xbf16>
    %get3A_2 = arith.constant 0 : index
    %get3A_3 = arith.constant 0 : index
    %get3A_4 = vector.load %arg4[%get3A_2, %get3A_3] : memref<256x512xf32, #tpu.memory_space<vmem>>, vector<256x512xf32>
    %convert_element_type3A_5 = arith.truncf %get3A_4 : vector<256x512xf32> to vector<256x512xbf16>
    %dot_general3A = arith.constant dense<0.000000e+00> : vector<1600x512xf32>
    %dot_general3A_6 = tpu.matmul %convert_element_type3A, %convert_element_type3A_5, %dot_general3A {dimension_numbers = #tpu.dot_dimension_numbers<[1], [0], [0], [1], [0, 0, 1, 1], [], []>, transpose_lhs_hint = false} : vector<1600x256xbf16>, vector<256x512xbf16>, vector<1600x512xf32> -> vector<1600x512xf32>
    %get3A_7 = arith.constant 0 : index
    %get3A_8 = arith.constant 0 : index
    %get3A_9 = vector.load %arg2[%get3A_7, %get3A_8] : memref<1600x128xi32, #tpu.memory_space<vmem>>, vector<1600x128xi32>
    %bitcast_convert_type3A = tpu.bitcast %get3A_9 : vector<1600x128xi32> -> vector<1600x128xi32>
    %shift_right_logical3A = arith.constant 0 : i32
    %shift_right_logical3A_10 = vector.broadcast %shift_right_logical3A : i32 to vector<1600x128xi32>
    %shift_right_logical3A_11 = arith.shrui %bitcast_convert_type3A, %shift_right_logical3A_10 : vector<1600x128xi32>
    %and3A = arith.constant 255 : i32
    %and3A_12 = vector.broadcast %and3A : i32 to vector<1600x128xi32>
    %and3A_13 = arith.andi %shift_right_logical3A_11, %and3A_12 : vector<1600x128xi32>
    %convert_element_type3A_14 = arith.trunci %and3A_13 : vector<1600x128xi32> to vector<1600x128xi8>
    %bitcast_convert_type3A_15 = tpu.bitcast %convert_element_type3A_14 : vector<1600x128xi8> -> vector<1600x128xf8E4M3FN>
    %convert_element_type3A_16 = arith.extf %bitcast_convert_type3A_15 : vector<1600x128xf8E4M3FN> to vector<1600x128xf32>
    %mul3A = arith.constant 6.250000e-02 : f32
    %mul3A_17 = vector.broadcast %mul3A : f32 to vector<1600x128xf32>
    %mul3A_18 = arith.mulf %convert_element_type3A_16, %mul3A_17 : vector<1600x128xf32>
    %shift_right_logical3A_19 = arith.constant 8 : i32
    %shift_right_logical3A_20 = vector.broadcast %shift_right_logical3A_19 : i32 to vector<1600x128xi32>
    %shift_right_logical3A_21 = arith.shrui %bitcast_convert_type3A, %shift_right_logical3A_20 : vector<1600x128xi32>
    %and3A_22 = arith.constant 255 : i32
    %and3A_23 = vector.broadcast %and3A_22 : i32 to vector<1600x128xi32>
    %and3A_24 = arith.andi %shift_right_logical3A_21, %and3A_23 : vector<1600x128xi32>
    %convert_element_type3A_25 = arith.trunci %and3A_24 : vector<1600x128xi32> to vector<1600x128xi8>
    %bitcast_convert_type3A_26 = tpu.bitcast %convert_element_type3A_25 : vector<1600x128xi8> -> vector<1600x128xf8E4M3FN>
    %convert_element_type3A_27 = arith.extf %bitcast_convert_type3A_26 : vector<1600x128xf8E4M3FN> to vector<1600x128xf32>
    %mul3A_28 = arith.constant 6.250000e-02 : f32
    %mul3A_29 = vector.broadcast %mul3A_28 : f32 to vector<1600x128xf32>
    %mul3A_30 = arith.mulf %convert_element_type3A_27, %mul3A_29 : vector<1600x128xf32>
    %shift_right_logical3A_31 = arith.constant 16 : i32
    %shift_right_logical3A_32 = vector.broadcast %shift_right_logical3A_31 : i32 to vector<1600x128xi32>
    %shift_right_logical3A_33 = arith.shrui %bitcast_convert_type3A, %shift_right_logical3A_32 : vector<1600x128xi32>
    %and3A_34 = arith.constant 255 : i32
    %and3A_35 = vector.broadcast %and3A_34 : i32 to vector<1600x128xi32>
    %and3A_36 = arith.andi %shift_right_logical3A_33, %and3A_35 : vector<1600x128xi32>
    %convert_element_type3A_37 = arith.trunci %and3A_36 : vector<1600x128xi32> to vector<1600x128xi8>
    %bitcast_convert_type3A_38 = tpu.bitcast %convert_element_type3A_37 : vector<1600x128xi8> -> vector<1600x128xf8E4M3FN>
    %convert_element_type3A_39 = arith.extf %bitcast_convert_type3A_38 : vector<1600x128xf8E4M3FN> to vector<1600x128xf32>
    %mul3A_40 = arith.constant 6.250000e-02 : f32
    %mul3A_41 = vector.broadcast %mul3A_40 : f32 to vector<1600x128xf32>
    %mul3A_42 = arith.mulf %convert_element_type3A_39, %mul3A_41 : vector<1600x128xf32>
    %shift_right_logical3A_43 = arith.constant 24 : i32
    %shift_right_logical3A_44 = vector.broadcast %shift_right_logical3A_43 : i32 to vector<1600x128xi32>
    %shift_right_logical3A_45 = arith.shrui %bitcast_convert_type3A, %shift_right_logical3A_44 : vector<1600x128xi32>
    %and3A_46 = arith.constant 255 : i32
    %and3A_47 = vector.broadcast %and3A_46 : i32 to vector<1600x128xi32>
    %and3A_48 = arith.andi %shift_right_logical3A_45, %and3A_47 : vector<1600x128xi32>
    %convert_element_type3A_49 = arith.trunci %and3A_48 : vector<1600x128xi32> to vector<1600x128xi8>
    %bitcast_convert_type3A_50 = tpu.bitcast %convert_element_type3A_49 : vector<1600x128xi8> -> vector<1600x128xf8E4M3FN>
    %convert_element_type3A_51 = arith.extf %bitcast_convert_type3A_50 : vector<1600x128xf8E4M3FN> to vector<1600x128xf32>
    %mul3A_52 = arith.constant 6.250000e-02 : f32
    %mul3A_53 = vector.broadcast %mul3A_52 : f32 to vector<1600x128xf32>
    %mul3A_54 = arith.mulf %convert_element_type3A_51, %mul3A_53 : vector<1600x128xf32>
    %concatenate3A = tpu.concatenate %mul3A_18, %mul3A_30, %mul3A_42, %mul3A_54 in 1 : vector<1600x128xf32>, vector<1600x128xf32>, vector<1600x128xf32>, vector<1600x128xf32> -> vector<1600x512xf32>
    %get3A_55 = arith.constant 0 : index
    %get3A_56 = arith.constant 0 : index
    %get3A_57 = vector.load %arg3[%get3A_55, %get3A_56] : memref<1600x128xi32, #tpu.memory_space<vmem>>, vector<1600x128xi32>
    %bitcast_convert_type3A_58 = tpu.bitcast %get3A_57 : vector<1600x128xi32> -> vector<1600x128xi32>
    %shift_right_logical3A_59 = arith.constant 0 : i32
    %shift_right_logical3A_60 = vector.broadcast %shift_right_logical3A_59 : i32 to vector<1600x128xi32>
    %shift_right_logical3A_61 = arith.shrui %bitcast_convert_type3A_58, %shift_right_logical3A_60 : vector<1600x128xi32>
    %and3A_62 = arith.constant 255 : i32
    %and3A_63 = vector.broadcast %and3A_62 : i32 to vector<1600x128xi32>
    %and3A_64 = arith.andi %shift_right_logical3A_61, %and3A_63 : vector<1600x128xi32>
    %convert_element_type3A_65 = arith.trunci %and3A_64 : vector<1600x128xi32> to vector<1600x128xi8>
    %bitcast_convert_type3A_66 = tpu.bitcast %convert_element_type3A_65 : vector<1600x128xi8> -> vector<1600x128xf8E4M3FN>
    %convert_element_type3A_67 = arith.extf %bitcast_convert_type3A_66 : vector<1600x128xf8E4M3FN> to vector<1600x128xf32>
    %mul3A_68 = arith.constant 6.250000e-02 : f32
    %mul3A_69 = vector.broadcast %mul3A_68 : f32 to vector<1600x128xf32>
    %mul3A_70 = arith.mulf %convert_element_type3A_67, %mul3A_69 : vector<1600x128xf32>
    %shift_right_logical3A_71 = arith.constant 8 : i32
    %shift_right_logical3A_72 = vector.broadcast %shift_right_logical3A_71 : i32 to vector<1600x128xi32>
    %shift_right_logical3A_73 = arith.shrui %bitcast_convert_type3A_58, %shift_right_logical3A_72 : vector<1600x128xi32>
    %and3A_74 = arith.constant 255 : i32
    %and3A_75 = vector.broadcast %and3A_74 : i32 to vector<1600x128xi32>
    %and3A_76 = arith.andi %shift_right_logical3A_73, %and3A_75 : vector<1600x128xi32>
    %convert_element_type3A_77 = arith.trunci %and3A_76 : vector<1600x128xi32> to vector<1600x128xi8>
    %bitcast_convert_type3A_78 = tpu.bitcast %convert_element_type3A_77 : vector<1600x128xi8> -> vector<1600x128xf8E4M3FN>
    %convert_element_type3A_79 = arith.extf %bitcast_convert_type3A_78 : vector<1600x128xf8E4M3FN> to vector<1600x128xf32>
    %mul3A_80 = arith.constant 6.250000e-02 : f32
    %mul3A_81 = vector.broadcast %mul3A_80 : f32 to vector<1600x128xf32>
    %mul3A_82 = arith.mulf %convert_element_type3A_79, %mul3A_81 : vector<1600x128xf32>
    %shift_right_logical3A_83 = arith.constant 16 : i32
    %shift_right_logical3A_84 = vector.broadcast %shift_right_logical3A_83 : i32 to vector<1600x128xi32>
    %shift_right_logical3A_85 = arith.shrui %bitcast_convert_type3A_58, %shift_right_logical3A_84 : vector<1600x128xi32>
    %and3A_86 = arith.constant 255 : i32
    %and3A_87 = vector.broadcast %and3A_86 : i32 to vector<1600x128xi32>
    %and3A_88 = arith.andi %shift_right_logical3A_85, %and3A_87 : vector<1600x128xi32>
    %convert_element_type3A_89 = arith.trunci %and3A_88 : vector<1600x128xi32> to vector<1600x128xi8>
    %bitcast_convert_type3A_90 = tpu.bitcast %convert_element_type3A_89 : vector<1600x128xi8> -> vector<1600x128xf8E4M3FN>
    %convert_element_type3A_91 = arith.extf %bitcast_convert_type3A_90 : vector<1600x128xf8E4M3FN> to vector<1600x128xf32>
    %mul3A_92 = arith.constant 6.250000e-02 : f32
    %mul3A_93 = vector.broadcast %mul3A_92 : f32 to vector<1600x128xf32>
    %mul3A_94 = arith.mulf %convert_element_type3A_91, %mul3A_93 : vector<1600x128xf32>
    %shift_right_logical3A_95 = arith.constant 24 : i32
    %shift_right_logical3A_96 = vector.broadcast %shift_right_logical3A_95 : i32 to vector<1600x128xi32>
    %shift_right_logical3A_97 = arith.shrui %bitcast_convert_type3A_58, %shift_right_logical3A_96 : vector<1600x128xi32>
    %and3A_98 = arith.constant 255 : i32
    %and3A_99 = vector.broadcast %and3A_98 : i32 to vector<1600x128xi32>
    %and3A_100 = arith.andi %shift_right_logical3A_97, %and3A_99 : vector<1600x128xi32>
    %convert_element_type3A_101 = arith.trunci %and3A_100 : vector<1600x128xi32> to vector<1600x128xi8>
    %bitcast_convert_type3A_102 = tpu.bitcast %convert_element_type3A_101 : vector<1600x128xi8> -> vector<1600x128xf8E4M3FN>
    %convert_element_type3A_103 = arith.extf %bitcast_convert_type3A_102 : vector<1600x128xf8E4M3FN> to vector<1600x128xf32>
    %mul3A_104 = arith.constant 6.250000e-02 : f32
    %mul3A_105 = vector.broadcast %mul3A_104 : f32 to vector<1600x128xf32>
    %mul3A_106 = arith.mulf %convert_element_type3A_103, %mul3A_105 : vector<1600x128xf32>
    %concatenate3A_107 = tpu.concatenate %mul3A_70, %mul3A_82, %mul3A_94, %mul3A_106 in 1 : vector<1600x128xf32>, vector<1600x128xf32>, vector<1600x128xf32>, vector<1600x128xf32> -> vector<1600x512xf32>
    %add3A = arith.addf %concatenate3A, %concatenate3A_107 : vector<1600x512xf32>
    %add3A_108 = arith.addf %add3A, %dot_general3A_6 : vector<1600x512xf32>
    %tanh3A = math.tanh %add3A_108 : vector<1600x512xf32>
    %get3A_109 = arith.constant 0 : index
    %get3A_110 = arith.constant 0 : index
    %get3A_111 = vector.load %arg5[%get3A_109, %get3A_110] : memref<1x512xf32, #tpu.memory_space<vmem>>, vector<1x512xf32>
    %mul3A_112 = vector.broadcast %get3A_111 : vector<1x512xf32> to vector<1600x512xf32>
    %mul3A_113 = arith.mulf %tanh3A, %mul3A_112 : vector<1600x512xf32>
    %reduce_sum3A = arith.constant dense<0.000000e+00> : vector<1600xf32>
    %reduce_sum3A_114 = vector.multi_reduction <add>, %mul3A_113, %reduce_sum3A [1] : vector<1600x512xf32> to vector<1600xf32>
    %broadcast_in_dim3A = vector.shape_cast %reduce_sum3A_114 : vector<1600xf32> to vector<1600x1xf32>
    %get3A_115 = arith.constant 0 : index
    %get3A_116 = arith.constant 0 : index
    %get3A_117 = vector.load %arg6[%get3A_115, %get3A_116] : memref<1x1xf32, #tpu.memory_space<vmem>>, vector<1x1xf32>
    %add3A_118 = vector.broadcast %get3A_117 : vector<1x1xf32> to vector<1600x1xf32>
    %add3A_119 = arith.addf %broadcast_in_dim3A, %add3A_118 : vector<1600x1xf32>
    %logistic3A = arith.negf %add3A_119 : vector<1600x1xf32>
    %logistic3A_120 = math.exp %logistic3A : vector<1600x1xf32>
    %logistic3A_121 = arith.constant 1.000000e+00 : f32
    %logistic3A_122 = vector.broadcast %logistic3A_121 : f32 to vector<1600x1xf32>
    %logistic3A_123 = arith.addf %logistic3A_122, %logistic3A_120 : vector<1600x1xf32>
    %logistic3A_124 = arith.divf %logistic3A_122, %logistic3A_123 : vector<1600x1xf32>
    %get3A_125 = arith.constant 0 : index
    %get3A_126 = arith.constant 0 : index
    %get3A_127 = vector.load %arg7[%get3A_125, %get3A_126] : memref<256x128xf32, #tpu.memory_space<vmem>>, vector<256x128xf32>
    %convert_element_type3A_128 = arith.truncf %get3A_127 : vector<256x128xf32> to vector<256x128xbf16>
    %dot_general3A_129 = arith.constant dense<0.000000e+00> : vector<1600x128xf32>
    %dot_general3A_130 = tpu.matmul %convert_element_type3A, %convert_element_type3A_128, %dot_general3A_129 {dimension_numbers = #tpu.dot_dimension_numbers<[1], [0], [0], [1], [0, 0, 1, 1], [], []>, transpose_lhs_hint = false} : vector<1600x256xbf16>, vector<256x128xbf16>, vector<1600x128xf32> -> vector<1600x128xf32>
    %mul3A_131 = vector.broadcast %logistic3A_124 : vector<1600x1xf32> to vector<1600x128xf32>
    %mul3A_132 = arith.mulf %mul3A_131, %dot_general3A_130 : vector<1600x128xf32>
    %swap3A = arith.constant 0 : index
    %swap3A_133 = arith.constant 0 : index
    %swap3A_134 = vector.load %arg8[%swap3A, %swap3A_133] : memref<1600x128xf32, #tpu.memory_space<vmem>>, vector<1600x128xf32>
    tpu.vector_store %arg8[%swap3A, %swap3A_133], %mul3A_132 {strides = array<i32>} : memref<1600x128xf32, #tpu.memory_space<vmem>>, vector<1600x128xf32>,
    return
  }
  func.func @transform_0(%arg0: i32) -> (i32, i32) {
    %add3A = arith.constant 0 : i32
    %add3A_0 = arith.addi %arg0, %add3A : i32
    %c0_i32 = arith.constant 0 : i32
    %c0_i32_1 = arith.constant 0 : i32
    return %add3A_0, %c0_i32 : i32, i32
  }
  func.func @transform_1(%arg0: i32) -> (i32, i32) {
    %c0_i32 = arith.constant 0 : i32
    %c0_i32_0 = arith.constant 0 : i32
    return %arg0, %c0_i32 : i32, i32
  }
  func.func @transform_2(%arg0: i32) -> (i32, i32) {
    %c0_i32 = arith.constant 0 : i32
    %c0_i32_0 = arith.constant 0 : i32
    return %arg0, %c0_i32 : i32, i32
  }
  func.func @transform_3(%arg0: i32) -> (i32, i32) {
    %c0_i32 = arith.constant 0 : i32
    %c0_i32_0 = arith.constant 0 : i32
    %c0_i32_1 = arith.constant 0 : i32
    return %c0_i32, %c0_i32_0 : i32, i32
  }
  func.func @transform_4(%arg0: i32) -> (i32, i32) {
    %c0_i32 = arith.constant 0 : i32
    %c0_i32_0 = arith.constant 0 : i32
    %c0_i32_1 = arith.constant 0 : i32
    return %c0_i32, %c0_i32_0 : i32, i32
  }
  func.func @transform_5(%arg0: i32) -> (i32, i32) {
    %c0_i32 = arith.constant 0 : i32
    %c0_i32_0 = arith.constant 0 : i32
    %c0_i32_1 = arith.constant 0 : i32
    return %c0_i32, %c0_i32_0 : i32, i32
  }
  func.func @transform_6(%arg0: i32) -> (i32, i32) {
    %c0_i32 = arith.constant 0 : i32
    %c0_i32_0 = arith.constant 0 : i32
    %c0_i32_1 = arith.constant 0 : i32
    return %c0_i32, %c0_i32_0 : i32, i32
  }
  func.func @transform_7(%arg0: i32) -> (i32, i32) {
    %c0_i32 = arith.constant 0 : i32
    %c0_i32_0 = arith.constant 0 : i32
    return %arg0, %c0_i32 : i32, i32
  }
}

module attributes {stable_mosaic.version = 14 : i64} {
  func.func @_edge1_body(%arg0: i32, %arg1: memref<1600x256xf32, #tpu.memory_space<vmem>>, %arg2: memref<1600x128xi32, #tpu.memory_space<vmem>>, %arg3: memref<1600x128xi32, #tpu.memory_space<vmem>>, %arg4: memref<256x512xf32, #tpu.memory_space<vmem>>, %arg5: memref<1x512xf32, #tpu.memory_space<vmem>>, %arg6: memref<1x1xf32, #tpu.memory_space<vmem>>, %arg7: memref<256x128xf32, #tpu.memory_space<vmem>>, %arg8: memref<1600x128xf32, #tpu.memory_space<vmem>>) attributes {dimension_semantics = [#tpu.dimension_semantics<arbitrary>], iteration_bounds = array<i64: 52>, scalar_prefetch = 0 : i64, scratch_operands = 0 : i64, tpu.core_type = #tpu.core_type<tc>, window_params = [{transform_indices = @transform_0, window_bounds = array<i64: 1600, 256>}, {transform_indices = @transform_1, window_bounds = array<i64: 1600, 128>}, {transform_indices = @transform_2, window_bounds = array<i64: 1600, 128>}, {pipeline_mode = #tpu.pipeline_mode<synchronous>, transform_indices = @transform_3, window_bounds = array<i64: 256, 512>}, {pipeline_mode = #tpu.pipeline_mode<synchronous>, transform_indices = @transform_4, window_bounds = array<i64: 1, 512>}, {pipeline_mode = #tpu.pipeline_mode<synchronous>, transform_indices = @transform_5, window_bounds = array<i64: 1, 1>}, {pipeline_mode = #tpu.pipeline_mode<synchronous>, transform_indices = @transform_6, window_bounds = array<i64: 256, 128>}, {transform_indices = @transform_7, window_bounds = array<i64: 1600, 128>}]} {
    %get3A = arith.constant 0 : index
    %get3A_0 = arith.constant 0 : index
    %get3A_1 = vector.load %arg1[%get3A, %get3A_0] : memref<1600x256xf32, #tpu.memory_space<vmem>>, vector<1600x256xf32>
    %convert_element_type3A = arith.truncf %get3A_1 : vector<1600x256xf32> to vector<1600x256xbf16>
    %get3A_2 = arith.constant 0 : index
    %get3A_3 = arith.constant 0 : index
    %get3A_4 = vector.load %arg4[%get3A_2, %get3A_3] : memref<256x512xf32, #tpu.memory_space<vmem>>, vector<256x512xf32>
    %convert_element_type3A_5 = arith.truncf %get3A_4 : vector<256x512xf32> to vector<256x512xbf16>
    %dot_general3A = arith.constant dense<0.000000e+00> : vector<1600x512xf32>
    %dot_general3A_6 = tpu.matmul %convert_element_type3A, %convert_element_type3A_5, %dot_general3A {dimension_numbers = #tpu.dot_dimension_numbers<[1], [0], [0], [1], [0, 0, 1, 1], [], []>, transpose_lhs_hint = false} : vector<1600x256xbf16>, vector<256x512xbf16>, vector<1600x512xf32> -> vector<1600x512xf32>
    %get3A_7 = arith.constant 0 : index
    %get3A_8 = arith.constant 0 : index
    %get3A_9 = vector.load %arg2[%get3A_7, %get3A_8] : memref<1600x128xi32, #tpu.memory_space<vmem>>, vector<1600x128xi32>
    %bitcast_convert_type3A = tpu.bitcast %get3A_9 : vector<1600x128xi32> -> vector<1600x128xi32>
    %shift_right_logical3A = arith.constant 0 : i32
    %shift_right_logical3A_10 = vector.broadcast %shift_right_logical3A : i32 to vector<1600x128xi32>
    %shift_right_logical3A_11 = arith.shrui %bitcast_convert_type3A, %shift_right_logical3A_10 : vector<1600x128xi32>
    %and3A = arith.constant 255 : i32
    %and3A_12 = vector.broadcast %and3A : i32 to vector<1600x128xi32>
    %and3A_13 = arith.andi %shift_right_logical3A_11, %and3A_12 : vector<1600x128xi32>
    %convert_element_type3A_14 = arith.trunci %and3A_13 : vector<1600x128xi32> to vector<1600x128xi8>
    %bitcast_convert_type3A_15 = tpu.bitcast %convert_element_type3A_14 : vector<1600x128xi8> -> vector<1600x128xf8E4M3FN>
    %convert_element_type3A_16 = arith.extf %bitcast_convert_type3A_15 : vector<1600x128xf8E4M3FN> to vector<1600x128xf32>
    %mul3A = arith.constant 6.250000e-02 : f32
    %mul3A_17 = vector.broadcast %mul3A : f32 to vector<1600x128xf32>
    %mul3A_18 = arith.mulf %convert_element_type3A_16, %mul3A_17 : vector<1600x128xf32>
    %shift_right_logical3A_19 = arith.constant 8 : i32
    %shift_right_logical3A_20 = vector.broadcast %shift_right_logical3A_19 : i32 to vector<1600x128xi32>
    %shift_right_logical3A_21 = arith.shrui %bitcast_convert_type3A, %shift_right_logical3A_20 : vector<1600x128xi32>
    %and3A_22 = arith.constant 255 : i32
    %and3A_23 = vector.broadcast %and3A_22 : i32 to vector<1600x128xi32>
    %and3A_24 = arith.andi %shift_right_logical3A_21, %and3A_23 : vector<1600x128xi32>
    %convert_element_type3A_25 = arith.trunci %and3A_24 : vector<1600x128xi32> to vector<1600x128xi8>
    %bitcast_convert_type3A_26 = tpu.bitcast %convert_element_type3A_25 : vector<1600x128xi8> -> vector<1600x128xf8E4M3FN>
    %convert_element_type3A_27 = arith.extf %bitcast_convert_type3A_26 : vector<1600x128xf8E4M3FN> to vector<1600x128xf32>
    %mul3A_28 = arith.constant 6.250000e-02 : f32
    %mul3A_29 = vector.broadcast %mul3A_28 : f32 to vector<1600x128xf32>
    %mul3A_30 = arith.mulf %convert_element_type3A_27, %mul3A_29 : vector<1600x128xf32>
    %shift_right_logical3A_31 = arith.constant 16 : i32
    %shift_right_logical3A_32 = vector.broadcast %shift_right_logical3A_31 : i32 to vector<1600x128xi32>
    %shift_right_logical3A_33 = arith.shrui %bitcast_convert_type3A, %shift_right_logical3A_32 : vector<1600x128xi32>
    %and3A_34 = arith.constant 255 : i32
    %and3A_35 = vector.broadcast %and3A_34 : i32 to vector<1600x128xi32>
    %and3A_36 = arith.andi %shift_right_logical3A_33, %and3A_35 : vector<1600x128xi32>
    %convert_element_type3A_37 = arith.trunci %and3A_36 : vector<1600x128xi32> to vector<1600x128xi8>
    %bitcast_convert_type3A_38 = tpu.bitcast %convert_element_type3A_37 : vector<1600x128xi8> -> vector<1600x128xf8E4M3FN>
    %convert_element_type3A_39 = arith.extf %bitcast_convert_type3A_38 : vector<1600x128xf8E4M3FN> to vector<1600x128xf32>
    %mul3A_40 = arith.constant 6.250000e-02 : f32
    %mul3A_41 = vector.broadcast %mul3A_40 : f32 to vector<1600x128xf32>
    %mul3A_42 = arith.mulf %convert_element_type3A_39, %mul3A_41 : vector<1600x128xf32>
    %shift_right_logical3A_43 = arith.constant 24 : i32
    %shift_right_logical3A_44 = vector.broadcast %shift_right_logical3A_43 : i32 to vector<1600x128xi32>
    %shift_right_logical3A_45 = arith.shrui %bitcast_convert_type3A, %shift_right_logical3A_44 : vector<1600x128xi32>
    %and3A_46 = arith.constant 255 : i32
    %and3A_47 = vector.broadcast %and3A_46 : i32 to vector<1600x128xi32>
    %and3A_48 = arith.andi %shift_right_logical3A_45, %and3A_47 : vector<1600x128xi32>
    %convert_element_type3A_49 = arith.trunci %and3A_48 : vector<1600x128xi32> to vector<1600x128xi8>
    %bitcast_convert_type3A_50 = tpu.bitcast %convert_element_type3A_49 : vector<1600x128xi8> -> vector<1600x128xf8E4M3FN>
    %convert_element_type3A_51 = arith.extf %bitcast_convert_type3A_50 : vector<1600x128xf8E4M3FN> to vector<1600x128xf32>
    %mul3A_52 = arith.constant 6.250000e-02 : f32
    %mul3A_53 = vector.broadcast %mul3A_52 : f32 to vector<1600x128xf32>
    %mul3A_54 = arith.mulf %convert_element_type3A_51, %mul3A_53 : vector<1600x128xf32>
    %concatenate3A = tpu.concatenate %mul3A_18, %mul3A_30, %mul3A_42, %mul3A_54 in 1 : vector<1600x128xf32>, vector<1600x128xf32>, vector<1600x128xf32>, vector<1600x128xf32> -> vector<1600x512xf32>
    %get3A_55 = arith.constant 0 : index
    %get3A_56 = arith.constant 0 : index
    %get3A_57 = vector.load %arg3[%get3A_55, %get3A_56] : memref<1600x128xi32, #tpu.memory_space<vmem>>, vector<1600x128xi32>
    %bitcast_convert_type3A_58 = tpu.bitcast %get3A_57 : vector<1600x128xi32> -> vector<1600x128xi32>
    %shift_right_logical3A_59 = arith.constant 0 : i32
    %shift_right_logical3A_60 = vector.broadcast %shift_right_logical3A_59 : i32 to vector<1600x128xi32>
    %shift_right_logical3A_61 = arith.shrui %bitcast_convert_type3A_58, %shift_right_logical3A_60 : vector<1600x128xi32>
    %and3A_62 = arith.constant 255 : i32
    %and3A_63 = vector.broadcast %and3A_62 : i32 to vector<1600x128xi32>
    %and3A_64 = arith.andi %shift_right_logical3A_61, %and3A_63 : vector<1600x128xi32>
    %convert_element_type3A_65 = arith.trunci %and3A_64 : vector<1600x128xi32> to vector<1600x128xi8>
    %bitcast_convert_type3A_66 = tpu.bitcast %convert_element_type3A_65 : vector<1600x128xi8> -> vector<1600x128xf8E4M3FN>
    %convert_element_type3A_67 = arith.extf %bitcast_convert_type3A_66 : vector<1600x128xf8E4M3FN> to vector<1600x128xf32>
    %mul3A_68 = arith.constant 6.250000e-02 : f32
    %mul3A_69 = vector.broadcast %mul3A_68 : f32 to vector<1600x128xf32>
    %mul3A_70 = arith.mulf %convert_element_type3A_67, %mul3A_69 : vector<1600x128xf32>
    %shift_right_logical3A_71 = arith.constant 8 : i32
    %shift_right_logical3A_72 = vector.broadcast %shift_right_logical3A_71 : i32 to vector<1600x128xi32>
    %shift_right_logical3A_73 = arith.shrui %bitcast_convert_type3A_58, %shift_right_logical3A_72 : vector<1600x128xi32>
    %and3A_74 = arith.constant 255 : i32
    %and3A_75 = vector.broadcast %and3A_74 : i32 to vector<1600x128xi32>
    %and3A_76 = arith.andi %shift_right_logical3A_73, %and3A_75 : vector<1600x128xi32>
    %convert_element_type3A_77 = arith.trunci %and3A_76 : vector<1600x128xi32> to vector<1600x128xi8>
    %bitcast_convert_type3A_78 = tpu.bitcast %convert_element_type3A_77 : vector<1600x128xi8> -> vector<1600x128xf8E4M3FN>
    %convert_element_type3A_79 = arith.extf %bitcast_convert_type3A_78 : vector<1600x128xf8E4M3FN> to vector<1600x128xf32>
    %mul3A_80 = arith.constant 6.250000e-02 : f32
    %mul3A_81 = vector.broadcast %mul3A_80 : f32 to vector<1600x128xf32>
    %mul3A_82 = arith.mulf %convert_element_type3A_79, %mul3A_81 : vector<1600x128xf32>
    %shift_right_logical3A_83 = arith.constant 16 : i32
    %shift_right_logical3A_84 = vector.broadcast %shift_right_logical3A_83 : i32 to vector<1600x128xi32>
    %shift_right_logical3A_85 = arith.shrui %bitcast_convert_type3A_58, %shift_right_logical3A_84 : vector<1600x128xi32>
    %and3A_86 = arith.constant 255 : i32
    %and3A_87 = vector.broadcast %and3A_86 : i32 to vector<1600x128xi32>
    %and3A_88 = arith.andi %shift_right_logical3A_85, %and3A_87 : vector<1600x128xi32>
    %convert_element_type3A_89 = arith.trunci %and3A_88 : vector<1600x128xi32> to vector<1600x128xi8>
    %bitcast_convert_type3A_90 = tpu.bitcast %convert_element_type3A_89 : vector<1600x128xi8> -> vector<1600x128xf8E4M3FN>
    %convert_element_type3A_91 = arith.extf %bitcast_convert_type3A_90 : vector<1600x128xf8E4M3FN> to vector<1600x128xf32>
    %mul3A_92 = arith.constant 6.250000e-02 : f32
    %mul3A_93 = vector.broadcast %mul3A_92 : f32 to vector<1600x128xf32>
    %mul3A_94 = arith.mulf %convert_element_type3A_91, %mul3A_93 : vector<1600x128xf32>
    %shift_right_logical3A_95 = arith.constant 24 : i32
    %shift_right_logical3A_96 = vector.broadcast %shift_right_logical3A_95 : i32 to vector<1600x128xi32>
    %shift_right_logical3A_97 = arith.shrui %bitcast_convert_type3A_58, %shift_right_logical3A_96 : vector<1600x128xi32>
    %and3A_98 = arith.constant 255 : i32
    %and3A_99 = vector.broadcast %and3A_98 : i32 to vector<1600x128xi32>
    %and3A_100 = arith.andi %shift_right_logical3A_97, %and3A_99 : vector<1600x128xi32>
    %convert_element_type3A_101 = arith.trunci %and3A_100 : vector<1600x128xi32> to vector<1600x128xi8>
    %bitcast_convert_type3A_102 = tpu.bitcast %convert_element_type3A_101 : vector<1600x128xi8> -> vector<1600x128xf8E4M3FN>
    %convert_element_type3A_103 = arith.extf %bitcast_convert_type3A_102 : vector<1600x128xf8E4M3FN> to vector<1600x128xf32>
    %mul3A_104 = arith.constant 6.250000e-02 : f32
    %mul3A_105 = vector.broadcast %mul3A_104 : f32 to vector<1600x128xf32>
    %mul3A_106 = arith.mulf %convert_element_type3A_103, %mul3A_105 : vector<1600x128xf32>
    %concatenate3A_107 = tpu.concatenate %mul3A_70, %mul3A_82, %mul3A_94, %mul3A_106 in 1 : vector<1600x128xf32>, vector<1600x128xf32>, vector<1600x128xf32>, vector<1600x128xf32> -> vector<1600x512xf32>
    %add3A = arith.addf %concatenate3A, %concatenate3A_107 : vector<1600x512xf32>
    %add3A_108 = arith.addf %add3A, %dot_general3A_6 : vector<1600x512xf32>
    %tanh3A = math.tanh %add3A_108 : vector<1600x512xf32>
    %get3A_109 = arith.constant 0 : index
    %get3A_110 = arith.constant 0 : index
    %get3A_111 = vector.load %arg5[%get3A_109, %get3A_110] : memref<1x512xf32, #tpu.memory_space<vmem>>, vector<1x512xf32>
    %mul3A_112 = vector.broadcast %get3A_111 : vector<1x512xf32> to vector<1600x512xf32>
    %mul3A_113 = arith.mulf %tanh3A, %mul3A_112 : vector<1600x512xf32>
    %reduce_sum3A = arith.constant dense<0.000000e+00> : vector<1600xf32>
    %reduce_sum3A_114 = vector.multi_reduction <add>, %mul3A_113, %reduce_sum3A [1] : vector<1600x512xf32> to vector<1600xf32>
    %broadcast_in_dim3A = vector.shape_cast %reduce_sum3A_114 : vector<1600xf32> to vector<1600x1xf32>
    %get3A_115 = arith.constant 0 : index
    %get3A_116 = arith.constant 0 : index
    %get3A_117 = vector.load %arg6[%get3A_115, %get3A_116] : memref<1x1xf32, #tpu.memory_space<vmem>>, vector<1x1xf32>
    %add3A_118 = vector.broadcast %get3A_117 : vector<1x1xf32> to vector<1600x1xf32>
    %add3A_119 = arith.addf %broadcast_in_dim3A, %add3A_118 : vector<1600x1xf32>
    %logistic3A = arith.negf %add3A_119 : vector<1600x1xf32>
    %logistic3A_120 = math.exp %logistic3A : vector<1600x1xf32>
    %logistic3A_121 = arith.constant 1.000000e+00 : f32
    %logistic3A_122 = vector.broadcast %logistic3A_121 : f32 to vector<1600x1xf32>
    %logistic3A_123 = arith.addf %logistic3A_122, %logistic3A_120 : vector<1600x1xf32>
    %logistic3A_124 = arith.divf %logistic3A_122, %logistic3A_123 : vector<1600x1xf32>
    %get3A_125 = arith.constant 0 : index
    %get3A_126 = arith.constant 0 : index
    %get3A_127 = vector.load %arg7[%get3A_125, %get3A_126] : memref<256x128xf32, #tpu.memory_space<vmem>>, vector<256x128xf32>
    %convert_element_type3A_128 = arith.truncf %get3A_127 : vector<256x128xf32> to vector<256x128xbf16>
    %dot_general3A_129 = arith.constant dense<0.000000e+00> : vector<1600x128xf32>
    %dot_general3A_130 = tpu.matmul %convert_element_type3A, %convert_element_type3A_128, %dot_general3A_129 {dimension_numbers = #tpu.dot_dimension_numbers<[1], [0], [0], [1], [0, 0, 1, 1], [], []>, transpose_lhs_hint = false} : vector<1600x256xbf16>, vector<256x128xbf16>, vector<1600x128xf32> -> vector<1600x128xf32>
    %mul3A_131 = vector.broadcast %logistic3A_124 : vector<1600x1xf32> to vector<1600x128xf32>
    %mul3A_132 = arith.mulf %mul3A_131, %dot_general3A_130 : vector<1600x128xf32>
    %swap3A = arith.constant 0 : index
    %swap3A_133 = arith.constant 0 : index
    %swap3A_134 = vector.load %arg8[%swap3A, %swap3A_133] : memref<1600x128xf32, #tpu.memory_space<vmem>>, vector<1600x128xf32>
    tpu.vector_store %arg8[%swap3A, %swap3A_133], %mul3A_132 {strides = array<i32>} : memref<1600x128xf32, #tpu.memory_space<vmem>>, vector<1600x128xf32>,
    return
  }
  func.func @transform_0(%arg0: i32) -> (i32, i32) {
    %add3A = arith.constant 48 : i32
    %add3A_0 = arith.addi %arg0, %add3A : i32
    %c0_i32 = arith.constant 0 : i32
    %c0_i32_1 = arith.constant 0 : i32
    return %add3A_0, %c0_i32 : i32, i32
  }
  func.func @transform_1(%arg0: i32) -> (i32, i32) {
    %c0_i32 = arith.constant 0 : i32
    %c0_i32_0 = arith.constant 0 : i32
    return %arg0, %c0_i32 : i32, i32
  }
  func.func @transform_2(%arg0: i32) -> (i32, i32) {
    %c0_i32 = arith.constant 0 : i32
    %c0_i32_0 = arith.constant 0 : i32
    return %arg0, %c0_i32 : i32, i32
  }
  func.func @transform_3(%arg0: i32) -> (i32, i32) {
    %c0_i32 = arith.constant 0 : i32
    %c0_i32_0 = arith.constant 0 : i32
    %c0_i32_1 = arith.constant 0 : i32
    return %c0_i32, %c0_i32_0 : i32, i32
  }
  func.func @transform_4(%arg0: i32) -> (i32, i32) {
    %c0_i32 = arith.constant 0 : i32
    %c0_i32_0 = arith.constant 0 : i32
    %c0_i32_1 = arith.constant 0 : i32
    return %c0_i32, %c0_i32_0 : i32, i32
  }
  func.func @transform_5(%arg0: i32) -> (i32, i32) {
    %c0_i32 = arith.constant 0 : i32
    %c0_i32_0 = arith.constant 0 : i32
    %c0_i32_1 = arith.constant 0 : i32
    return %c0_i32, %c0_i32_0 : i32, i32
  }
  func.func @transform_6(%arg0: i32) -> (i32, i32) {
    %c0_i32 = arith.constant 0 : i32
    %c0_i32_0 = arith.constant 0 : i32
    %c0_i32_1 = arith.constant 0 : i32
    return %c0_i32, %c0_i32_0 : i32, i32
  }
  func.func @transform_7(%arg0: i32) -> (i32, i32) {
    %c0_i32 = arith.constant 0 : i32
    %c0_i32_0 = arith.constant 0 : i32
    return %arg0, %c0_i32 : i32, i32
  }
}

module attributes {stable_mosaic.version = 14 : i64} {
  func.func @_combine_body(%arg0: i32, %arg1: memref<1024x128xf32, #tpu.memory_space<vmem>>, %arg2: memref<1024x128xf32, #tpu.memory_space<vmem>>, %arg3: memref<1024x128xf32, #tpu.memory_space<vmem>>, %arg4: memref<1024x128xf32, #tpu.memory_space<vmem>>, %arg5: memref<1024x64xi32, #tpu.memory_space<vmem>>, %arg6: memref<1024x128xi32, #tpu.memory_space<vmem>>) attributes {dimension_semantics = [#tpu.dimension_semantics<arbitrary>], iteration_bounds = array<i64: 10>, scalar_prefetch = 0 : i64, scratch_operands = 0 : i64, tpu.core_type = #tpu.core_type<tc>, window_params = [{transform_indices = @transform_0, window_bounds = array<i64: 1024, 128>}, {transform_indices = @transform_1, window_bounds = array<i64: 1024, 128>}, {transform_indices = @transform_2, window_bounds = array<i64: 1024, 128>}, {transform_indices = @transform_3, window_bounds = array<i64: 1024, 128>}, {transform_indices = @transform_4, window_bounds = array<i64: 1024, 64>}, {transform_indices = @transform_5, window_bounds = array<i64: 1024, 128>}]} {
    %get3A = arith.constant 0 : index
    %get3A_0 = arith.constant 0 : index
    %get3A_1 = vector.load %arg1[%get3A, %get3A_0] : memref<1024x128xf32, #tpu.memory_space<vmem>>, vector<1024x128xf32>
    %get3A_2 = arith.constant 0 : index
    %get3A_3 = arith.constant 0 : index
    %get3A_4 = vector.load %arg2[%get3A_2, %get3A_3] : memref<1024x128xf32, #tpu.memory_space<vmem>>, vector<1024x128xf32>
    %add3A = arith.addf %get3A_1, %get3A_4 : vector<1024x128xf32>
    %get3A_5 = arith.constant 0 : index
    %get3A_6 = arith.constant 0 : index
    %get3A_7 = vector.load %arg3[%get3A_5, %get3A_6] : memref<1024x128xf32, #tpu.memory_space<vmem>>, vector<1024x128xf32>
    %add3A_8 = arith.addf %add3A, %get3A_7 : vector<1024x128xf32>
    %get3A_9 = arith.constant 0 : index
    %get3A_10 = arith.constant 0 : index
    %get3A_11 = vector.load %arg4[%get3A_9, %get3A_10] : memref<1024x128xf32, #tpu.memory_space<vmem>>, vector<1024x128xf32>
    %add3A_12 = arith.addf %add3A_8, %get3A_11 : vector<1024x128xf32>
    %get3A_13 = arith.constant 0 : index
    %get3A_14 = arith.constant 0 : index
    %get3A_15 = vector.load %arg5[%get3A_13, %get3A_14] : memref<1024x64xi32, #tpu.memory_space<vmem>>, vector<1024x64xi32>
    %convert_element_type3A = arith.truncf %add3A_12 : vector<1024x128xf32> to vector<1024x128xbf16>
    %slice3A = vector.extract_strided_slice %convert_element_type3A {offsets = [0, 0], sizes = [1024, 64], strides = [1, 1]} : vector<1024x128xbf16> to vector<1024x64xbf16>
    %bitcast_convert_type3A = tpu.bitcast %slice3A : vector<1024x64xbf16> -> vector<1024x64xi16>
    %convert_element_type3A_16 = arith.extui %bitcast_convert_type3A : vector<1024x64xi16> to vector<1024x64xi32>
    %slice3A_17 = vector.extract_strided_slice %convert_element_type3A {offsets = [0, 64], sizes = [1024, 64], strides = [1, 1]} : vector<1024x128xbf16> to vector<1024x64xbf16>
    %bitcast_convert_type3A_18 = tpu.bitcast %slice3A_17 : vector<1024x64xbf16> -> vector<1024x64xi16>
    %convert_element_type3A_19 = arith.extui %bitcast_convert_type3A_18 : vector<1024x64xi16> to vector<1024x64xi32>
    %shift_left3A = arith.constant 16 : i32
    %shift_left3A_20 = vector.broadcast %shift_left3A : i32 to vector<1024x64xi32>
    %shift_left3A_21 = arith.shli %convert_element_type3A_19, %shift_left3A_20 : vector<1024x64xi32>
    %or3A = arith.ori %convert_element_type3A_16, %shift_left3A_21 : vector<1024x64xi32>
    %bitcast_convert_type3A_22 = tpu.bitcast %or3A : vector<1024x64xi32> -> vector<1024x64xi32>
    %concatenate3A = tpu.concatenate %get3A_15, %bitcast_convert_type3A_22 in 1 : vector<1024x64xi32>, vector<1024x64xi32> -> vector<1024x128xi32>
    %swap3A = arith.constant 0 : index
    %swap3A_23 = arith.constant 0 : index
    %swap3A_24 = vector.load %arg6[%swap3A, %swap3A_23] : memref<1024x128xi32, #tpu.memory_space<vmem>>, vector<1024x128xi32>
    tpu.vector_store %arg6[%swap3A, %swap3A_23], %concatenate3A {strides = array<i32>} : memref<1024x128xi32, #tpu.memory_space<vmem>>, vector<1024x128xi32>,
    return
  }
  func.func @transform_0(%arg0: i32) -> (i32, i32) {
    %c0_i32 = arith.constant 0 : i32
    %c0_i32_0 = arith.constant 0 : i32
    return %arg0, %c0_i32 : i32, i32
  }
  func.func @transform_1(%arg0: i32) -> (i32, i32) {
    %add3A = arith.constant 10 : i32
    %add3A_0 = arith.addi %arg0, %add3A : i32
    %c0_i32 = arith.constant 0 : i32
    %c0_i32_1 = arith.constant 0 : i32
    return %add3A_0, %c0_i32 : i32, i32
  }
  func.func @transform_2(%arg0: i32) -> (i32, i32) {
    %c0_i32 = arith.constant 0 : i32
    %c0_i32_0 = arith.constant 0 : i32
    return %arg0, %c0_i32 : i32, i32
  }
  func.func @transform_3(%arg0: i32) -> (i32, i32) {
    %add3A = arith.constant 10 : i32
    %add3A_0 = arith.addi %arg0, %add3A : i32
    %c0_i32 = arith.constant 0 : i32
    %c0_i32_1 = arith.constant 0 : i32
    return %add3A_0, %c0_i32 : i32, i32
  }
  func.func @transform_4(%arg0: i32) -> (i32, i32) {
    %c0_i32 = arith.constant 0 : i32
    %c0_i32_0 = arith.constant 0 : i32
    return %arg0, %c0_i32 : i32, i32
  }
  func.func @transform_5(%arg0: i32) -> (i32, i32) {
    %c0_i32 = arith.constant 0 : i32
    %c0_i32_0 = arith.constant 0 : i32
    return %arg0, %c0_i32 : i32, i32
  }
}

module attributes {stable_mosaic.version = 14 : i64} {
  func.func @_edge2_body(%arg0: i32, %arg1: memref<1600x128xi32, #tpu.memory_space<vmem>>, %arg2: memref<1600x128xi32, #tpu.memory_space<vmem>>, %arg3: memref<1600x128xf32, #tpu.memory_space<vmem>>, %arg4: memref<1600x64xf32, #tpu.memory_space<vmem>>, %arg5: memref<256x64xf32, #tpu.memory_space<vmem>>, %arg6: memref<64x64xf32, #tpu.memory_space<vmem>>, %arg7: memref<1x64xf32, #tpu.memory_space<vmem>>, %arg8: memref<1600x51xf32, #tpu.memory_space<vmem>>) attributes {dimension_semantics = [#tpu.dimension_semantics<arbitrary>], iteration_bounds = array<i64: 48>, scalar_prefetch = 0 : i64, scratch_operands = 0 : i64, tpu.core_type = #tpu.core_type<tc>, window_params = [{transform_indices = @transform_0, window_bounds = array<i64: 1600, 128>}, {transform_indices = @transform_1, window_bounds = array<i64: 1600, 128>}, {transform_indices = @transform_2, window_bounds = array<i64: 1600, 128>}, {transform_indices = @transform_3, window_bounds = array<i64: 1600, 64>}, {pipeline_mode = #tpu.pipeline_mode<synchronous>, transform_indices = @transform_4, window_bounds = array<i64: 256, 64>}, {pipeline_mode = #tpu.pipeline_mode<synchronous>, transform_indices = @transform_5, window_bounds = array<i64: 64, 64>}, {pipeline_mode = #tpu.pipeline_mode<synchronous>, transform_indices = @transform_6, window_bounds = array<i64: 1, 64>}, {transform_indices = @transform_7, window_bounds = array<i64: 1600, 51>}]} {
    %get3A = arith.constant 0 : index
    %get3A_0 = arith.constant 0 : index
    %get3A_1 = vector.load %arg1[%get3A, %get3A_0] : memref<1600x128xi32, #tpu.memory_space<vmem>>, vector<1600x128xi32>
    %slice3A = vector.extract_strided_slice %get3A_1 {offsets = [0, 0], sizes = [1600, 64], strides = [1, 1]} : vector<1600x128xi32> to vector<1600x64xi32>
    %bitcast_convert_type3A = tpu.bitcast %slice3A : vector<1600x64xi32> -> vector<1600x64xi32>
    %shift_right_logical3A = arith.constant 0 : i32
    %shift_right_logical3A_2 = vector.broadcast %shift_right_logical3A : i32 to vector<1600x64xi32>
    %shift_right_logical3A_3 = arith.shrui %bitcast_convert_type3A, %shift_right_logical3A_2 : vector<1600x64xi32>
    %and3A = arith.constant 255 : i32
    %and3A_4 = vector.broadcast %and3A : i32 to vector<1600x64xi32>
    %and3A_5 = arith.andi %shift_right_logical3A_3, %and3A_4 : vector<1600x64xi32>
    %convert_element_type3A = arith.trunci %and3A_5 : vector<1600x64xi32> to vector<1600x64xi8>
    %bitcast_convert_type3A_6 = tpu.bitcast %convert_element_type3A : vector<1600x64xi8> -> vector<1600x64xf8E4M3FN>
    %convert_element_type3A_7 = arith.extf %bitcast_convert_type3A_6 : vector<1600x64xf8E4M3FN> to vector<1600x64xf32>
    %mul3A = arith.constant 2.500000e-01 : f32
    %mul3A_8 = vector.broadcast %mul3A : f32 to vector<1600x64xf32>
    %mul3A_9 = arith.mulf %convert_element_type3A_7, %mul3A_8 : vector<1600x64xf32>
    %shift_right_logical3A_10 = arith.constant 8 : i32
    %shift_right_logical3A_11 = vector.broadcast %shift_right_logical3A_10 : i32 to vector<1600x64xi32>
    %shift_right_logical3A_12 = arith.shrui %bitcast_convert_type3A, %shift_right_logical3A_11 : vector<1600x64xi32>
    %and3A_13 = arith.constant 255 : i32
    %and3A_14 = vector.broadcast %and3A_13 : i32 to vector<1600x64xi32>
    %and3A_15 = arith.andi %shift_right_logical3A_12, %and3A_14 : vector<1600x64xi32>
    %convert_element_type3A_16 = arith.trunci %and3A_15 : vector<1600x64xi32> to vector<1600x64xi8>
    %bitcast_convert_type3A_17 = tpu.bitcast %convert_element_type3A_16 : vector<1600x64xi8> -> vector<1600x64xf8E4M3FN>
    %convert_element_type3A_18 = arith.extf %bitcast_convert_type3A_17 : vector<1600x64xf8E4M3FN> to vector<1600x64xf32>
    %mul3A_19 = arith.constant 2.500000e-01 : f32
    %mul3A_20 = vector.broadcast %mul3A_19 : f32 to vector<1600x64xf32>
    %mul3A_21 = arith.mulf %convert_element_type3A_18, %mul3A_20 : vector<1600x64xf32>
    %shift_right_logical3A_22 = arith.constant 16 : i32
    %shift_right_logical3A_23 = vector.broadcast %shift_right_logical3A_22 : i32 to vector<1600x64xi32>
    %shift_right_logical3A_24 = arith.shrui %bitcast_convert_type3A, %shift_right_logical3A_23 : vector<1600x64xi32>
    %and3A_25 = arith.constant 255 : i32
    %and3A_26 = vector.broadcast %and3A_25 : i32 to vector<1600x64xi32>
    %and3A_27 = arith.andi %shift_right_logical3A_24, %and3A_26 : vector<1600x64xi32>
    %convert_element_type3A_28 = arith.trunci %and3A_27 : vector<1600x64xi32> to vector<1600x64xi8>
    %bitcast_convert_type3A_29 = tpu.bitcast %convert_element_type3A_28 : vector<1600x64xi8> -> vector<1600x64xf8E4M3FN>
    %convert_element_type3A_30 = arith.extf %bitcast_convert_type3A_29 : vector<1600x64xf8E4M3FN> to vector<1600x64xf32>
    %mul3A_31 = arith.constant 2.500000e-01 : f32
    %mul3A_32 = vector.broadcast %mul3A_31 : f32 to vector<1600x64xf32>
    %mul3A_33 = arith.mulf %convert_element_type3A_30, %mul3A_32 : vector<1600x64xf32>
    %shift_right_logical3A_34 = arith.constant 24 : i32
    %shift_right_logical3A_35 = vector.broadcast %shift_right_logical3A_34 : i32 to vector<1600x64xi32>
    %shift_right_logical3A_36 = arith.shrui %bitcast_convert_type3A, %shift_right_logical3A_35 : vector<1600x64xi32>
    %and3A_37 = arith.constant 255 : i32
    %and3A_38 = vector.broadcast %and3A_37 : i32 to vector<1600x64xi32>
    %and3A_39 = arith.andi %shift_right_logical3A_36, %and3A_38 : vector<1600x64xi32>
    %convert_element_type3A_40 = arith.trunci %and3A_39 : vector<1600x64xi32> to vector<1600x64xi8>
    %bitcast_convert_type3A_41 = tpu.bitcast %convert_element_type3A_40 : vector<1600x64xi8> -> vector<1600x64xf8E4M3FN>
    %convert_element_type3A_42 = arith.extf %bitcast_convert_type3A_41 : vector<1600x64xf8E4M3FN> to vector<1600x64xf32>
    %mul3A_43 = arith.constant 2.500000e-01 : f32
    %mul3A_44 = vector.broadcast %mul3A_43 : f32 to vector<1600x64xf32>
    %mul3A_45 = arith.mulf %convert_element_type3A_42, %mul3A_44 : vector<1600x64xf32>
    %concatenate3A = tpu.concatenate %mul3A_9, %mul3A_21, %mul3A_33, %mul3A_45 in 1 : vector<1600x64xf32>, vector<1600x64xf32>, vector<1600x64xf32>, vector<1600x64xf32> -> vector<1600x256xf32>
    %slice3A_46 = vector.extract_strided_slice %get3A_1 {offsets = [0, 64], sizes = [1600, 64], strides = [1, 1]} : vector<1600x128xi32> to vector<1600x64xi32>
    %bitcast_convert_type3A_47 = tpu.bitcast %slice3A_46 : vector<1600x64xi32> -> vector<1600x64xi32>
    %and3A_48 = arith.constant 65535 : i32
    %and3A_49 = vector.broadcast %and3A_48 : i32 to vector<1600x64xi32>
    %and3A_50 = arith.andi %bitcast_convert_type3A_47, %and3A_49 : vector<1600x64xi32>
    %convert_element_type3A_51 = arith.trunci %and3A_50 : vector<1600x64xi32> to vector<1600x64xi16>
    %bitcast_convert_type3A_52 = tpu.bitcast %convert_element_type3A_51 : vector<1600x64xi16> -> vector<1600x64xbf16>
    %convert_element_type3A_53 = arith.extf %bitcast_convert_type3A_52 : vector<1600x64xbf16> to vector<1600x64xf32>
    %shift_right_logical3A_54 = arith.constant 16 : i32
    %shift_right_logical3A_55 = vector.broadcast %shift_right_logical3A_54 : i32 to vector<1600x64xi32>
    %shift_right_logical3A_56 = arith.shrui %bitcast_convert_type3A_47, %shift_right_logical3A_55 : vector<1600x64xi32>
    %convert_element_type3A_57 = arith.trunci %shift_right_logical3A_56 : vector<1600x64xi32> to vector<1600x64xi16>
    %bitcast_convert_type3A_58 = tpu.bitcast %convert_element_type3A_57 : vector<1600x64xi16> -> vector<1600x64xbf16>
    %convert_element_type3A_59 = arith.extf %bitcast_convert_type3A_58 : vector<1600x64xbf16> to vector<1600x64xf32>
    %concatenate3A_60 = tpu.concatenate %convert_element_type3A_53, %convert_element_type3A_59 in 1 : vector<1600x64xf32>, vector<1600x64xf32> -> vector<1600x128xf32>
    %get3A_61 = arith.constant 0 : index
    %get3A_62 = arith.constant 0 : index
    %get3A_63 = vector.load %arg2[%get3A_61, %get3A_62] : memref<1600x128xi32, #tpu.memory_space<vmem>>, vector<1600x128xi32>
    %bitcast_convert_type3A_64 = tpu.bitcast %get3A_63 : vector<1600x128xi32> -> vector<1600x128xi32>
    %and3A_65 = arith.constant 65535 : i32
    %and3A_66 = vector.broadcast %and3A_65 : i32 to vector<1600x128xi32>
    %and3A_67 = arith.andi %bitcast_convert_type3A_64, %and3A_66 : vector<1600x128xi32>
    %convert_element_type3A_68 = arith.trunci %and3A_67 : vector<1600x128xi32> to vector<1600x128xi16>
    %bitcast_convert_type3A_69 = tpu.bitcast %convert_element_type3A_68 : vector<1600x128xi16> -> vector<1600x128xbf16>
    %convert_element_type3A_70 = arith.extf %bitcast_convert_type3A_69 : vector<1600x128xbf16> to vector<1600x128xf32>
    %shift_right_logical3A_71 = arith.constant 16 : i32
    %shift_right_logical3A_72 = vector.broadcast %shift_right_logical3A_71 : i32 to vector<1600x128xi32>
    %shift_right_logical3A_73 = arith.shrui %bitcast_convert_type3A_64, %shift_right_logical3A_72 : vector<1600x128xi32>
    %convert_element_type3A_74 = arith.trunci %shift_right_logical3A_73 : vector<1600x128xi32> to vector<1600x128xi16>
    %bitcast_convert_type3A_75 = tpu.bitcast %convert_element_type3A_74 : vector<1600x128xi16> -> vector<1600x128xbf16>
    %convert_element_type3A_76 = arith.extf %bitcast_convert_type3A_75 : vector<1600x128xbf16> to vector<1600x128xf32>
    %concatenate3A_77 = tpu.concatenate %convert_element_type3A_70, %convert_element_type3A_76 in 1 : vector<1600x128xf32>, vector<1600x128xf32> -> vector<1600x256xf32>
    %mul3A_78 = arith.mulf %concatenate3A, %concatenate3A_77 : vector<1600x256xf32>
    %get3A_79 = arith.constant 0 : index
    %get3A_80 = arith.constant 0 : index
    %get3A_81 = vector.load %arg5[%get3A_79, %get3A_80] : memref<256x64xf32, #tpu.memory_space<vmem>>, vector<256x64xf32>
    %dot_general3A = arith.constant dense<0.000000e+00> : vector<1600x64xf32>
    %dot_general3A_82 = tpu.matmul %mul3A_78, %get3A_81, %dot_general3A {dimension_numbers = #tpu.dot_dimension_numbers<[1], [0], [0], [1], [0, 0, 1, 1], [], []>, transpose_lhs_hint = false} : vector<1600x256xf32>, vector<256x64xf32>, vector<1600x64xf32> -> vector<1600x64xf32>
    %get3A_83 = arith.constant 0 : index
    %get3A_84 = arith.constant 0 : index
    %get3A_85 = vector.load %arg4[%get3A_83, %get3A_84] : memref<1600x64xf32, #tpu.memory_space<vmem>>, vector<1600x64xf32>
    %get3A_86 = arith.constant 0 : index
    %get3A_87 = arith.constant 0 : index
    %get3A_88 = vector.load %arg6[%get3A_86, %get3A_87] : memref<64x64xf32, #tpu.memory_space<vmem>>, vector<64x64xf32>
    %dot_general3A_89 = arith.constant dense<0.000000e+00> : vector<1600x64xf32>
    %dot_general3A_90 = tpu.matmul %get3A_85, %get3A_88, %dot_general3A_89 {dimension_numbers = #tpu.dot_dimension_numbers<[1], [0], [0], [1], [0, 0, 1, 1], [], []>, transpose_lhs_hint = false} : vector<1600x64xf32>, vector<64x64xf32>, vector<1600x64xf32> -> vector<1600x64xf32>
    %add3A = arith.addf %dot_general3A_82, %dot_general3A_90 : vector<1600x64xf32>
    %slice3A_91 = vector.extract_strided_slice %concatenate3A_60 {offsets = [0, 0], sizes = [1600, 64], strides = [1, 1]} : vector<1600x128xf32> to vector<1600x64xf32>
    %add3A_92 = arith.addf %add3A, %slice3A_91 : vector<1600x64xf32>
    %get3A_93 = arith.constant 0 : index
    %get3A_94 = arith.constant 0 : index
    %get3A_95 = vector.load %arg3[%get3A_93, %get3A_94] : memref<1600x128xf32, #tpu.memory_space<vmem>>, vector<1600x128xf32>
    %slice3A_96 = vector.extract_strided_slice %get3A_95 {offsets = [0, 0], sizes = [1600, 64], strides = [1, 1]} : vector<1600x128xf32> to vector<1600x64xf32>
    %add3A_97 = arith.addf %add3A_92, %slice3A_96 : vector<1600x64xf32>
    %get3A_98 = arith.constant 0 : index
    %get3A_99 = arith.constant 0 : index
    %get3A_100 = vector.load %arg7[%get3A_98, %get3A_99] : memref<1x64xf32, #tpu.memory_space<vmem>>, vector<1x64xf32>
    %add3A_101 = vector.broadcast %get3A_100 : vector<1x64xf32> to vector<1600x64xf32>
    %add3A_102 = arith.addf %add3A_97, %add3A_101 : vector<1600x64xf32>
    %slice3A_103 = vector.extract_strided_slice %add3A_102 {offsets = [0, 0], sizes = [1600, 51], strides = [1, 1]} : vector<1600x64xf32> to vector<1600x51xf32>
    %swap3A = arith.constant 0 : index
    %swap3A_104 = arith.constant 0 : index
    %swap3A_105 = vector.load %arg8[%swap3A, %swap3A_104] : memref<1600x51xf32, #tpu.memory_space<vmem>>, vector<1600x51xf32>
    tpu.vector_store %arg8[%swap3A, %swap3A_104], %slice3A_103 {strides = array<i32>} : memref<1600x51xf32, #tpu.memory_space<vmem>>, vector<1600x51xf32>,
    return
  }
  func.func @transform_0(%arg0: i32) -> (i32, i32) {
    %c0_i32 = arith.constant 0 : i32
    %c0_i32_0 = arith.constant 0 : i32
    return %arg0, %c0_i32 : i32, i32
  }
  func.func @transform_1(%arg0: i32) -> (i32, i32) {
    %c1_i32 = arith.constant 1 : i32
    %c0_i32 = arith.constant 0 : i32
    return %arg0, %c1_i32 : i32, i32
  }
  func.func @transform_2(%arg0: i32) -> (i32, i32) {
    %c0_i32 = arith.constant 0 : i32
    %c0_i32_0 = arith.constant 0 : i32
    return %arg0, %c0_i32 : i32, i32
  }
  func.func @transform_3(%arg0: i32) -> (i32, i32) {
    %add3A = arith.constant 0 : i32
    %add3A_0 = arith.addi %arg0, %add3A : i32
    %c0_i32 = arith.constant 0 : i32
    %c0_i32_1 = arith.constant 0 : i32
    return %add3A_0, %c0_i32 : i32, i32
  }
  func.func @transform_4(%arg0: i32) -> (i32, i32) {
    %c0_i32 = arith.constant 0 : i32
    %c0_i32_0 = arith.constant 0 : i32
    %c0_i32_1 = arith.constant 0 : i32
    return %c0_i32, %c0_i32_0 : i32, i32
  }
  func.func @transform_5(%arg0: i32) -> (i32, i32) {
    %c0_i32 = arith.constant 0 : i32
    %c0_i32_0 = arith.constant 0 : i32
    %c0_i32_1 = arith.constant 0 : i32
    return %c0_i32, %c0_i32_0 : i32, i32
  }
  func.func @transform_6(%arg0: i32) -> (i32, i32) {
    %c0_i32 = arith.constant 0 : i32
    %c0_i32_0 = arith.constant 0 : i32
    %c0_i32_1 = arith.constant 0 : i32
    return %c0_i32, %c0_i32_0 : i32, i32
  }
  func.func @transform_7(%arg0: i32) -> (i32, i32) {
    %c0_i32 = arith.constant 0 : i32
    %c0_i32_0 = arith.constant 0 : i32
    return %arg0, %c0_i32 : i32, i32
  }
}

module attributes {stable_mosaic.version = 14 : i64} {
  func.func @_edge2_body(%arg0: i32, %arg1: memref<1600x128xi32, #tpu.memory_space<vmem>>, %arg2: memref<1600x128xi32, #tpu.memory_space<vmem>>, %arg3: memref<1600x128xf32, #tpu.memory_space<vmem>>, %arg4: memref<1600x64xf32, #tpu.memory_space<vmem>>, %arg5: memref<256x64xf32, #tpu.memory_space<vmem>>, %arg6: memref<64x64xf32, #tpu.memory_space<vmem>>, %arg7: memref<1x64xf32, #tpu.memory_space<vmem>>, %arg8: memref<1600x51xf32, #tpu.memory_space<vmem>>) attributes {dimension_semantics = [#tpu.dimension_semantics<arbitrary>], iteration_bounds = array<i64: 52>, scalar_prefetch = 0 : i64, scratch_operands = 0 : i64, tpu.core_type = #tpu.core_type<tc>, window_params = [{transform_indices = @transform_0, window_bounds = array<i64: 1600, 128>}, {transform_indices = @transform_1, window_bounds = array<i64: 1600, 128>}, {transform_indices = @transform_2, window_bounds = array<i64: 1600, 128>}, {transform_indices = @transform_3, window_bounds = array<i64: 1600, 64>}, {pipeline_mode = #tpu.pipeline_mode<synchronous>, transform_indices = @transform_4, window_bounds = array<i64: 256, 64>}, {pipeline_mode = #tpu.pipeline_mode<synchronous>, transform_indices = @transform_5, window_bounds = array<i64: 64, 64>}, {pipeline_mode = #tpu.pipeline_mode<synchronous>, transform_indices = @transform_6, window_bounds = array<i64: 1, 64>}, {transform_indices = @transform_7, window_bounds = array<i64: 1600, 51>}]} {
    %get3A = arith.constant 0 : index
    %get3A_0 = arith.constant 0 : index
    %get3A_1 = vector.load %arg1[%get3A, %get3A_0] : memref<1600x128xi32, #tpu.memory_space<vmem>>, vector<1600x128xi32>
    %slice3A = vector.extract_strided_slice %get3A_1 {offsets = [0, 0], sizes = [1600, 64], strides = [1, 1]} : vector<1600x128xi32> to vector<1600x64xi32>
    %bitcast_convert_type3A = tpu.bitcast %slice3A : vector<1600x64xi32> -> vector<1600x64xi32>
    %shift_right_logical3A = arith.constant 0 : i32
    %shift_right_logical3A_2 = vector.broadcast %shift_right_logical3A : i32 to vector<1600x64xi32>
    %shift_right_logical3A_3 = arith.shrui %bitcast_convert_type3A, %shift_right_logical3A_2 : vector<1600x64xi32>
    %and3A = arith.constant 255 : i32
    %and3A_4 = vector.broadcast %and3A : i32 to vector<1600x64xi32>
    %and3A_5 = arith.andi %shift_right_logical3A_3, %and3A_4 : vector<1600x64xi32>
    %convert_element_type3A = arith.trunci %and3A_5 : vector<1600x64xi32> to vector<1600x64xi8>
    %bitcast_convert_type3A_6 = tpu.bitcast %convert_element_type3A : vector<1600x64xi8> -> vector<1600x64xf8E4M3FN>
    %convert_element_type3A_7 = arith.extf %bitcast_convert_type3A_6 : vector<1600x64xf8E4M3FN> to vector<1600x64xf32>
    %mul3A = arith.constant 2.500000e-01 : f32
    %mul3A_8 = vector.broadcast %mul3A : f32 to vector<1600x64xf32>
    %mul3A_9 = arith.mulf %convert_element_type3A_7, %mul3A_8 : vector<1600x64xf32>
    %shift_right_logical3A_10 = arith.constant 8 : i32
    %shift_right_logical3A_11 = vector.broadcast %shift_right_logical3A_10 : i32 to vector<1600x64xi32>
    %shift_right_logical3A_12 = arith.shrui %bitcast_convert_type3A, %shift_right_logical3A_11 : vector<1600x64xi32>
    %and3A_13 = arith.constant 255 : i32
    %and3A_14 = vector.broadcast %and3A_13 : i32 to vector<1600x64xi32>
    %and3A_15 = arith.andi %shift_right_logical3A_12, %and3A_14 : vector<1600x64xi32>
    %convert_element_type3A_16 = arith.trunci %and3A_15 : vector<1600x64xi32> to vector<1600x64xi8>
    %bitcast_convert_type3A_17 = tpu.bitcast %convert_element_type3A_16 : vector<1600x64xi8> -> vector<1600x64xf8E4M3FN>
    %convert_element_type3A_18 = arith.extf %bitcast_convert_type3A_17 : vector<1600x64xf8E4M3FN> to vector<1600x64xf32>
    %mul3A_19 = arith.constant 2.500000e-01 : f32
    %mul3A_20 = vector.broadcast %mul3A_19 : f32 to vector<1600x64xf32>
    %mul3A_21 = arith.mulf %convert_element_type3A_18, %mul3A_20 : vector<1600x64xf32>
    %shift_right_logical3A_22 = arith.constant 16 : i32
    %shift_right_logical3A_23 = vector.broadcast %shift_right_logical3A_22 : i32 to vector<1600x64xi32>
    %shift_right_logical3A_24 = arith.shrui %bitcast_convert_type3A, %shift_right_logical3A_23 : vector<1600x64xi32>
    %and3A_25 = arith.constant 255 : i32
    %and3A_26 = vector.broadcast %and3A_25 : i32 to vector<1600x64xi32>
    %and3A_27 = arith.andi %shift_right_logical3A_24, %and3A_26 : vector<1600x64xi32>
    %convert_element_type3A_28 = arith.trunci %and3A_27 : vector<1600x64xi32> to vector<1600x64xi8>
    %bitcast_convert_type3A_29 = tpu.bitcast %convert_element_type3A_28 : vector<1600x64xi8> -> vector<1600x64xf8E4M3FN>
    %convert_element_type3A_30 = arith.extf %bitcast_convert_type3A_29 : vector<1600x64xf8E4M3FN> to vector<1600x64xf32>
    %mul3A_31 = arith.constant 2.500000e-01 : f32
    %mul3A_32 = vector.broadcast %mul3A_31 : f32 to vector<1600x64xf32>
    %mul3A_33 = arith.mulf %convert_element_type3A_30, %mul3A_32 : vector<1600x64xf32>
    %shift_right_logical3A_34 = arith.constant 24 : i32
    %shift_right_logical3A_35 = vector.broadcast %shift_right_logical3A_34 : i32 to vector<1600x64xi32>
    %shift_right_logical3A_36 = arith.shrui %bitcast_convert_type3A, %shift_right_logical3A_35 : vector<1600x64xi32>
    %and3A_37 = arith.constant 255 : i32
    %and3A_38 = vector.broadcast %and3A_37 : i32 to vector<1600x64xi32>
    %and3A_39 = arith.andi %shift_right_logical3A_36, %and3A_38 : vector<1600x64xi32>
    %convert_element_type3A_40 = arith.trunci %and3A_39 : vector<1600x64xi32> to vector<1600x64xi8>
    %bitcast_convert_type3A_41 = tpu.bitcast %convert_element_type3A_40 : vector<1600x64xi8> -> vector<1600x64xf8E4M3FN>
    %convert_element_type3A_42 = arith.extf %bitcast_convert_type3A_41 : vector<1600x64xf8E4M3FN> to vector<1600x64xf32>
    %mul3A_43 = arith.constant 2.500000e-01 : f32
    %mul3A_44 = vector.broadcast %mul3A_43 : f32 to vector<1600x64xf32>
    %mul3A_45 = arith.mulf %convert_element_type3A_42, %mul3A_44 : vector<1600x64xf32>
    %concatenate3A = tpu.concatenate %mul3A_9, %mul3A_21, %mul3A_33, %mul3A_45 in 1 : vector<1600x64xf32>, vector<1600x64xf32>, vector<1600x64xf32>, vector<1600x64xf32> -> vector<1600x256xf32>
    %slice3A_46 = vector.extract_strided_slice %get3A_1 {offsets = [0, 64], sizes = [1600, 64], strides = [1, 1]} : vector<1600x128xi32> to vector<1600x64xi32>
    %bitcast_convert_type3A_47 = tpu.bitcast %slice3A_46 : vector<1600x64xi32> -> vector<1600x64xi32>
    %and3A_48 = arith.constant 65535 : i32
    %and3A_49 = vector.broadcast %and3A_48 : i32 to vector<1600x64xi32>
    %and3A_50 = arith.andi %bitcast_convert_type3A_47, %and3A_49 : vector<1600x64xi32>
    %convert_element_type3A_51 = arith.trunci %and3A_50 : vector<1600x64xi32> to vector<1600x64xi16>
    %bitcast_convert_type3A_52 = tpu.bitcast %convert_element_type3A_51 : vector<1600x64xi16> -> vector<1600x64xbf16>
    %convert_element_type3A_53 = arith.extf %bitcast_convert_type3A_52 : vector<1600x64xbf16> to vector<1600x64xf32>
    %shift_right_logical3A_54 = arith.constant 16 : i32
    %shift_right_logical3A_55 = vector.broadcast %shift_right_logical3A_54 : i32 to vector<1600x64xi32>
    %shift_right_logical3A_56 = arith.shrui %bitcast_convert_type3A_47, %shift_right_logical3A_55 : vector<1600x64xi32>
    %convert_element_type3A_57 = arith.trunci %shift_right_logical3A_56 : vector<1600x64xi32> to vector<1600x64xi16>
    %bitcast_convert_type3A_58 = tpu.bitcast %convert_element_type3A_57 : vector<1600x64xi16> -> vector<1600x64xbf16>
    %convert_element_type3A_59 = arith.extf %bitcast_convert_type3A_58 : vector<1600x64xbf16> to vector<1600x64xf32>
    %concatenate3A_60 = tpu.concatenate %convert_element_type3A_53, %convert_element_type3A_59 in 1 : vector<1600x64xf32>, vector<1600x64xf32> -> vector<1600x128xf32>
    %get3A_61 = arith.constant 0 : index
    %get3A_62 = arith.constant 0 : index
    %get3A_63 = vector.load %arg2[%get3A_61, %get3A_62] : memref<1600x128xi32, #tpu.memory_space<vmem>>, vector<1600x128xi32>
    %bitcast_convert_type3A_64 = tpu.bitcast %get3A_63 : vector<1600x128xi32> -> vector<1600x128xi32>
    %and3A_65 = arith.constant 65535 : i32
    %and3A_66 = vector.broadcast %and3A_65 : i32 to vector<1600x128xi32>
    %and3A_67 = arith.andi %bitcast_convert_type3A_64, %and3A_66 : vector<1600x128xi32>
    %convert_element_type3A_68 = arith.trunci %and3A_67 : vector<1600x128xi32> to vector<1600x128xi16>
    %bitcast_convert_type3A_69 = tpu.bitcast %convert_element_type3A_68 : vector<1600x128xi16> -> vector<1600x128xbf16>
    %convert_element_type3A_70 = arith.extf %bitcast_convert_type3A_69 : vector<1600x128xbf16> to vector<1600x128xf32>
    %shift_right_logical3A_71 = arith.constant 16 : i32
    %shift_right_logical3A_72 = vector.broadcast %shift_right_logical3A_71 : i32 to vector<1600x128xi32>
    %shift_right_logical3A_73 = arith.shrui %bitcast_convert_type3A_64, %shift_right_logical3A_72 : vector<1600x128xi32>
    %convert_element_type3A_74 = arith.trunci %shift_right_logical3A_73 : vector<1600x128xi32> to vector<1600x128xi16>
    %bitcast_convert_type3A_75 = tpu.bitcast %convert_element_type3A_74 : vector<1600x128xi16> -> vector<1600x128xbf16>
    %convert_element_type3A_76 = arith.extf %bitcast_convert_type3A_75 : vector<1600x128xbf16> to vector<1600x128xf32>
    %concatenate3A_77 = tpu.concatenate %convert_element_type3A_70, %convert_element_type3A_76 in 1 : vector<1600x128xf32>, vector<1600x128xf32> -> vector<1600x256xf32>
    %mul3A_78 = arith.mulf %concatenate3A, %concatenate3A_77 : vector<1600x256xf32>
    %get3A_79 = arith.constant 0 : index
    %get3A_80 = arith.constant 0 : index
    %get3A_81 = vector.load %arg5[%get3A_79, %get3A_80] : memref<256x64xf32, #tpu.memory_space<vmem>>, vector<256x64xf32>
    %dot_general3A = arith.constant dense<0.000000e+00> : vector<1600x64xf32>
    %dot_general3A_82 = tpu.matmul %mul3A_78, %get3A_81, %dot_general3A {dimension_numbers = #tpu.dot_dimension_numbers<[1], [0], [0], [1], [0, 0, 1, 1], [], []>, transpose_lhs_hint = false} : vector<1600x256xf32>, vector<256x64xf32>, vector<1600x64xf32> -> vector<1600x64xf32>
    %get3A_83 = arith.constant 0 : index
    %get3A_84 = arith.constant 0 : index
    %get3A_85 = vector.load %arg4[%get3A_83, %get3A_84] : memref<1600x64xf32, #tpu.memory_space<vmem>>, vector<1600x64xf32>
    %get3A_86 = arith.constant 0 : index
    %get3A_87 = arith.constant 0 : index
    %get3A_88 = vector.load %arg6[%get3A_86, %get3A_87] : memref<64x64xf32, #tpu.memory_space<vmem>>, vector<64x64xf32>
    %dot_general3A_89 = arith.constant dense<0.000000e+00> : vector<1600x64xf32>
    %dot_general3A_90 = tpu.matmul %get3A_85, %get3A_88, %dot_general3A_89 {dimension_numbers = #tpu.dot_dimension_numbers<[1], [0], [0], [1], [0, 0, 1, 1], [], []>, transpose_lhs_hint = false} : vector<1600x64xf32>, vector<64x64xf32>, vector<1600x64xf32> -> vector<1600x64xf32>
    %add3A = arith.addf %dot_general3A_82, %dot_general3A_90 : vector<1600x64xf32>
    %slice3A_91 = vector.extract_strided_slice %concatenate3A_60 {offsets = [0, 0], sizes = [1600, 64], strides = [1, 1]} : vector<1600x128xf32> to vector<1600x64xf32>
    %add3A_92 = arith.addf %add3A, %slice3A_91 : vector<1600x64xf32>
    %get3A_93 = arith.constant 0 : index
    %get3A_94 = arith.constant 0 : index
    %get3A_95 = vector.load %arg3[%get3A_93, %get3A_94] : memref<1600x128xf32, #tpu.memory_space<vmem>>, vector<1600x128xf32>
    %slice3A_96 = vector.extract_strided_slice %get3A_95 {offsets = [0, 0], sizes = [1600, 64], strides = [1, 1]} : vector<1600x128xf32> to vector<1600x64xf32>
    %add3A_97 = arith.addf %add3A_92, %slice3A_96 : vector<1600x64xf32>
    %get3A_98 = arith.constant 0 : index
    %get3A_99 = arith.constant 0 : index
    %get3A_100 = vector.load %arg7[%get3A_98, %get3A_99] : memref<1x64xf32, #tpu.memory_space<vmem>>, vector<1x64xf32>
    %add3A_101 = vector.broadcast %get3A_100 : vector<1x64xf32> to vector<1600x64xf32>
    %add3A_102 = arith.addf %add3A_97, %add3A_101 : vector<1600x64xf32>
    %slice3A_103 = vector.extract_strided_slice %add3A_102 {offsets = [0, 0], sizes = [1600, 51], strides = [1, 1]} : vector<1600x64xf32> to vector<1600x51xf32>
    %swap3A = arith.constant 0 : index
    %swap3A_104 = arith.constant 0 : index
    %swap3A_105 = vector.load %arg8[%swap3A, %swap3A_104] : memref<1600x51xf32, #tpu.memory_space<vmem>>, vector<1600x51xf32>
    tpu.vector_store %arg8[%swap3A, %swap3A_104], %slice3A_103 {strides = array<i32>} : memref<1600x51xf32, #tpu.memory_space<vmem>>, vector<1600x51xf32>,
    return
  }
  func.func @transform_0(%arg0: i32) -> (i32, i32) {
    %c0_i32 = arith.constant 0 : i32
    %c0_i32_0 = arith.constant 0 : i32
    return %arg0, %c0_i32 : i32, i32
  }
  func.func @transform_1(%arg0: i32) -> (i32, i32) {
    %c1_i32 = arith.constant 1 : i32
    %c0_i32 = arith.constant 0 : i32
    return %arg0, %c1_i32 : i32, i32
  }
  func.func @transform_2(%arg0: i32) -> (i32, i32) {
    %c0_i32 = arith.constant 0 : i32
    %c0_i32_0 = arith.constant 0 : i32
    return %arg0, %c0_i32 : i32, i32
  }
  func.func @transform_3(%arg0: i32) -> (i32, i32) {
    %add3A = arith.constant 48 : i32
    %add3A_0 = arith.addi %arg0, %add3A : i32
    %c0_i32 = arith.constant 0 : i32
    %c0_i32_1 = arith.constant 0 : i32
    return %add3A_0, %c0_i32 : i32, i32
  }
  func.func @transform_4(%arg0: i32) -> (i32, i32) {
    %c0_i32 = arith.constant 0 : i32
    %c0_i32_0 = arith.constant 0 : i32
    %c0_i32_1 = arith.constant 0 : i32
    return %c0_i32, %c0_i32_0 : i32, i32
  }
  func.func @transform_5(%arg0: i32) -> (i32, i32) {
    %c0_i32 = arith.constant 0 : i32
    %c0_i32_0 = arith.constant 0 : i32
    %c0_i32_1 = arith.constant 0 : i32
    return %c0_i32, %c0_i32_0 : i32, i32
  }
  func.func @transform_6(%arg0: i32) -> (i32, i32) {
    %c0_i32 = arith.constant 0 : i32
    %c0_i32_0 = arith.constant 0 : i32
    %c0_i32_1 = arith.constant 0 : i32
    return %c0_i32, %c0_i32_0 : i32, i32
  }
  func.func @transform_7(%arg0: i32) -> (i32, i32) {
    %c0_i32 = arith.constant 0 : i32
    %c0_i32_0 = arith.constant 0 : i32
    return %arg0, %c0_i32 : i32, i32
  }
}

</mosaic_0001>

<sc_bundles>
// kernel: kernel.14.cloned.1.call-start
scs
__scs_entry_jumppad:
0x0: {  	(pc) =	sbr.rel $0x88, $3  }
0x1: {  	(tag) =	ssettag $0x0;
	lr =	simm.s32 $0x1  }
0x2: {  	[smem:$0x3F8A] =	sst lr;
	_ =	strace $0xD0000000  }
0x3: {  	_ = 	snop  }
0x4: {  	_ = 	snop  }
0x5: {  	_ = 	snop  }
0x6: {  	_ = 	snop  }
0x7: {  	_ = 	snop  }
__scs_overlays_trampoline_lowered:
0x8: {  	[smem:$0x3F99] =	sst s0  }
0x9: {  	[smem:$0x3F9A] =	sst s1  }
0xa: {  	[smem:$0x3F9B] =	sst s2  }
0xb: {  	[smem:$0x3F9C] =	sst s3  }
0xc: {  	[smem:$0x3F9D] =	sst s4  }
0xd: {  	[smem:$0x3F9E] =	sst s5  }
0xe: {  	[smem:$0x3F9F] =	sst s6  }
0xf: {  	[smem:$0x3FA0] =	sst s7  }
0x10: {  	[smem:$0x3FA1] =	sst s8  }
0x11: {  	[smem:$0x3FA2] =	sst s9;
	s0 =	simm.s32 @!p0 $0x0  }
0x12: {  	s1 =	sld [smem:$0x3F88];
	s0 =	simm.s32 @p0 $0x1  }
0x13: {  	[smem:$0x3FA3] =	sst s0;
	s0 =	simm.s32 @!p1 $0x0  }
0x14: {  	s2 =	sld [smem:$0x3F87];
	s0 =	simm.s32 @p1 $0x1  }
0x15: {  	[smem:$0x3FA4] =	sst s0;
	s0 =	simm.s32 @!p2 $0x0  }
0x16: {  	s3 =	sld [smem:$0x3FDB];
	s0 =	simm.s32 @p2 $0x1  }
0x17: {  	s4 =	simm.s32 $0x1BF5;
	[smem:$0x3FA6] =	sst s0  }
0x18: {  	s0 =	sld [smem:$0x3F89];
	_ =	swait.ge [sflag:s4], $0x0  }
0x19: {  	s7 =	sld [smem:$0x3F8A]  }
0x1a: {  	s8 =	sadd.s32 $0xFFFFE003, lr  }
0x1b: {  	s9 =	sadd.s32 $0xFFFFFEF7, lr;
	s5 =	simm.s32 $0xFFFFFFFF;
	p2 =	slt.u32 s8, $0xFFFFF086  }
0x1c: {  	p1 =	slt.u32 s9, $0xF7A;
	s5 =	simm.s32 @!p2 $0x0  }
0x1d: {  	s5 =	simm.s32 @p1 $0x1;
	p0 =	seq.s32 s7, s2  }
0x1e: {  	s7 =	smul.u32 @!p0 $0xF7A, s2;
	p2 =	seq.s32 @!p0 s5, $0x0  }
0x1f: {  	s9 =	smul.u32 $0xF7A, s1;
	s8 =	simm.s32 @!p0 $0x1BF5;
	p2 =	por !p2, p0  }
0x20: {  	[sflag:s8] =	ssyncset.s32 @!p0 $0xFFFFF086;
	s6 =	sadd.s32 @!p0 s3, s7;
	s7 =	simm.s32 @!p0 $0x108  }
0x21: {  	s3 =	sadd.s32 s3, s9;
	s6 =	sadd.s32 @!p0 $0x88, s6;
	s7 =	simm.s32 @p2 $0x1082  }
0x22: {  	[simem:s7], [sflag:s8] =	dma.local @!p0 [hbm:s6], $0xF7A  }
0x23: {  	s9 =	sor.u32 $0xD0000000, s2;
	s6 =	simm.s32 $0x108;
	_ =	swait.ge @!p0 [sflag:s8], $0x0  }
0x24: {  	s3 =	sadd.s32 $0x88, s3;
	s6 =	simm.s32 @!p1 $0x1082;
	[sflag:s4] =	ssyncset.s32 $0xFFFFF086  }
0x25: {  	[simem:s6], [sflag:s4] =	dma.local [hbm:s3], $0xF7A  }
0x26: {  	[smem:$0x3F8A] =	sst s1;
	(tag) =	ssettag s2;
	_ =	strace s9  }
0x27: {  	s1 =	sld [smem:$0x3F9A]  }
0x28: {  	s2 =	sld [smem:$0x3F9B]  }
0x29: {  	s4 =	sld [smem:$0x3F9D]  }
0x2a: {  	p0 =	seq.s32 s5, $0x0;
	s5 =	sld [smem:$0x3F9E]  }
0x2b: {  	s6 =	sld [smem:$0x3F9F]  }
0x2c: {  	s7 =	sld [smem:$0x3FA0]  }
0x2d: {  	s3 =	simm.s32 $0x108;
	s8 =	sld [smem:$0x3FA1]  }
0x2e: {  	s3 =	simm.s32 @!p0 $0x1082;
	s9 =	sld [smem:$0x3FA2]  }
0x2f: {  	lr =	sadd.s32 s0, s3;
	s0 =	sld [smem:$0x3F99]  }
0x30: {  	s3 =	sld [smem:$0x3F9C]  }
0x31: {  	[smem:$0x3FA5] =	sst s10  }
0x32: {  	s10 =	sld [smem:$0x3FA3];
	_ =	sdelay $0x3  }
0x33: {  	p0 =	seq.s32 s10, $0x1;
	s10 =	sld [smem:$0x3FA5];
	_ =	sdelay $0x3  }
0x34: {  	[smem:$0x3FA5] =	sst s10  }
0x35: {  	s10 =	sld [smem:$0x3FA4];
	_ =	sdelay $0x3  }
0x36: {  	p1 =	seq.s32 s10, $0x1;
	s10 =	sld [smem:$0x3FA5];
	_ =	sdelay $0x3  }
0x37: {  	[smem:$0x3FA5] =	sst s10  }
0x38: {  	s10 =	sld [smem:$0x3FA6]  }
0x39: {  	_ = 	snop;
	(pc) =	sbr.ind lr, $3  }
0x3a: {  	_ = 	snop  }
0x3b: {  	_ = 	snop  }
0x3c: {  	p2 =	seq.s32 s10, $0x1;
	s10 =	sld [smem:$0x3FA5]  }
0x3d: {  	_ =	shalt  }
0x3e: {  	_ =	shalt  }
0x3f: {  	_ =	shalt  }
0x40: {  	_ =	shalt  }
0x41: {  	_ =	shalt  }
0x42: {  	_ =	shalt  }
0x43: {  	_ =	shalt  }
0x44: {  	_ =	shalt  }
0x45: {  	_ =	shalt  }
0x46: {  	_ =	shalt  }
0x47: {  	_ =	shalt  }
0x48: {  	_ =	shalt  }
0x49: {  	_ =	shalt  }
0x4a: {  	_ =	shalt  }
0x4b: {  	_ =	shalt  }
0x4c: {  	_ =	shalt  }
0x4d: {  	_ =	shalt  }
0x4e: {  	_ =	shalt  }
0x4f: {  	_ =	shalt  }
0x50: {  	_ =	shalt  }
0x51: {  	_ =	shalt  }
0x52: {  	_ =	shalt  }
0x53: {  	_ =	shalt  }
0x54: {  	_ =	shalt  }
0x55: {  	_ =	shalt  }
0x56: {  	_ =	shalt  }
0x57: {  	_ =	shalt  }
0x58: {  	_ =	shalt  }
0x59: {  	_ =	shalt  }
0x5a: {  	_ =	shalt  }
0x5b: {  	_ =	shalt  }
0x5c: {  	_ =	shalt  }
0x5d: {  	_ =	shalt  }
0x5e: {  	_ =	shalt  }
0x5f: {  	_ =	shalt  }
0x60: {  	_ =	shalt  }
0x61: {  	_ =	shalt  }
0x62: {  	_ =	shalt  }
0x63: {  	_ =	shalt  }
0x64: {  	_ =	shalt  }
0x65: {  	_ =	shalt  }
0x66: {  	_ =	shalt  }
0x67: {  	_ =	shalt  }
0x68: {  	_ =	shalt  }
0x69: {  	_ =	shalt  }
0x6a: {  	_ =	shalt  }
0x6b: {  	_ =	shalt  }
0x6c: {  	_ =	shalt  }
0x6d: {  	_ =	shalt  }
0x6e: {  	_ =	shalt  }
0x6f: {  	_ =	shalt  }
0x70: {  	_ =	shalt  }
0x71: {  	_ =	shalt  }
0x72: {  	_ =	shalt  }
0x73: {  	_ =	shalt  }
0x74: {  	_ =	shalt  }
0x75: {  	_ =	shalt  }
0x76: {  	_ =	shalt  }
0x77: {  	_ =	shalt  }
0x78: {  	_ =	shalt  }
0x79: {  	_ =	shalt  }
0x7a: {  	_ =	shalt  }
0x7b: {  	_ =	shalt  }
0x7c: {  	_ =	shalt  }
0x7d: {  	_ =	shalt  }
0x7e: {  	_ =	shalt  }
0x7f: {  	_ =	shalt  }
0x80: {  	_ =	shalt  }
0x81: {  	_ =	shalt  }
0x82: {  	_ =	shalt  }
0x83: {  	_ =	shalt  }
0x84: {  	_ =	shalt  }
0x85: {  	_ =	shalt  }
0x86: {  	_ =	shalt  }
0x87: {  	_ =	shalt  }
.Lfunc_end0:
.L_simem_size_0:
called_computation_lowered:
.L_overlay_start_0:
0x88: {  	s2 =	sld [smem:$0x3FD9]  }
0x89: {  	s3 =	sld [smem:$0x3FFE];
	_ =	sdelay $0x1  }
0x8a: {  	s1 =	srdreg.scid  }
0x8b: {  	s0 =	sand.u32 $0x1, s1  }
0x8c: {  	s17 =	sshll.u32 s0, $0xA;
	s2 =	sadd.s32 s3, s2  }
0x8d: {  	s2 =	sadd.s32 s2, s17  }
0x8e: {  	[smem:$0x3FB1] =	sst s2  }
0x8f: {  	_ = 	snop  }
0x90: {  	s2 =	sld [smem:$0x3FD0];
	(tm) =	ssettm $0x1  }
0x91: {  	s18 =	sld [smem:$0x3FFB];
	_ =	sdelay $0x3  }
0x92: {  	_ =	strace s18  }
0x93: {  	s3 =	sld [smem:$0x3FFC];
	_ =	sdelay $0x3  }
0x94: {  	_ =	strace s3  }
0x95: {  	s3 =	sld [smem:$0x3FFD];
	_ =	sdelay $0x3  }
0x96: {  	_ =	strace s3  }
0x97: {  	_ =	strace $0x8FFFFFFF  }
0x98: {  	s19 =	sld [smem:$0x3FDB];
	_ =	sdelay $0x1  }
0x99: {  	s4 =	simm.s32 $_scs_section_size  }
0x9a: {  	s5 =	simm.s32 $_size__tile_overlayer_lowered;
	s6 =	simm.s32 $_tile_overlayer_lowered  }
0x9b: {  	s22 =	simm.s32 $0x1BFF;
	s21 =	sshll.u32 s6, $0x1;
	s3 =	sadd.s32 s4, s19  }
0x9c: {  	s7 =	simm.s32 $0x0;
	s20 =	sshll.u32 s5, $0x1;
	s5 =	sadd.s32 s21, s3  }
0x9d: {  	[timem:s7], [sflag:s22] =	dma.local [hbm:s5], s20  }
0x9e: {  	_ =	swait.ge [sflag:s22], s20  }
0x9f: {  	s4 =	ssub.s32 $0x0, s20;
	[sflag:s22] =	ssyncset.done $0x0  }
0xa0: {  	[sflag:s22] =	ssyncadd.s32 s4;
	_ =	sdelay $0x1  }
0xa1: {  	s23 =	simm.s32 $0x1B8B  }
0xa2: {  	_ =	swait.ge [sflag:s23], $0x1  }
0xa3: {  	[sflag:s23] =	ssyncset.done $0x0  }
0xa4: {  	s25 =	simm.s32 $0x1B8E;
	s24 =	sld [smem:$0x3FFE];
	[sflag:s23] =	ssyncadd.s32 $0xFFFFFFFF  }
0xa5: {  	s26 =	simm.s32 $execute0_lowered;
	[smem:$0x3FD2] =	sst s25  }
0xa6: {  	s5 =	sshll.u32 s26, $0x1;
	_ =	strace $0x80000046;
	[dreg:$0x1] =	wrdreg $0xFFFFFFFF  }
0xa7: {  	s28 =	simm.s32 $_size_execute0_lowered;
	s3 =	sadd.s32 s3, s5;
	[dreg:$0x0] =	wrdreg $0x0  }
0xa8: {  	s5 =	sshll.u32 s28, $0x1;
	[dreg:$0x2] =	wrdreg s3  }
0xa9: {  	[dreg:$0x3] =	wrdreg s5  }
0xaa: {  	[dreg:$0x4] =	wrdreg $0xC0  }
0xab: {  	_ =	task [dreg:s7], $0x5FFFF  }
0xac: {  	[dreg:$0x1] =	wrdreg $0xFFFFFFFF  }
0xad: {  	[dreg:$0x0] =	wrdreg $0x60  }
0xae: {  	[dreg:$0x2] =	wrdreg s2  }
0xaf: {  	[dreg:$0x3] =	wrdreg s24  }
0xb0: {  	[dreg:$0x4] =	wrdreg $0xA  }
0xb1: {  	_ =	task.clear_ibuf [dreg:s7], $0x5FFFF;
	_ =	strace $0x90000046  }
0xb2: {  	s29 =	simm.s32 $0xA;
	_ =	strace $0x80000048  }
0xb3: {  	_ =	swait.ge [sflag:s29], $0x1  }
0xb4: {  	[sflag:s29] =	ssyncadd.s32 $0xFFFFFFFF  }
0xb5: {  	_ =	strace $0x90000048  }
0xb6: {  	_ =	sfence  }
0xb7: {  	s30 =	sld [smem:$0x0];
	_ =	sdelay $0x2  }
0xb8: {  	s31 =	sshll.u32 s1, $0xD;
	s1 =	sshrl.u32 s1, $0x2  }
0xb9: {  	s3 =	sand.u32 $0x4000, s31;
	s1 =	sadd.s32 s1, s30  }
0xba: {  	s0 =	sor.u32 s3, s0;
	s1 =	sshll.u32 s1, $0x11  }
0xbb: {  	s0 =	sor.u32 s1, s0  }
0xbc: {  	s0 =	sadd.s32 $0x8F2B, s0  }
0xbd: {  	[sflag:s0] =	ssyncadd.remote.s32 $0x1  }
0xbe: {  	_ =	sfence.sel $0xFFFF  }
0xbf: {  	[dreg:$0x0] =	wrdreg $0xFFFFFFFF;
	(pc) =	sbr.abs _section_cstart, $3  }
0xc0: {  	[dreg:$0x1] =	wrdreg $0xFFFFFFFF  }
0xc1: {  	_ =	task.clear_ibuf [dreg:s7], $0x2FFFF;
	_ =	strace $0x9FFFFFFF  }
0xc2: {  	(tm) =	ssettm $0x7FFFFFFF  }
0xc3: {  	_ =	shalt  }
tec
execute0_lowered:
.L_overlay_start_1:
0x0: {  	(tag) =	ssettag $0x1  }
0x1: {  	s0 =	rddreg [dreg:$0x0];
	s1 =	srdreg.scid  }
0x2: {  	s16 =	stileid.u32;
	s4 =	rddreg [dreg:$0x1];
	s2 =	simm.s32 $0x0  }
0x3: {  	s19 =	simm.s32 $0x100;
	s21 =	simm.s32 $0xC8;
	s22 =	simm.s32 $0x6E00  }
0x4: {  	s23 =	simm.s32 $0x7600;
	s24 =	simm.s32 $0x7E00;
	s25 =	simm.s32 $0x8600  }
0x5: {  	s26 =	simm.s32 $0x8E00;
	s30 =	simm.s32 $0x9600;
	[dreg:$0x3] =	wrdreg s0  }
0x6: {  	s31 =	simm.s32 $0x9E00;
	s10 =	simm.s32 $0xA600;
	[smem:$0x7FF] =	sst s2  }
0x7: {  	s11 =	simm.s32 $0xAE00;
	_ =	strace $0x80000047;
	[dreg:$0x6] =	wrdreg s19  }
0x8: {  	s12 =	simm.s32 $0xB600;
	s13 =	simm.s32 $0xBE00;
	[dreg:$0x7] =	wrdreg s21  }
0x9: {  	s14 =	simm.s32 $0xC600;
	s15 =	simm.s32 $0xCE00;
	[dreg:$0x8] =	wrdreg s22  }
0xa: {  	s28 =	simm.s32 $0x1;
	s3 =	smul.u32 $0x12C0, s16;
	[dreg:$0x9] =	wrdreg s23  }
0xb: {  	s29 =	simm.s32 $0x0;
	s6 =	smul.u32 $0x12C00, s16;
	[dreg:$0xa] =	wrdreg s24  }
0xc: {  	s1 =	sand.u32 $0x1, s1;
	s7 =	smul.u32 $0x25800, s16;
	[dreg:$0xb] =	wrdreg s25  }
0xd: {  	s16 =	simm.s32 $0xD600;
	s5 =	smul.u32 $0x960, s1;
	[dreg:$0xc] =	wrdreg s26  }
0xe: {  	s8 =	ssub.s32 $0x2, s1;
	s18 =	smul.u32 $0x12C00, s1;
	[dreg:$0xd] =	wrdreg s30  }
0xf: {  	s1 =	smul.u32 $0x9600, s1;
	[dreg:$0xe] =	wrdreg s31;
	s19 =	simm.s32 $0xEE00  }
0x10: {  	s21 =	simm.s32 $0xFE00;
	s22 =	simm.s32 $0x10600;
	s23 =	simm.s32 $0x10E00  }
0x11: {  	s24 =	simm.s32 $0x11600;
	s25 =	simm.s32 $0x11E00;
	s26 =	simm.s32 $0x12600  }
0x12: {  	s6 =	sadd.s32 s6, s4;
	s7 =	sadd.s32 s7, s4;
	s5 =	sadd.s32 s5, s3  }
0x13: {  	s17 =	sshrl.u32 s8, $0x1;
	s3 =	sadd.s32 $0x87800, s4;
	s5 =	sshrl.u32 s5, $0x3  }
0x14: {  	s7 =	sadd.s32 s18, s7;
	s1 =	sadd.s32 s1, s6;
	s5 =	sadd.s32 s5, s4  }
0x15: {  	s18 =	simm.s32 $0xE600;
	s6 =	sadd.s32 $0xD7800, s1;
	s9 =	sadd.s32 $0x5800, s5  }
0x16: {  	s4 =	ssub.s32 s8, s17;
	s5 =	sadd.s32 $0xA800, s5;
	[dreg:$0x4] =	wrdreg s9  }
0x17: {  	v2 =	vlaneseq.u32;
	s8 =	simm.s32 $0x200;
	s20 =	smax.u32 s4, $0x1;
	[dreg:$0x5] =	wrdreg s5  }
0x18: {  	vm0 =	vmmov $0xffff;
	v1 =	vshrl.u32 v2, $0x3;
	s17 =	simm.s32 $0xDE00;
	[dreg:$0xf] =	wrdreg s20;
	s5 =	sadd.s32 $0x203800, s7  }
0x19: {  	v0 =	vand.u32 $0x7, v2;
	v2 =	vor.u32 $0x8, v2;
	v1 =	vmul.u32 $0x8, v1;
	s7 =	simm.s32 $0x2;
	s9 =	simm.s32 $0x6600;
	s20 =	simm.s32 $0xF600  }
.LBB2_1:
0x1a: {  	s30 =	smov.u32 s6;
	s31 =	smov.u32 s5;
	s1 =	simm.s32 $0x0  }
.LBB2_2:
0x1b: {  	s0 =	rddreg [dreg:$0x5]  }
0x1c: {  	s0 =	sadd.s32 s1, s0  }
0x1d: {  	[tilespmem:s2], [sflag:$0x2] =	stream.linear.gather [hbm4b:s0+s2], $0xC8, $0x38;
	[tilespmem:$0x12E00] =	vst v63  }
0x1e: {  	_ =	swait.ge [sflag:s7], $0xC8  }
0x1f: {  	s0 =	rddreg [dreg:$0x4];
	[sflag:s7] =	ssyncset.done $0x0  }
0x20: {  	s4 =	rddreg [dreg:$0x6];
	[sflag:s7] =	ssyncadd.s32 $0xFFFFFF38;
	s0 =	sadd.s32 s1, s0  }
0x21: {  	[tilespmem:s4], [sflag:$0x2] =	stream.linear.gather [hbm4b:s0+s2], $0xC8, $0x38;
	[tilespmem:$0x12E00] =	vst v63  }
0x22: {  	_ =	swait.ge [sflag:s7], $0xC8  }
0x23: {  	s0 =	rddreg [dreg:$0x3];
	[sflag:s7] =	ssyncset.done $0x0  }
0x24: {  	s4 =	rddreg [dreg:$0x7];
	[sflag:s7] =	ssyncadd.s32 $0xFFFFFF38  }
0x25: {  	[tilespmem:s8], [sflag:$0x1] =	stream.indirect.gather [hbm4b:s0+s4], $0x80, s2, s4, $0xb8;
	[tilespmem:$0x12E00] =	vst v63  }
0x26: {  	v3 =	vld [tilespmem:$0x100];
	_ =	sdelay $0x4  }
0x27: {  	v4 =	vshll.u32 v3, $0x1  }
0x28: {  	v3 =	vand.u32 $0x7, v3;
	v4 =	vand.u32 $0xFFFFFFF0, v4  }
0x29: {  	v3 =	vor.u32 v3, v4  }
0x2a: {  	v4 =	vperm.xlane v3, v0;
	_ =	sdelay $0x1  }
0x2b: {  	v3 =	vperm.xlane v3, v2;
	v4 =	vadd.s32 v1, v4;
	_ =	sdelay $0x1  }
0x2c: {  	v3 =	vadd.s32 v1, v3;
	_ =	sdelay $0x2  }
0x2d: {  	[tilespmem:s9], [sflag:$0x1] =	stream.indirect_vreg.gather [hbm4b:s3+s2], $0x80, v4, vm0, $0xb8;
	[tilespmem:$0x12E00] =	vst v63  }
0x2e: {  	s4 =	rddreg [dreg:$0x8]  }
0x2f: {  	[tilespmem:s4], [sflag:$0x1] =	stream.indirect_vreg.gather [hbm4b:s3+s2], $0x80, v3, vm0, $0xb8;
	[tilespmem:$0x12E00] =	vst v63  }
0x30: {  	v3 =	vld [tilespmem:$0x110];
	_ =	sdelay $0x4  }
0x31: {  	v52 =	vshll.u32 v3, $0x1  }
0x32: {  	v3 =	vand.u32 $0x7, v3;
	v4 =	vand.u32 $0xFFFFFFF0, v52  }
0x33: {  	v3 =	vor.u32 v3, v4  }
0x34: {  	v4 =	vperm.xlane v3, v0;
	_ =	sdelay $0x1  }
0x35: {  	v3 =	vperm.xlane v3, v2;
	v4 =	vadd.s32 v1, v4;
	_ =	sdelay $0x1  }
0x36: {  	v3 =	vadd.s32 v1, v3;
	_ =	sdelay $0x1  }
0x37: {  	s0 =	rddreg [dreg:$0x9]  }
0x38: {  	[tilespmem:s0], [sflag:$0x1] =	stream.indirect_vreg.gather [hbm4b:s3+s2], $0x80, v4, vm0, $0xb8;
	[tilespmem:$0x12E00] =	vst v63  }
0x39: {  	s4 =	rddreg [dreg:$0xa]  }
0x3a: {  	[tilespmem:s4], [sflag:$0x1] =	stream.indirect_vreg.gather [hbm4b:s3+s2], $0x80, v3, vm0, $0xb8;
	[tilespmem:$0x12E00] =	vst v63  }
0x3b: {  	v3 =	vld [tilespmem:$0x120];
	_ =	sdelay $0x4  }
0x3c: {  	v53 =	vshll.u32 v3, $0x1  }
0x3d: {  	v3 =	vand.u32 $0x7, v3;
	v4 =	vand.u32 $0xFFFFFFF0, v53  }
0x3e: {  	v3 =	vor.u32 v3, v4  }
0x3f: {  	v4 =	vperm.xlane v3, v0;
	_ =	sdelay $0x1  }
0x40: {  	v3 =	vperm.xlane v3, v2;
	v4 =	vadd.s32 v1, v4;
	_ =	sdelay $0x1  }
0x41: {  	v3 =	vadd.s32 v1, v3;
	_ =	sdelay $0x1  }
0x42: {  	s0 =	rddreg [dreg:$0xb]  }
0x43: {  	[tilespmem:s0], [sflag:$0x1] =	stream.indirect_vreg.gather [hbm4b:s3+s2], $0x80, v4, vm0, $0xb8;
	[tilespmem:$0x12E00] =	vst v63  }
0x44: {  	s4 =	rddreg [dreg:$0xc]  }
0x45: {  	[tilespmem:s4], [sflag:$0x1] =	stream.indirect_vreg.gather [hbm4b:s3+s2], $0x80, v3, vm0, $0xb8;
	[tilespmem:$0x12E00] =	vst v63  }
0x46: {  	v3 =	vld [tilespmem:$0x130];
	_ =	sdelay $0x4  }
0x47: {  	v54 =	vshll.u32 v3, $0x1  }
0x48: {  	v3 =	vand.u32 $0x7, v3;
	v4 =	vand.u32 $0xFFFFFFF0, v54  }
0x49: {  	v3 =	vor.u32 v3, v4  }
0x4a: {  	v4 =	vperm.xlane v3, v0;
	_ =	sdelay $0x1  }
0x4b: {  	v3 =	vperm.xlane v3, v2;
	v4 =	vadd.s32 v1, v4;
	_ =	sdelay $0x1  }
0x4c: {  	v3 =	vadd.s32 v1, v3;
	_ =	sdelay $0x1  }
0x4d: {  	s0 =	rddreg [dreg:$0xd]  }
0x4e: {  	[tilespmem:s0], [sflag:$0x1] =	stream.indirect_vreg.gather [hbm4b:s3+s2], $0x80, v4, vm0, $0xb8;
	[tilespmem:$0x12E00] =	vst v63  }
0x4f: {  	s4 =	rddreg [dreg:$0xe]  }
0x50: {  	[tilespmem:s4], [sflag:$0x1] =	stream.indirect_vreg.gather [hbm4b:s3+s2], $0x80, v3, vm0, $0xb8;
	[tilespmem:$0x12E00] =	vst v63  }
0x51: {  	v3 =	vld [tilespmem:$0x140];
	_ =	sdelay $0x4  }
0x52: {  	v55 =	vshll.u32 v3, $0x1  }
0x53: {  	v3 =	vand.u32 $0x7, v3;
	v4 =	vand.u32 $0xFFFFFFF0, v55  }
0x54: {  	v3 =	vor.u32 v3, v4  }
0x55: {  	v4 =	vperm.xlane v3, v0;
	_ =	sdelay $0x1  }
0x56: {  	v3 =	vperm.xlane v3, v2;
	v4 =	vadd.s32 v1, v4;
	_ =	sdelay $0x1  }
0x57: {  	v3 =	vadd.s32 v1, v3;
	_ =	sdelay $0x2  }
0x58: {  	[tilespmem:s10], [sflag:$0x1] =	stream.indirect_vreg.gather [hbm4b:s3+s2], $0x80, v4, vm0, $0xb8;
	[tilespmem:$0x12E00] =	vst v63  }
0x59: {  	_ = 	snop  }
0x5a: {  	[tilespmem:s11], [sflag:$0x1] =	stream.indirect_vreg.gather [hbm4b:s3+s2], $0x80, v3, vm0, $0xb8;
	[tilespmem:$0x12E00] =	vst v63  }
0x5b: {  	v3 =	vld [tilespmem:$0x150];
	_ =	sdelay $0x4  }
0x5c: {  	v56 =	vshll.u32 v3, $0x1  }
0x5d: {  	v3 =	vand.u32 $0x7, v3;
	v4 =	vand.u32 $0xFFFFFFF0, v56  }
0x5e: {  	v3 =	vor.u32 v3, v4  }
0x5f: {  	v4 =	vperm.xlane v3, v0;
	_ =	sdelay $0x1  }
0x60: {  	v3 =	vperm.xlane v3, v2;
	v4 =	vadd.s32 v1, v4;
	_ =	sdelay $0x1  }
0x61: {  	v3 =	vadd.s32 v1, v3;
	_ =	sdelay $0x2  }
0x62: {  	[tilespmem:s12], [sflag:$0x1] =	stream.indirect_vreg.gather [hbm4b:s3+s2], $0x80, v4, vm0, $0xb8;
	[tilespmem:$0x12E00] =	vst v63  }
0x63: {  	_ = 	snop  }
0x64: {  	[tilespmem:s13], [sflag:$0x1] =	stream.indirect_vreg.gather [hbm4b:s3+s2], $0x80, v3, vm0, $0xb8;
	[tilespmem:$0x12E00] =	vst v63  }
0x65: {  	v3 =	vld [tilespmem:$0x160];
	_ =	sdelay $0x4  }
0x66: {  	v57 =	vshll.u32 v3, $0x1  }
0x67: {  	v3 =	vand.u32 $0x7, v3;
	v4 =	vand.u32 $0xFFFFFFF0, v57  }
0x68: {  	v3 =	vor.u32 v3, v4  }
0x69: {  	v4 =	vperm.xlane v3, v0;
	_ =	sdelay $0x1  }
0x6a: {  	v3 =	vperm.xlane v3, v2;
	v4 =	vadd.s32 v1, v4;
	_ =	sdelay $0x1  }
0x6b: {  	v3 =	vadd.s32 v1, v3;
	_ =	sdelay $0x2  }
0x6c: {  	[tilespmem:s14], [sflag:$0x1] =	stream.indirect_vreg.gather [hbm4b:s3+s2], $0x80, v4, vm0, $0xb8;
	[tilespmem:$0x12E00] =	vst v63  }
0x6d: {  	_ = 	snop  }
0x6e: {  	[tilespmem:s15], [sflag:$0x1] =	stream.indirect_vreg.gather [hbm4b:s3+s2], $0x80, v3, vm0, $0xb8;
	[tilespmem:$0x12E00] =	vst v63  }
0x6f: {  	v3 =	vld [tilespmem:$0x170];
	_ =	sdelay $0x4  }
0x70: {  	v58 =	vshll.u32 v3, $0x1  }
0x71: {  	v3 =	vand.u32 $0x7, v3;
	v4 =	vand.u32 $0xFFFFFFF0, v58  }
0x72: {  	v3 =	vor.u32 v3, v4  }
0x73: {  	v4 =	vperm.xlane v3, v0;
	_ =	sdelay $0x1  }
0x74: {  	v3 =	vperm.xlane v3, v2;
	v4 =	vadd.s32 v1, v4;
	_ =	sdelay $0x1  }
0x75: {  	v3 =	vadd.s32 v1, v3;
	_ =	sdelay $0x2  }
0x76: {  	[tilespmem:s16], [sflag:$0x1] =	stream.indirect_vreg.gather [hbm4b:s3+s2], $0x80, v4, vm0, $0xb8;
	[tilespmem:$0x12E00] =	vst v63  }
0x77: {  	_ = 	snop  }
0x78: {  	[tilespmem:s17], [sflag:$0x1] =	stream.indirect_vreg.gather [hbm4b:s3+s2], $0x80, v3, vm0, $0xb8;
	[tilespmem:$0x12E00] =	vst v63  }
0x79: {  	v3 =	vld [tilespmem:$0x180];
	_ =	sdelay $0x4  }
0x7a: {  	v59 =	vshll.u32 v3, $0x1  }
0x7b: {  	v3 =	vand.u32 $0x7, v3;
	v4 =	vand.u32 $0xFFFFFFF0, v59  }
0x7c: {  	v3 =	vor.u32 v3, v4  }
0x7d: {  	v4 =	vperm.xlane v3, v0;
	_ =	sdelay $0x1  }
0x7e: {  	v3 =	vperm.xlane v3, v2;
	v4 =	vadd.s32 v1, v4;
	_ =	sdelay $0x1  }
0x7f: {  	v3 =	vadd.s32 v1, v3;
	_ =	sdelay $0x2  }
0x80: {  	[tilespmem:s18], [sflag:$0x1] =	stream.indirect_vreg.gather [hbm4b:s3+s2], $0x80, v4, vm0, $0xb8;
	[tilespmem:$0x12E00] =	vst v63  }
0x81: {  	_ = 	snop  }
0x82: {  	[tilespmem:s19], [sflag:$0x1] =	stream.indirect_vreg.gather [hbm4b:s3+s2], $0x80, v3, vm0, $0xb8;
	[tilespmem:$0x12E00] =	vst v63  }
0x83: {  	v3 =	vld [tilespmem:$0x190];
	_ =	sdelay $0x4  }
0x84: {  	v60 =	vshll.u32 v3, $0x1  }
0x85: {  	v3 =	vand.u32 $0x7, v3;
	v4 =	vand.u32 $0xFFFFFFF0, v60  }
0x86: {  	v3 =	vor.u32 v3, v4  }
0x87: {  	v4 =	vperm.xlane v3, v0;
	_ =	sdelay $0x1  }
0x88: {  	v3 =	vperm.xlane v3, v2;
	v4 =	vadd.s32 v1, v4;
	_ =	sdelay $0x1  }
0x89: {  	v3 =	vadd.s32 v1, v3;
	_ =	sdelay $0x2  }
0x8a: {  	[tilespmem:s20], [sflag:$0x1] =	stream.indirect_vreg.gather [hbm4b:s3+s2], $0x80, v4, vm0, $0xb8;
	[tilespmem:$0x12E00] =	vst v63  }
0x8b: {  	_ = 	snop  }
0x8c: {  	[tilespmem:s21], [sflag:$0x1] =	stream.indirect_vreg.gather [hbm4b:s3+s2], $0x80, v3, vm0, $0xb8;
	[tilespmem:$0x12E00] =	vst v63  }
0x8d: {  	v3 =	vld [tilespmem:$0x1A0];
	_ =	sdelay $0x4  }
0x8e: {  	v61 =	vshll.u32 v3, $0x1  }
0x8f: {  	v3 =	vand.u32 $0x7, v3;
	v4 =	vand.u32 $0xFFFFFFF0, v61  }
0x90: {  	v3 =	vor.u32 v3, v4  }
0x91: {  	v4 =	vperm.xlane v3, v0;
	_ =	sdelay $0x1  }
0x92: {  	v3 =	vperm.xlane v3, v2;
	v4 =	vadd.s32 v1, v4;
	_ =	sdelay $0x1  }
0x93: {  	v3 =	vadd.s32 v1, v3;
	_ =	sdelay $0x2  }
0x94: {  	[tilespmem:s22], [sflag:$0x1] =	stream.indirect_vreg.gather [hbm4b:s3+s2], $0x80, v4, vm0, $0xb8;
	[tilespmem:$0x12E00] =	vst v63  }
0x95: {  	_ = 	snop  }
0x96: {  	[tilespmem:s23], [sflag:$0x1] =	stream.indirect_vreg.gather [hbm4b:s3+s2], $0x80, v3, vm0, $0xb8;
	[tilespmem:$0x12E00] =	vst v63  }
0x97: {  	v3 =	vld [tilespmem:$0x1B0];
	_ =	sdelay $0x4  }
0x98: {  	v62 =	vshll.u32 v3, $0x1  }
0x99: {  	v3 =	vand.u32 $0x7, v3;
	v4 =	vand.u32 $0xFFFFFFF0, v62  }
0x9a: {  	v3 =	vor.u32 v3, v4  }
0x9b: {  	v4 =	vperm.xlane v3, v0;
	_ =	sdelay $0x1  }
0x9c: {  	v3 =	vperm.xlane v3, v2;
	v4 =	vadd.s32 v1, v4;
	_ =	sdelay $0x1  }
0x9d: {  	v3 =	vadd.s32 v1, v3;
	_ =	sdelay $0x2  }
0x9e: {  	[tilespmem:s24], [sflag:$0x1] =	stream.indirect_vreg.gather [hbm4b:s3+s2], $0x80, v4, vm0, $0xb8;
	[tilespmem:$0x12E00] =	vst v63  }
0x9f: {  	_ = 	snop  }
0xa0: {  	[tilespmem:s25], [sflag:$0x1] =	stream.indirect_vreg.gather [hbm4b:s3+s2], $0x80, v3, vm0, $0xb8;
	[tilespmem:$0x12E00] =	vst v63  }
0xa1: {  	v3 =	vld.msk [tilespmem:$0x1C0], $0xff;
	_ =	sdelay $0x4  }
0xa2: {  	v63 =	vshll.u32 v3, $0x1  }
0xa3: {  	v3 =	vand.u32 $0x7, v3;
	v4 =	vand.u32 $0xFFFFFFF0, v63  }
0xa4: {  	v3 =	vor.u32 v3, v4  }
0xa5: {  	v3 =	vperm.xlane v3, v0;
	_ =	sdelay $0x1  }
0xa6: {  	v3 =	vadd.s32 v1, v3;
	_ =	sdelay $0x4  }
0xa7: {  	[tilespmem:s26], [sflag:$0x1] =	stream.indirect_vreg.gather [hbm4b:s3+s2], $0x80, v3, vm0, $0xb8;
	[tilespmem:$0x12E00] =	vst v63  }
0xa8: {  	_ =	swait.ge [sflag:s28], $0x6400  }
0xa9: {  	[sflag:s28] =	ssyncset.done $0x0  }
0xaa: {  	[sflag:s28] =	ssyncadd.s32 $0xFFFF9C00  }
0xab: {  	_ =	swait.ge [sflag:s28], $0xC800  }
0xac: {  	[sflag:s28] =	ssyncset.done $0x0  }
0xad: {  	[sflag:s28] =	ssyncadd.s32 $0xFFFF3800  }
0xae: {  	[hbm4b:s30+s2] =	stream.linear.scatter [tilespmem:s8], [sflag:$0x2], $0x6400, $0x38;
	[tilespmem:$0x12E00] =	vst v63  }
0xaf: {  	_ =	swait.ge [sflag:s7], $0x6400  }
0xb0: {  	p0 =	sne.s32 s1, $0x113;
	[sflag:s7] =	ssyncset.done $0x0  }
.Ltmp0:
0xb1: {  	[sflag:s7] =	ssyncadd.s32 $0xFFFF9C00;
	(pc) =	sbr.rel @p0 .LBB2_2-.Ltmp0, $4  }
0xb2: {  	[hbm4b:s31+s2] =	stream.linear.scatter [tilespmem:s9], [sflag:$0x2], $0xC800, $0x38;
	[tilespmem:$0x12E00] =	vst v63  }
0xb3: {  	_ =	swait.ge [sflag:s7], $0xC800  }
0xb4: {  	s1 =	sadd.s32 $0x19, s1;
	[sflag:s7] =	ssyncset.done $0x0  }
0xb5: {  	s30 =	sadd.s32 $0xC80, s30;
	s31 =	sadd.s32 $0x1900, s31;
	[sflag:s7] =	ssyncadd.s32 $0xFFFF3800  }
0xb6: {  	s29 =	sadd.s32 $0x1, s29;
	s0 =	rddreg [dreg:$0xf]  }
0xb7: {  	p0 =	sne.s32 s29, s0  }
.Ltmp1:
0xb8: {  	_ = 	snop;
	(pc) =	sbr.rel @p0 .LBB2_1-.Ltmp1, $1  }
0xb9: {  	_ =	sdelay $0x3  }
0xba: {  	_ =	sfence.sel $0x180000  }
0xbb: {  	[bflag:$0x0] =	sbarrier.arrive $0xFFFF  }
0xbc: {  	_ =	strace $0x90000047  }
0xbd: {  	s0 =	stileid.u32;
	[bflag:$0x2] =	sbarrier.arrive $0xFFFF  }
0xbe: {  	p0 =	sne.s32 s0, $0x0;
	s0 =	rddreg [dreg:$0x2]  }
0xbf: {  	s0 =	sadd.s32 @!p0 $0x100000, s0  }
0xc0: {  	[sflag:s0] =	ssyncadd.tile.s32 @!p0 $0x1;
	_ =	shalt  }
.Lfunc_end2:
_tile_overlayer_lowered:
.L_overlay_start_2:
0xc1: {  	(tag) =	ssettag $0x2  }
0xc2: {  	s0 =	rddreg [dreg:$0x0];
	s2 =	stileid.u32  }
0xc3: {  	s1 =	rddreg [dreg:$0x1];
	p0 =	sne.s32 s2, $0x0  }
0xc4: {  	s3 =	rddreg [dreg:$0x2];
	[bflag:$0x3] =	sbarrier.arrive $0xFFFF;
	s2 =	simm.s32 @!p0 $0x1C02  }
0xc5: {  	[timem:s3], [sflag:s2] =	dma.local @!p0 [hbm:s0], s1  }
0xc6: {  	s0 =	simm.s32 @!p0 $0x2  }
0xc7: {  	_ =	swait.ge @!p0 [sflag:s0], s1  }
0xc8: {  	s1 =	ssub.s32 @!p0 $0x0, s1;
	[sflag:s0] =	ssyncset.done @!p0 $0x0  }
0xc9: {  	[sflag:s0] =	ssyncadd.s32 @!p0 s1  }
0xca: {  	[bflag:$0x3] =	sbarrier.arrive $0xFFFF  }
0xcb: {  	_ =	shalt  }

// kernel: kernel.17.cloned.1.call-start
scs
__scs_entry_jumppad:
0x0: {  	(pc) =	sbr.rel $0x88, $3  }
0x1: {  	(tag) =	ssettag $0x0;
	lr =	simm.s32 $0x1  }
0x2: {  	[smem:$0x3F8A] =	sst lr;
	_ =	strace $0xD0000000  }
0x3: {  	_ = 	snop  }
0x4: {  	_ = 	snop  }
0x5: {  	_ = 	snop  }
0x6: {  	_ = 	snop  }
0x7: {  	_ = 	snop  }
__scs_overlays_trampoline_lowered:
0x8: {  	[smem:$0x3F99] =	sst s0  }
0x9: {  	[smem:$0x3F9A] =	sst s1  }
0xa: {  	[smem:$0x3F9B] =	sst s2  }
0xb: {  	[smem:$0x3F9C] =	sst s3  }
0xc: {  	[smem:$0x3F9D] =	sst s4  }
0xd: {  	[smem:$0x3F9E] =	sst s5  }
0xe: {  	[smem:$0x3F9F] =	sst s6  }
0xf: {  	[smem:$0x3FA0] =	sst s7  }
0x10: {  	[smem:$0x3FA1] =	sst s8  }
0x11: {  	[smem:$0x3FA2] =	sst s9;
	s0 =	simm.s32 @!p0 $0x0  }
0x12: {  	s1 =	sld [smem:$0x3F88];
	s0 =	simm.s32 @p0 $0x1  }
0x13: {  	[smem:$0x3FA3] =	sst s0;
	s0 =	simm.s32 @!p1 $0x0  }
0x14: {  	s2 =	sld [smem:$0x3F87];
	s0 =	simm.s32 @p1 $0x1  }
0x15: {  	[smem:$0x3FA4] =	sst s0;
	s0 =	simm.s32 @!p2 $0x0  }
0x16: {  	s3 =	sld [smem:$0x3FDB];
	s0 =	simm.s32 @p2 $0x1  }
0x17: {  	s4 =	simm.s32 $0x1BF5;
	[smem:$0x3FA6] =	sst s0  }
0x18: {  	s0 =	sld [smem:$0x3F89];
	_ =	swait.ge [sflag:s4], $0x0  }
0x19: {  	s7 =	sld [smem:$0x3F8A]  }
0x1a: {  	s8 =	sadd.s32 $0xFFFFE003, lr  }
0x1b: {  	s9 =	sadd.s32 $0xFFFFFEF7, lr;
	s5 =	simm.s32 $0xFFFFFFFF;
	p2 =	slt.u32 s8, $0xFFFFF086  }
0x1c: {  	p1 =	slt.u32 s9, $0xF7A;
	s5 =	simm.s32 @!p2 $0x0  }
0x1d: {  	s5 =	simm.s32 @p1 $0x1;
	p0 =	seq.s32 s7, s2  }
0x1e: {  	s7 =	smul.u32 @!p0 $0xF7A, s2;
	p2 =	seq.s32 @!p0 s5, $0x0  }
0x1f: {  	s9 =	smul.u32 $0xF7A, s1;
	s8 =	simm.s32 @!p0 $0x1BF5;
	p2 =	por !p2, p0  }
0x20: {  	[sflag:s8] =	ssyncset.s32 @!p0 $0xFFFFF086;
	s6 =	sadd.s32 @!p0 s3, s7;
	s7 =	simm.s32 @!p0 $0x108  }
0x21: {  	s3 =	sadd.s32 s3, s9;
	s6 =	sadd.s32 @!p0 $0x88, s6;
	s7 =	simm.s32 @p2 $0x1082  }
0x22: {  	[simem:s7], [sflag:s8] =	dma.local @!p0 [hbm:s6], $0xF7A  }
0x23: {  	s9 =	sor.u32 $0xD0000000, s2;
	s6 =	simm.s32 $0x108;
	_ =	swait.ge @!p0 [sflag:s8], $0x0  }
0x24: {  	s3 =	sadd.s32 $0x88, s3;
	s6 =	simm.s32 @!p1 $0x1082;
	[sflag:s4] =	ssyncset.s32 $0xFFFFF086  }
0x25: {  	[simem:s6], [sflag:s4] =	dma.local [hbm:s3], $0xF7A  }
0x26: {  	[smem:$0x3F8A] =	sst s1;
	(tag) =	ssettag s2;
	_ =	strace s9  }
0x27: {  	s1 =	sld [smem:$0x3F9A]  }
0x28: {  	s2 =	sld [smem:$0x3F9B]  }
0x29: {  	s4 =	sld [smem:$0x3F9D]  }
0x2a: {  	p0 =	seq.s32 s5, $0x0;
	s5 =	sld [smem:$0x3F9E]  }
0x2b: {  	s6 =	sld [smem:$0x3F9F]  }
0x2c: {  	s7 =	sld [smem:$0x3FA0]  }
0x2d: {  	s3 =	simm.s32 $0x108;
	s8 =	sld [smem:$0x3FA1]  }
0x2e: {  	s3 =	simm.s32 @!p0 $0x1082;
	s9 =	sld [smem:$0x3FA2]  }
0x2f: {  	lr =	sadd.s32 s0, s3;
	s0 =	sld [smem:$0x3F99]  }
0x30: {  	s3 =	sld [smem:$0x3F9C]  }
0x31: {  	[smem:$0x3FA5] =	sst s10  }
0x32: {  	s10 =	sld [smem:$0x3FA3];
	_ =	sdelay $0x3  }
0x33: {  	p0 =	seq.s32 s10, $0x1;
	s10 =	sld [smem:$0x3FA5];
	_ =	sdelay $0x3  }
0x34: {  	[smem:$0x3FA5] =	sst s10  }
0x35: {  	s10 =	sld [smem:$0x3FA4];
	_ =	sdelay $0x3  }
0x36: {  	p1 =	seq.s32 s10, $0x1;
	s10 =	sld [smem:$0x3FA5];
	_ =	sdelay $0x3  }
0x37: {  	[smem:$0x3FA5] =	sst s10  }
0x38: {  	s10 =	sld [smem:$0x3FA6]  }
0x39: {  	_ = 	snop;
	(pc) =	sbr.ind lr, $3  }
0x3a: {  	_ = 	snop  }
0x3b: {  	_ = 	snop  }
0x3c: {  	p2 =	seq.s32 s10, $0x1;
	s10 =	sld [smem:$0x3FA5]  }
0x3d: {  	_ =	shalt  }
0x3e: {  	_ =	shalt  }
0x3f: {  	_ =	shalt  }
0x40: {  	_ =	shalt  }
0x41: {  	_ =	shalt  }
0x42: {  	_ =	shalt  }
0x43: {  	_ =	shalt  }
0x44: {  	_ =	shalt  }
0x45: {  	_ =	shalt  }
0x46: {  	_ =	shalt  }
0x47: {  	_ =	shalt  }
0x48: {  	_ =	shalt  }
0x49: {  	_ =	shalt  }
0x4a: {  	_ =	shalt  }
0x4b: {  	_ =	shalt  }
0x4c: {  	_ =	shalt  }
0x4d: {  	_ =	shalt  }
0x4e: {  	_ =	shalt  }
0x4f: {  	_ =	shalt  }
0x50: {  	_ =	shalt  }
0x51: {  	_ =	shalt  }
0x52: {  	_ =	shalt  }
0x53: {  	_ =	shalt  }
0x54: {  	_ =	shalt  }
0x55: {  	_ =	shalt  }
0x56: {  	_ =	shalt  }
0x57: {  	_ =	shalt  }
0x58: {  	_ =	shalt  }
0x59: {  	_ =	shalt  }
0x5a: {  	_ =	shalt  }
0x5b: {  	_ =	shalt  }
0x5c: {  	_ =	shalt  }
0x5d: {  	_ =	shalt  }
0x5e: {  	_ =	shalt  }
0x5f: {  	_ =	shalt  }
0x60: {  	_ =	shalt  }
0x61: {  	_ =	shalt  }
0x62: {  	_ =	shalt  }
0x63: {  	_ =	shalt  }
0x64: {  	_ =	shalt  }
0x65: {  	_ =	shalt  }
0x66: {  	_ =	shalt  }
0x67: {  	_ =	shalt  }
0x68: {  	_ =	shalt  }
0x69: {  	_ =	shalt  }
0x6a: {  	_ =	shalt  }
0x6b: {  	_ =	shalt  }
0x6c: {  	_ =	shalt  }
0x6d: {  	_ =	shalt  }
0x6e: {  	_ =	shalt  }
0x6f: {  	_ =	shalt  }
0x70: {  	_ =	shalt  }
0x71: {  	_ =	shalt  }
0x72: {  	_ =	shalt  }
0x73: {  	_ =	shalt  }
0x74: {  	_ =	shalt  }
0x75: {  	_ =	shalt  }
0x76: {  	_ =	shalt  }
0x77: {  	_ =	shalt  }
0x78: {  	_ =	shalt  }
0x79: {  	_ =	shalt  }
0x7a: {  	_ =	shalt  }
0x7b: {  	_ =	shalt  }
0x7c: {  	_ =	shalt  }
0x7d: {  	_ =	shalt  }
0x7e: {  	_ =	shalt  }
0x7f: {  	_ =	shalt  }
0x80: {  	_ =	shalt  }
0x81: {  	_ =	shalt  }
0x82: {  	_ =	shalt  }
0x83: {  	_ =	shalt  }
0x84: {  	_ =	shalt  }
0x85: {  	_ =	shalt  }
0x86: {  	_ =	shalt  }
0x87: {  	_ =	shalt  }
.Lfunc_end0:
.L_simem_size_0:
called_computation.1_lowered:
.L_overlay_start_0:
0x88: {  	s2 =	sld [smem:$0x3FD9]  }
0x89: {  	s3 =	sld [smem:$0x3FFE];
	_ =	sdelay $0x1  }
0x8a: {  	s1 =	srdreg.scid  }
0x8b: {  	s0 =	sand.u32 $0x1, s1  }
0x8c: {  	s17 =	sshll.u32 s0, $0xA;
	s2 =	sadd.s32 s3, s2  }
0x8d: {  	s2 =	sadd.s32 s2, s17  }
0x8e: {  	[smem:$0x3FB1] =	sst s2  }
0x8f: {  	_ = 	snop  }
0x90: {  	s18 =	sld [smem:$0x3FD0];
	(tm) =	ssettm $0x1  }
0x91: {  	s19 =	sld [smem:$0x3FFB];
	_ =	sdelay $0x3  }
0x92: {  	_ =	strace s19  }
0x93: {  	s2 =	sld [smem:$0x3FFC];
	_ =	sdelay $0x3  }
0x94: {  	_ =	strace s2  }
0x95: {  	s2 =	sld [smem:$0x3FFD];
	_ =	sdelay $0x3  }
0x96: {  	_ =	strace s2  }
0x97: {  	_ =	strace $0x8FFFFFFF  }
0x98: {  	s20 =	sld [smem:$0x3FDB];
	_ =	sdelay $0x1  }
0x99: {  	s4 =	simm.s32 $_scs_section_size  }
0x9a: {  	s5 =	simm.s32 $_size__tile_overlayer_lowered;
	s6 =	simm.s32 $_tile_overlayer_lowered  }
0x9b: {  	s7 =	simm.s32 $0x1BFF;
	s21 =	sshll.u32 s6, $0x1;
	s4 =	sadd.s32 s4, s20  }
0x9c: {  	s22 =	simm.s32 $0x0;
	s5 =	sshll.u32 s5, $0x1;
	s6 =	sadd.s32 s21, s4  }
0x9d: {  	[timem:s22], [sflag:s7] =	dma.local [hbm:s6], s5  }
0x9e: {  	_ =	swait.ge [sflag:s7], s5  }
0x9f: {  	s5 =	ssub.s32 $0x0, s5;
	[sflag:s7] =	ssyncset.done $0x0  }
0xa0: {  	[sflag:s7] =	ssyncadd.s32 s5;
	_ =	sdelay $0x1  }
0xa1: {  	s23 =	simm.s32 $0x1B8B  }
0xa2: {  	_ =	swait.ge [sflag:s23], $0x1  }
0xa3: {  	[sflag:s23] =	ssyncset.done $0x0  }
0xa4: {  	[sflag:s23] =	ssyncadd.s32 $0xFFFFFFFF  }
0xa5: {  	s5 =	sld [smem:$0x0]  }
0xa6: {  	s6 =	sand.u32 $0xFFFFFFFE, s1  }
0xa7: {  	p0 =	sne.s32 s1, s6  }
0xa8: {  	s6 =	sshll.u32 @p0 s6, $0xE  }
0xa9: {  	s6 =	sadd.s32 @p0 $0x11B8D, s6;
	s7 =	sshll.u32 @p0 s5, $0x11  }
0xaa: {  	s6 =	sor.u32 @p0 s7, s6  }
0xab: {  	[sflag:s6] =	ssyncadd.remote.s32 @p0 $0x1;
	_ =	sdelay $0x1  }
0xac: {  	s6 =	simm.s32 @p0 $0x1B8D  }
0xad: {  	_ =	swait.eq @p0 [sflag:s6], $0x1  }
0xae: {  	[sflag:s6] =	ssyncadd.s32 @p0 $0xFFFFFFFF  }
0xaf: {  	s7 =	sshll.u32 @!p0 s1, $0xE  }
0xb0: {  	s7 =	sor.u32 @!p0 $0x4000, s7;
	s6 =	simm.s32 @!p0 $0x1B8D  }
0xb1: {  	s5 =	sshll.u32 @!p0 s5, $0x11;
	s7 =	sadd.s32 @!p0 $0x11B8D, s7;
	_ =	swait.eq @!p0 [sflag:s6], $0x1  }
0xb2: {  	s5 =	sor.u32 @!p0 s5, s7;
	[sflag:s6] =	ssyncadd.s32 @!p0 $0xFFFFFFFF  }
0xb3: {  	s25 =	simm.s32 $0x1B8E;
	s24 =	sld [smem:$0x3FFE];
	[sflag:s5] =	ssyncadd.remote.s32 @!p0 $0x1  }
0xb4: {  	s26 =	simm.s32 $execute0_lowered;
	[smem:$0x3FD2] =	sst s25  }
0xb5: {  	s6 =	sshll.u32 s26, $0x1;
	_ =	strace $0x80000049;
	[dreg:$0x1] =	wrdreg $0xFFFFFFFF  }
0xb6: {  	s28 =	simm.s32 $_size_execute0_lowered;
	s4 =	sadd.s32 s4, s6;
	[dreg:$0x0] =	wrdreg $0x0  }
0xb7: {  	s6 =	sshll.u32 s28, $0x1;
	[dreg:$0x2] =	wrdreg s4  }
0xb8: {  	[dreg:$0x3] =	wrdreg s6  }
0xb9: {  	[dreg:$0x4] =	wrdreg $0xC0  }
0xba: {  	_ =	task [dreg:s22], $0x5FFFF  }
0xbb: {  	[dreg:$0x1] =	wrdreg $0xFFFFFFFF  }
0xbc: {  	[dreg:$0x0] =	wrdreg $0x60  }
0xbd: {  	[dreg:$0x2] =	wrdreg s18  }
0xbe: {  	[dreg:$0x3] =	wrdreg s24  }
0xbf: {  	[dreg:$0x4] =	wrdreg $0x9  }
0xc0: {  	_ =	task.clear_ibuf [dreg:s22], $0x5FFFF;
	_ =	strace $0x90000049  }
0xc1: {  	s29 =	simm.s32 $0x9;
	_ =	strace $0x8000004B  }
0xc2: {  	_ =	swait.ge [sflag:s29], $0x1  }
0xc3: {  	[sflag:s29] =	ssyncadd.s32 $0xFFFFFFFF  }
0xc4: {  	_ =	strace $0x9000004B  }
0xc5: {  	_ =	sfence  }
0xc6: {  	s30 =	sld [smem:$0x0];
	_ =	sdelay $0x2  }
0xc7: {  	s31 =	sshll.u32 s1, $0xD;
	s1 =	sshrl.u32 s1, $0x2  }
0xc8: {  	s4 =	sand.u32 $0x4000, s31;
	s1 =	sadd.s32 s1, s30  }
0xc9: {  	s0 =	sor.u32 s4, s0;
	s1 =	sshll.u32 s1, $0x11  }
0xca: {  	s0 =	sor.u32 s1, s0  }
0xcb: {  	s0 =	sadd.s32 $0x8F2B, s0  }
0xcc: {  	[sflag:s0] =	ssyncadd.remote.s32 $0x1  }
0xcd: {  	_ =	sfence.sel $0xFFFF  }
0xce: {  	[dreg:$0x0] =	wrdreg $0xFFFFFFFF;
	(pc) =	sbr.abs _section_cstart, $3  }
0xcf: {  	[dreg:$0x1] =	wrdreg $0xFFFFFFFF  }
0xd0: {  	_ =	task.clear_ibuf [dreg:s22], $0x2FFFF;
	_ =	strace $0x9FFFFFFF  }
0xd1: {  	(tm) =	ssettm $0x7FFFFFFF  }
tec
execute0_lowered:
.L_overlay_start_1:
0x0: {  	(tag) =	ssettag $0x1  }
0x1: {  	s1 =	rddreg [dreg:$0x0]  }
0x2: {  	s2 =	srdreg.scid;
	s0 =	stileid.u32  }
0x3: {  	s4 =	rddreg [dreg:$0x1];
	s19 =	simm.s32 $0x100;
	s21 =	simm.s32 $0xC8  }
0x4: {  	s22 =	simm.s32 $0x6E00;
	s23 =	simm.s32 $0x7600;
	s24 =	simm.s32 $0x7E00  }
0x5: {  	s25 =	simm.s32 $0x8600;
	s26 =	simm.s32 $0x8E00;
	s30 =	simm.s32 $0x9600  }
0x6: {  	s31 =	simm.s32 $0x9E00;
	s10 =	simm.s32 $0xA600;
	s11 =	simm.s32 $0xAE00  }
0x7: {  	[dreg:$0x3] =	wrdreg s1;
	s16 =	sand.u32 $0x1, s2;
	s2 =	simm.s32 $0x0  }
0x8: {  	s12 =	simm.s32 $0xB600;
	s13 =	simm.s32 $0xBE00;
	[smem:$0x7FF] =	sst s2  }
0x9: {  	s3 =	smul.u32 $0x1450, s0;
	_ =	strace $0x8000004A;
	[dreg:$0x6] =	wrdreg s19  }
0xa: {  	s14 =	simm.s32 $0xC600;
	s6 =	smul.u32 $0x14500, s0;
	[dreg:$0x7] =	wrdreg s21  }
0xb: {  	s15 =	simm.s32 $0xCE00;
	s7 =	smul.u32 $0x28A00, s0;
	[dreg:$0x8] =	wrdreg s22  }
0xc: {  	s28 =	simm.s32 $0x1;
	s5 =	smul.u32 $0xA28, s16;
	[dreg:$0x9] =	wrdreg s23  }
0xd: {  	s29 =	simm.s32 $0x0;
	s18 =	smul.u32 $0x14500, s16;
	[dreg:$0xa] =	wrdreg s24  }
0xe: {  	s8 =	ssub.s32 $0x2, s16;
	s1 =	smul.u32 $0xA280, s16;
	[dreg:$0xb] =	wrdreg s25  }
0xf: {  	s16 =	simm.s32 $0xD600;
	s6 =	sadd.s32 s6, s4;
	[dreg:$0xc] =	wrdreg s26  }
0x10: {  	s7 =	sadd.s32 s7, s4;
	s17 =	sshrl.u32 s8, $0x1;
	[dreg:$0xd] =	wrdreg s30  }
0x11: {  	[dreg:$0xe] =	wrdreg s31;
	s19 =	simm.s32 $0xEE00;
	s21 =	simm.s32 $0xFE00  }
0x12: {  	s22 =	simm.s32 $0x10600;
	s23 =	simm.s32 $0x10E00;
	s3 =	sadd.s32 s5, s3  }
0x13: {  	s24 =	simm.s32 $0x11600;
	s25 =	simm.s32 $0x11E00;
	s5 =	sadd.s32 $0x12C00, s3  }
0x14: {  	s26 =	simm.s32 $0x12600;
	s7 =	sadd.s32 s18, s7;
	s5 =	sshrl.u32 s5, $0x3  }
0x15: {  	s1 =	sadd.s32 s1, s6;
	s18 =	simm.s32 $0xE600;
	s5 =	sadd.s32 s5, s4  }
0x16: {  	s3 =	sadd.s32 $0x87800, s4;
	s6 =	sadd.s32 $0x45B800, s1;
	s9 =	sadd.s32 $0x5800, s5  }
0x17: {  	s4 =	ssub.s32 s8, s17;
	s5 =	sadd.s32 $0xA800, s5;
	[dreg:$0x4] =	wrdreg s9  }
0x18: {  	v2 =	vlaneseq.u32;
	s8 =	simm.s32 $0x200;
	s20 =	smax.u32 s4, $0x1;
	[dreg:$0x5] =	wrdreg s5  }
0x19: {  	vm0 =	vmmov $0xffff;
	v1 =	vshrl.u32 v2, $0x3;
	s17 =	simm.s32 $0xDE00;
	[dreg:$0xf] =	wrdreg s20;
	s5 =	sadd.s32 $0x5A0800, s7  }
0x1a: {  	v0 =	vand.u32 $0x7, v2;
	v2 =	vor.u32 $0x8, v2;
	v1 =	vmul.u32 $0x8, v1;
	s7 =	simm.s32 $0x2;
	s9 =	simm.s32 $0x6600;
	s20 =	simm.s32 $0xF600  }
.LBB2_1:
0x1b: {  	s30 =	smov.u32 s6;
	s31 =	smov.u32 s5;
	s1 =	simm.s32 $0x0  }
.LBB2_2:
0x1c: {  	s0 =	rddreg [dreg:$0x5]  }
0x1d: {  	s0 =	sadd.s32 s1, s0  }
0x1e: {  	[tilespmem:s2], [sflag:$0x2] =	stream.linear.gather [hbm4b:s0+s2], $0xC8, $0x38;
	[tilespmem:$0x12E00] =	vst v63  }
0x1f: {  	_ =	swait.ge [sflag:s7], $0xC8  }
0x20: {  	s0 =	rddreg [dreg:$0x4];
	[sflag:s7] =	ssyncset.done $0x0  }
0x21: {  	s4 =	rddreg [dreg:$0x6];
	[sflag:s7] =	ssyncadd.s32 $0xFFFFFF38;
	s0 =	sadd.s32 s1, s0  }
0x22: {  	[tilespmem:s4], [sflag:$0x2] =	stream.linear.gather [hbm4b:s0+s2], $0xC8, $0x38;
	[tilespmem:$0x12E00] =	vst v63  }
0x23: {  	_ =	swait.ge [sflag:s7], $0xC8  }
0x24: {  	s0 =	rddreg [dreg:$0x3];
	[sflag:s7] =	ssyncset.done $0x0  }
0x25: {  	s4 =	rddreg [dreg:$0x7];
	[sflag:s7] =	ssyncadd.s32 $0xFFFFFF38  }
0x26: {  	[tilespmem:s8], [sflag:$0x1] =	stream.indirect.gather [hbm4b:s0+s4], $0x80, s2, s4, $0xb8;
	[tilespmem:$0x12E00] =	vst v63  }
0x27: {  	v3 =	vld [tilespmem:$0x100];
	_ =	sdelay $0x4  }
0x28: {  	v4 =	vshll.u32 v3, $0x1  }
0x29: {  	v3 =	vand.u32 $0x7, v3;
	v4 =	vand.u32 $0xFFFFFFF0, v4  }
0x2a: {  	v3 =	vor.u32 v3, v4  }
0x2b: {  	v4 =	vperm.xlane v3, v0;
	_ =	sdelay $0x1  }
0x2c: {  	v3 =	vperm.xlane v3, v2;
	v4 =	vadd.s32 v1, v4;
	_ =	sdelay $0x1  }
0x2d: {  	v3 =	vadd.s32 v1, v3;
	_ =	sdelay $0x2  }
0x2e: {  	[tilespmem:s9], [sflag:$0x1] =	stream.indirect_vreg.gather [hbm4b:s3+s2], $0x80, v4, vm0, $0xb8;
	[tilespmem:$0x12E00] =	vst v63  }
0x2f: {  	s4 =	rddreg [dreg:$0x8]  }
0x30: {  	[tilespmem:s4], [sflag:$0x1] =	stream.indirect_vreg.gather [hbm4b:s3+s2], $0x80, v3, vm0, $0xb8;
	[tilespmem:$0x12E00] =	vst v63  }
0x31: {  	v3 =	vld [tilespmem:$0x110];
	_ =	sdelay $0x4  }
0x32: {  	v52 =	vshll.u32 v3, $0x1  }
0x33: {  	v3 =	vand.u32 $0x7, v3;
	v4 =	vand.u32 $0xFFFFFFF0, v52  }
0x34: {  	v3 =	vor.u32 v3, v4  }
0x35: {  	v4 =	vperm.xlane v3, v0;
	_ =	sdelay $0x1  }
0x36: {  	v3 =	vperm.xlane v3, v2;
	v4 =	vadd.s32 v1, v4;
	_ =	sdelay $0x1  }
0x37: {  	v3 =	vadd.s32 v1, v3;
	_ =	sdelay $0x1  }
0x38: {  	s0 =	rddreg [dreg:$0x9]  }
0x39: {  	[tilespmem:s0], [sflag:$0x1] =	stream.indirect_vreg.gather [hbm4b:s3+s2], $0x80, v4, vm0, $0xb8;
	[tilespmem:$0x12E00] =	vst v63  }
0x3a: {  	s4 =	rddreg [dreg:$0xa]  }
0x3b: {  	[tilespmem:s4], [sflag:$0x1] =	stream.indirect_vreg.gather [hbm4b:s3+s2], $0x80, v3, vm0, $0xb8;
	[tilespmem:$0x12E00] =	vst v63  }
0x3c: {  	v3 =	vld [tilespmem:$0x120];
	_ =	sdelay $0x4  }
0x3d: {  	v53 =	vshll.u32 v3, $0x1  }
0x3e: {  	v3 =	vand.u32 $0x7, v3;
	v4 =	vand.u32 $0xFFFFFFF0, v53  }
0x3f: {  	v3 =	vor.u32 v3, v4  }
0x40: {  	v4 =	vperm.xlane v3, v0;
	_ =	sdelay $0x1  }
0x41: {  	v3 =	vperm.xlane v3, v2;
	v4 =	vadd.s32 v1, v4;
	_ =	sdelay $0x1  }
0x42: {  	v3 =	vadd.s32 v1, v3;
	_ =	sdelay $0x1  }
0x43: {  	s0 =	rddreg [dreg:$0xb]  }
0x44: {  	[tilespmem:s0], [sflag:$0x1] =	stream.indirect_vreg.gather [hbm4b:s3+s2], $0x80, v4, vm0, $0xb8;
	[tilespmem:$0x12E00] =	vst v63  }
0x45: {  	s4 =	rddreg [dreg:$0xc]  }
0x46: {  	[tilespmem:s4], [sflag:$0x1] =	stream.indirect_vreg.gather [hbm4b:s3+s2], $0x80, v3, vm0, $0xb8;
	[tilespmem:$0x12E00] =	vst v63  }
0x47: {  	v3 =	vld [tilespmem:$0x130];
	_ =	sdelay $0x4  }
0x48: {  	v54 =	vshll.u32 v3, $0x1  }
0x49: {  	v3 =	vand.u32 $0x7, v3;
	v4 =	vand.u32 $0xFFFFFFF0, v54  }
0x4a: {  	v3 =	vor.u32 v3, v4  }
0x4b: {  	v4 =	vperm.xlane v3, v0;
	_ =	sdelay $0x1  }
0x4c: {  	v3 =	vperm.xlane v3, v2;
	v4 =	vadd.s32 v1, v4;
	_ =	sdelay $0x1  }
0x4d: {  	v3 =	vadd.s32 v1, v3;
	_ =	sdelay $0x1  }
0x4e: {  	s0 =	rddreg [dreg:$0xd]  }
0x4f: {  	[tilespmem:s0], [sflag:$0x1] =	stream.indirect_vreg.gather [hbm4b:s3+s2], $0x80, v4, vm0, $0xb8;
	[tilespmem:$0x12E00] =	vst v63  }
0x50: {  	s4 =	rddreg [dreg:$0xe]  }
0x51: {  	[tilespmem:s4], [sflag:$0x1] =	stream.indirect_vreg.gather [hbm4b:s3+s2], $0x80, v3, vm0, $0xb8;
	[tilespmem:$0x12E00] =	vst v63  }
0x52: {  	v3 =	vld [tilespmem:$0x140];
	_ =	sdelay $0x4  }
0x53: {  	v55 =	vshll.u32 v3, $0x1  }
0x54: {  	v3 =	vand.u32 $0x7, v3;
	v4 =	vand.u32 $0xFFFFFFF0, v55  }
0x55: {  	v3 =	vor.u32 v3, v4  }
0x56: {  	v4 =	vperm.xlane v3, v0;
	_ =	sdelay $0x1  }
0x57: {  	v3 =	vperm.xlane v3, v2;
	v4 =	vadd.s32 v1, v4;
	_ =	sdelay $0x1  }
0x58: {  	v3 =	vadd.s32 v1, v3;
	_ =	sdelay $0x2  }
0x59: {  	[tilespmem:s10], [sflag:$0x1] =	stream.indirect_vreg.gather [hbm4b:s3+s2], $0x80, v4, vm0, $0xb8;
	[tilespmem:$0x12E00] =	vst v63  }
0x5a: {  	_ = 	snop  }
0x5b: {  	[tilespmem:s11], [sflag:$0x1] =	stream.indirect_vreg.gather [hbm4b:s3+s2], $0x80, v3, vm0, $0xb8;
	[tilespmem:$0x12E00] =	vst v63  }
0x5c: {  	v3 =	vld [tilespmem:$0x150];
	_ =	sdelay $0x4  }
0x5d: {  	v56 =	vshll.u32 v3, $0x1  }
0x5e: {  	v3 =	vand.u32 $0x7, v3;
	v4 =	vand.u32 $0xFFFFFFF0, v56  }
0x5f: {  	v3 =	vor.u32 v3, v4  }
0x60: {  	v4 =	vperm.xlane v3, v0;
	_ =	sdelay $0x1  }
0x61: {  	v3 =	vperm.xlane v3, v2;
	v4 =	vadd.s32 v1, v4;
	_ =	sdelay $0x1  }
0x62: {  	v3 =	vadd.s32 v1, v3;
	_ =	sdelay $0x2  }
0x63: {  	[tilespmem:s12], [sflag:$0x1] =	stream.indirect_vreg.gather [hbm4b:s3+s2], $0x80, v4, vm0, $0xb8;
	[tilespmem:$0x12E00] =	vst v63  }
0x64: {  	_ = 	snop  }
0x65: {  	[tilespmem:s13], [sflag:$0x1] =	stream.indirect_vreg.gather [hbm4b:s3+s2], $0x80, v3, vm0, $0xb8;
	[tilespmem:$0x12E00] =	vst v63  }
0x66: {  	v3 =	vld [tilespmem:$0x160];
	_ =	sdelay $0x4  }
0x67: {  	v57 =	vshll.u32 v3, $0x1  }
0x68: {  	v3 =	vand.u32 $0x7, v3;
	v4 =	vand.u32 $0xFFFFFFF0, v57  }
0x69: {  	v3 =	vor.u32 v3, v4  }
0x6a: {  	v4 =	vperm.xlane v3, v0;
	_ =	sdelay $0x1  }
0x6b: {  	v3 =	vperm.xlane v3, v2;
	v4 =	vadd.s32 v1, v4;
	_ =	sdelay $0x1  }
0x6c: {  	v3 =	vadd.s32 v1, v3;
	_ =	sdelay $0x2  }
0x6d: {  	[tilespmem:s14], [sflag:$0x1] =	stream.indirect_vreg.gather [hbm4b:s3+s2], $0x80, v4, vm0, $0xb8;
	[tilespmem:$0x12E00] =	vst v63  }
0x6e: {  	_ = 	snop  }
0x6f: {  	[tilespmem:s15], [sflag:$0x1] =	stream.indirect_vreg.gather [hbm4b:s3+s2], $0x80, v3, vm0, $0xb8;
	[tilespmem:$0x12E00] =	vst v63  }
0x70: {  	v3 =	vld [tilespmem:$0x170];
	_ =	sdelay $0x4  }
0x71: {  	v58 =	vshll.u32 v3, $0x1  }
0x72: {  	v3 =	vand.u32 $0x7, v3;
	v4 =	vand.u32 $0xFFFFFFF0, v58  }
0x73: {  	v3 =	vor.u32 v3, v4  }
0x74: {  	v4 =	vperm.xlane v3, v0;
	_ =	sdelay $0x1  }
0x75: {  	v3 =	vperm.xlane v3, v2;
	v4 =	vadd.s32 v1, v4;
	_ =	sdelay $0x1  }
0x76: {  	v3 =	vadd.s32 v1, v3;
	_ =	sdelay $0x2  }
0x77: {  	[tilespmem:s16], [sflag:$0x1] =	stream.indirect_vreg.gather [hbm4b:s3+s2], $0x80, v4, vm0, $0xb8;
	[tilespmem:$0x12E00] =	vst v63  }
0x78: {  	_ = 	snop  }
0x79: {  	[tilespmem:s17], [sflag:$0x1] =	stream.indirect_vreg.gather [hbm4b:s3+s2], $0x80, v3, vm0, $0xb8;
	[tilespmem:$0x12E00] =	vst v63  }
0x7a: {  	v3 =	vld [tilespmem:$0x180];
	_ =	sdelay $0x4  }
0x7b: {  	v59 =	vshll.u32 v3, $0x1  }
0x7c: {  	v3 =	vand.u32 $0x7, v3;
	v4 =	vand.u32 $0xFFFFFFF0, v59  }
0x7d: {  	v3 =	vor.u32 v3, v4  }
0x7e: {  	v4 =	vperm.xlane v3, v0;
	_ =	sdelay $0x1  }
0x7f: {  	v3 =	vperm.xlane v3, v2;
	v4 =	vadd.s32 v1, v4;
	_ =	sdelay $0x1  }
0x80: {  	v3 =	vadd.s32 v1, v3;
	_ =	sdelay $0x2  }
0x81: {  	[tilespmem:s18], [sflag:$0x1] =	stream.indirect_vreg.gather [hbm4b:s3+s2], $0x80, v4, vm0, $0xb8;
	[tilespmem:$0x12E00] =	vst v63  }
0x82: {  	_ = 	snop  }
0x83: {  	[tilespmem:s19], [sflag:$0x1] =	stream.indirect_vreg.gather [hbm4b:s3+s2], $0x80, v3, vm0, $0xb8;
	[tilespmem:$0x12E00] =	vst v63  }
0x84: {  	v3 =	vld [tilespmem:$0x190];
	_ =	sdelay $0x4  }
0x85: {  	v60 =	vshll.u32 v3, $0x1  }
0x86: {  	v3 =	vand.u32 $0x7, v3;
	v4 =	vand.u32 $0xFFFFFFF0, v60  }
0x87: {  	v3 =	vor.u32 v3, v4  }
0x88: {  	v4 =	vperm.xlane v3, v0;
	_ =	sdelay $0x1  }
0x89: {  	v3 =	vperm.xlane v3, v2;
	v4 =	vadd.s32 v1, v4;
	_ =	sdelay $0x1  }
0x8a: {  	v3 =	vadd.s32 v1, v3;
	_ =	sdelay $0x2  }
0x8b: {  	[tilespmem:s20], [sflag:$0x1] =	stream.indirect_vreg.gather [hbm4b:s3+s2], $0x80, v4, vm0, $0xb8;
	[tilespmem:$0x12E00] =	vst v63  }
0x8c: {  	_ = 	snop  }
0x8d: {  	[tilespmem:s21], [sflag:$0x1] =	stream.indirect_vreg.gather [hbm4b:s3+s2], $0x80, v3, vm0, $0xb8;
	[tilespmem:$0x12E00] =	vst v63  }
0x8e: {  	v3 =	vld [tilespmem:$0x1A0];
	_ =	sdelay $0x4  }
0x8f: {  	v61 =	vshll.u32 v3, $0x1  }
0x90: {  	v3 =	vand.u32 $0x7, v3;
	v4 =	vand.u32 $0xFFFFFFF0, v61  }
0x91: {  	v3 =	vor.u32 v3, v4  }
0x92: {  	v4 =	vperm.xlane v3, v0;
	_ =	sdelay $0x1  }
0x93: {  	v3 =	vperm.xlane v3, v2;
	v4 =	vadd.s32 v1, v4;
	_ =	sdelay $0x1  }
0x94: {  	v3 =	vadd.s32 v1, v3;
	_ =	sdelay $0x2  }
0x95: {  	[tilespmem:s22], [sflag:$0x1] =	stream.indirect_vreg.gather [hbm4b:s3+s2], $0x80, v4, vm0, $0xb8;
	[tilespmem:$0x12E00] =	vst v63  }
0x96: {  	_ = 	snop  }
0x97: {  	[tilespmem:s23], [sflag:$0x1] =	stream.indirect_vreg.gather [hbm4b:s3+s2], $0x80, v3, vm0, $0xb8;
	[tilespmem:$0x12E00] =	vst v63  }
0x98: {  	v3 =	vld [tilespmem:$0x1B0];
	_ =	sdelay $0x4  }
0x99: {  	v62 =	vshll.u32 v3, $0x1  }
0x9a: {  	v3 =	vand.u32 $0x7, v3;
	v4 =	vand.u32 $0xFFFFFFF0, v62  }
0x9b: {  	v3 =	vor.u32 v3, v4  }
0x9c: {  	v4 =	vperm.xlane v3, v0;
	_ =	sdelay $0x1  }
0x9d: {  	v3 =	vperm.xlane v3, v2;
	v4 =	vadd.s32 v1, v4;
	_ =	sdelay $0x1  }
0x9e: {  	v3 =	vadd.s32 v1, v3;
	_ =	sdelay $0x2  }
0x9f: {  	[tilespmem:s24], [sflag:$0x1] =	stream.indirect_vreg.gather [hbm4b:s3+s2], $0x80, v4, vm0, $0xb8;
	[tilespmem:$0x12E00] =	vst v63  }
0xa0: {  	_ = 	snop  }
0xa1: {  	[tilespmem:s25], [sflag:$0x1] =	stream.indirect_vreg.gather [hbm4b:s3+s2], $0x80, v3, vm0, $0xb8;
	[tilespmem:$0x12E00] =	vst v63  }
0xa2: {  	v3 =	vld.msk [tilespmem:$0x1C0], $0xff;
	_ =	sdelay $0x4  }
0xa3: {  	v63 =	vshll.u32 v3, $0x1  }
0xa4: {  	v3 =	vand.u32 $0x7, v3;
	v4 =	vand.u32 $0xFFFFFFF0, v63  }
0xa5: {  	v3 =	vor.u32 v3, v4  }
0xa6: {  	v3 =	vperm.xlane v3, v0;
	_ =	sdelay $0x1  }
0xa7: {  	v3 =	vadd.s32 v1, v3;
	_ =	sdelay $0x4  }
0xa8: {  	[tilespmem:s26], [sflag:$0x1] =	stream.indirect_vreg.gather [hbm4b:s3+s2], $0x80, v3, vm0, $0xb8;
	[tilespmem:$0x12E00] =	vst v63  }
0xa9: {  	_ =	swait.ge [sflag:s28], $0x6400  }
0xaa: {  	[sflag:s28] =	ssyncset.done $0x0  }
0xab: {  	[sflag:s28] =	ssyncadd.s32 $0xFFFF9C00  }
0xac: {  	_ =	swait.ge [sflag:s28], $0xC800  }
0xad: {  	[sflag:s28] =	ssyncset.done $0x0  }
0xae: {  	[sflag:s28] =	ssyncadd.s32 $0xFFFF3800  }
0xaf: {  	[hbm4b:s30+s2] =	stream.linear.scatter [tilespmem:s8], [sflag:$0x2], $0x6400, $0x38;
	[tilespmem:$0x12E00] =	vst v63  }
0xb0: {  	_ =	swait.ge [sflag:s7], $0x6400  }
0xb1: {  	p0 =	sne.s32 s1, $0x12C;
	[sflag:s7] =	ssyncset.done $0x0  }
.Ltmp0:
0xb2: {  	[sflag:s7] =	ssyncadd.s32 $0xFFFF9C00;
	(pc) =	sbr.rel @p0 .LBB2_2-.Ltmp0, $4  }
0xb3: {  	[hbm4b:s31+s2] =	stream.linear.scatter [tilespmem:s9], [sflag:$0x2], $0xC800, $0x38;
	[tilespmem:$0x12E00] =	vst v63  }
0xb4: {  	_ =	swait.ge [sflag:s7], $0xC800  }
0xb5: {  	s1 =	sadd.s32 $0x19, s1;
	[sflag:s7] =	ssyncset.done $0x0  }
0xb6: {  	s30 =	sadd.s32 $0xC80, s30;
	s31 =	sadd.s32 $0x1900, s31;
	[sflag:s7] =	ssyncadd.s32 $0xFFFF3800  }
0xb7: {  	s29 =	sadd.s32 $0x1, s29;
	s0 =	rddreg [dreg:$0xf]  }
0xb8: {  	p0 =	sne.s32 s29, s0  }
.Ltmp1:
0xb9: {  	_ = 	snop;
	(pc) =	sbr.rel @p0 .LBB2_1-.Ltmp1, $1  }
0xba: {  	_ =	sdelay $0x3  }
0xbb: {  	_ =	sfence.sel $0x180000  }
0xbc: {  	[bflag:$0x0] =	sbarrier.arrive $0xFFFF  }
0xbd: {  	_ =	strace $0x9000004A  }
0xbe: {  	s0 =	stileid.u32;
	[bflag:$0x2] =	sbarrier.arrive $0xFFFF  }
0xbf: {  	p0 =	sne.s32 s0, $0x0;
	s0 =	rddreg [dreg:$0x2]  }
0xc0: {  	s0 =	sadd.s32 @!p0 $0x100000, s0  }
0xc1: {  	[sflag:s0] =	ssyncadd.tile.s32 @!p0 $0x1;
	_ =	shalt  }
.Lfunc_end2:
_tile_overlayer_lowered:
.L_overlay_start_2:
0xc2: {  	(tag) =	ssettag $0x2  }
0xc3: {  	s0 =	rddreg [dreg:$0x0];
	s2 =	stileid.u32  }
0xc4: {  	s1 =	rddreg [dreg:$0x1];
	p0 =	sne.s32 s2, $0x0  }
0xc5: {  	s3 =	rddreg [dreg:$0x2];
	[bflag:$0x3] =	sbarrier.arrive $0xFFFF;
	s2 =	simm.s32 @!p0 $0x1C02  }
0xc6: {  	[timem:s3], [sflag:s2] =	dma.local @!p0 [hbm:s0], s1  }
0xc7: {  	s0 =	simm.s32 @!p0 $0x2  }
0xc8: {  	_ =	swait.ge @!p0 [sflag:s0], s1  }
0xc9: {  	s1 =	ssub.s32 @!p0 $0x0, s1;
	[sflag:s0] =	ssyncset.done @!p0 $0x0  }
0xca: {  	[sflag:s0] =	ssyncadd.s32 @!p0 s1  }
0xcb: {  	[bflag:$0x3] =	sbarrier.arrive $0xFFFF  }
0xcc: {  	_ =	shalt  }

// kernel: kernel.20.cloned.1.call-start
scs
__scs_entry_jumppad:
0x0: {  	(pc) =	sbr.rel $0x88, $3  }
0x1: {  	(tag) =	ssettag $0x0;
	lr =	simm.s32 $0x1  }
0x2: {  	[smem:$0x3F8A] =	sst lr;
	_ =	strace $0xD0000000  }
0x3: {  	_ = 	snop  }
0x4: {  	_ = 	snop  }
0x5: {  	_ = 	snop  }
0x6: {  	_ = 	snop  }
0x7: {  	_ = 	snop  }
__scs_overlays_trampoline_lowered:
0x8: {  	[smem:$0x3F99] =	sst s0  }
0x9: {  	[smem:$0x3F9A] =	sst s1  }
0xa: {  	[smem:$0x3F9B] =	sst s2  }
0xb: {  	[smem:$0x3F9C] =	sst s3  }
0xc: {  	[smem:$0x3F9D] =	sst s4  }
0xd: {  	[smem:$0x3F9E] =	sst s5  }
0xe: {  	[smem:$0x3F9F] =	sst s6  }
0xf: {  	[smem:$0x3FA0] =	sst s7  }
0x10: {  	[smem:$0x3FA1] =	sst s8  }
0x11: {  	[smem:$0x3FA2] =	sst s9;
	s0 =	simm.s32 @!p0 $0x0  }
0x12: {  	s1 =	sld [smem:$0x3F88];
	s0 =	simm.s32 @p0 $0x1  }
0x13: {  	[smem:$0x3FA3] =	sst s0;
	s0 =	simm.s32 @!p1 $0x0  }
0x14: {  	s2 =	sld [smem:$0x3F87];
	s0 =	simm.s32 @p1 $0x1  }
0x15: {  	[smem:$0x3FA4] =	sst s0;
	s0 =	simm.s32 @!p2 $0x0  }
0x16: {  	s3 =	sld [smem:$0x3FDB];
	s0 =	simm.s32 @p2 $0x1  }
0x17: {  	s4 =	simm.s32 $0x1BF5;
	[smem:$0x3FA6] =	sst s0  }
0x18: {  	s0 =	sld [smem:$0x3F89];
	_ =	swait.ge [sflag:s4], $0x0  }
0x19: {  	s7 =	sld [smem:$0x3F8A]  }
0x1a: {  	s8 =	sadd.s32 $0xFFFFE003, lr  }
0x1b: {  	s9 =	sadd.s32 $0xFFFFFEF7, lr;
	s5 =	simm.s32 $0xFFFFFFFF;
	p2 =	slt.u32 s8, $0xFFFFF086  }
0x1c: {  	p1 =	slt.u32 s9, $0xF7A;
	s5 =	simm.s32 @!p2 $0x0  }
0x1d: {  	s5 =	simm.s32 @p1 $0x1;
	p0 =	seq.s32 s7, s2  }
0x1e: {  	s7 =	smul.u32 @!p0 $0xF7A, s2;
	p2 =	seq.s32 @!p0 s5, $0x0  }
0x1f: {  	s9 =	smul.u32 $0xF7A, s1;
	s8 =	simm.s32 @!p0 $0x1BF5;
	p2 =	por !p2, p0  }
0x20: {  	[sflag:s8] =	ssyncset.s32 @!p0 $0xFFFFF086;
	s6 =	sadd.s32 @!p0 s3, s7;
	s7 =	simm.s32 @!p0 $0x108  }
0x21: {  	s3 =	sadd.s32 s3, s9;
	s6 =	sadd.s32 @!p0 $0x88, s6;
	s7 =	simm.s32 @p2 $0x1082  }
0x22: {  	[simem:s7], [sflag:s8] =	dma.local @!p0 [hbm:s6], $0xF7A  }
0x23: {  	s9 =	sor.u32 $0xD0000000, s2;
	s6 =	simm.s32 $0x108;
	_ =	swait.ge @!p0 [sflag:s8], $0x0  }
0x24: {  	s3 =	sadd.s32 $0x88, s3;
	s6 =	simm.s32 @!p1 $0x1082;
	[sflag:s4] =	ssyncset.s32 $0xFFFFF086  }
0x25: {  	[simem:s6], [sflag:s4] =	dma.local [hbm:s3], $0xF7A  }
0x26: {  	[smem:$0x3F8A] =	sst s1;
	(tag) =	ssettag s2;
	_ =	strace s9  }
0x27: {  	s1 =	sld [smem:$0x3F9A]  }
0x28: {  	s2 =	sld [smem:$0x3F9B]  }
0x29: {  	s4 =	sld [smem:$0x3F9D]  }
0x2a: {  	p0 =	seq.s32 s5, $0x0;
	s5 =	sld [smem:$0x3F9E]  }
0x2b: {  	s6 =	sld [smem:$0x3F9F]  }
0x2c: {  	s7 =	sld [smem:$0x3FA0]  }
0x2d: {  	s3 =	simm.s32 $0x108;
	s8 =	sld [smem:$0x3FA1]  }
0x2e: {  	s3 =	simm.s32 @!p0 $0x1082;
	s9 =	sld [smem:$0x3FA2]  }
0x2f: {  	lr =	sadd.s32 s0, s3;
	s0 =	sld [smem:$0x3F99]  }
0x30: {  	s3 =	sld [smem:$0x3F9C]  }
0x31: {  	[smem:$0x3FA5] =	sst s10  }
0x32: {  	s10 =	sld [smem:$0x3FA3];
	_ =	sdelay $0x3  }
0x33: {  	p0 =	seq.s32 s10, $0x1;
	s10 =	sld [smem:$0x3FA5];
	_ =	sdelay $0x3  }
0x34: {  	[smem:$0x3FA5] =	sst s10  }
0x35: {  	s10 =	sld [smem:$0x3FA4];
	_ =	sdelay $0x3  }
0x36: {  	p1 =	seq.s32 s10, $0x1;
	s10 =	sld [smem:$0x3FA5];
	_ =	sdelay $0x3  }
0x37: {  	[smem:$0x3FA5] =	sst s10  }
0x38: {  	s10 =	sld [smem:$0x3FA6]  }
0x39: {  	_ = 	snop;
	(pc) =	sbr.ind lr, $3  }
0x3a: {  	_ = 	snop  }
0x3b: {  	_ = 	snop  }
0x3c: {  	p2 =	seq.s32 s10, $0x1;
	s10 =	sld [smem:$0x3FA5]  }
0x3d: {  	_ =	shalt  }
0x3e: {  	_ =	shalt  }
0x3f: {  	_ =	shalt  }
0x40: {  	_ =	shalt  }
0x41: {  	_ =	shalt  }
0x42: {  	_ =	shalt  }
0x43: {  	_ =	shalt  }
0x44: {  	_ =	shalt  }
0x45: {  	_ =	shalt  }
0x46: {  	_ =	shalt  }
0x47: {  	_ =	shalt  }
0x48: {  	_ =	shalt  }
0x49: {  	_ =	shalt  }
0x4a: {  	_ =	shalt  }
0x4b: {  	_ =	shalt  }
0x4c: {  	_ =	shalt  }
0x4d: {  	_ =	shalt  }
0x4e: {  	_ =	shalt  }
0x4f: {  	_ =	shalt  }
0x50: {  	_ =	shalt  }
0x51: {  	_ =	shalt  }
0x52: {  	_ =	shalt  }
0x53: {  	_ =	shalt  }
0x54: {  	_ =	shalt  }
0x55: {  	_ =	shalt  }
0x56: {  	_ =	shalt  }
0x57: {  	_ =	shalt  }
0x58: {  	_ =	shalt  }
0x59: {  	_ =	shalt  }
0x5a: {  	_ =	shalt  }
0x5b: {  	_ =	shalt  }
0x5c: {  	_ =	shalt  }
0x5d: {  	_ =	shalt  }
0x5e: {  	_ =	shalt  }
0x5f: {  	_ =	shalt  }
0x60: {  	_ =	shalt  }
0x61: {  	_ =	shalt  }
0x62: {  	_ =	shalt  }
0x63: {  	_ =	shalt  }
0x64: {  	_ =	shalt  }
0x65: {  	_ =	shalt  }
0x66: {  	_ =	shalt  }
0x67: {  	_ =	shalt  }
0x68: {  	_ =	shalt  }
0x69: {  	_ =	shalt  }
0x6a: {  	_ =	shalt  }
0x6b: {  	_ =	shalt  }
0x6c: {  	_ =	shalt  }
0x6d: {  	_ =	shalt  }
0x6e: {  	_ =	shalt  }
0x6f: {  	_ =	shalt  }
0x70: {  	_ =	shalt  }
0x71: {  	_ =	shalt  }
0x72: {  	_ =	shalt  }
0x73: {  	_ =	shalt  }
0x74: {  	_ =	shalt  }
0x75: {  	_ =	shalt  }
0x76: {  	_ =	shalt  }
0x77: {  	_ =	shalt  }
0x78: {  	_ =	shalt  }
0x79: {  	_ =	shalt  }
0x7a: {  	_ =	shalt  }
0x7b: {  	_ =	shalt  }
0x7c: {  	_ =	shalt  }
0x7d: {  	_ =	shalt  }
0x7e: {  	_ =	shalt  }
0x7f: {  	_ =	shalt  }
0x80: {  	_ =	shalt  }
0x81: {  	_ =	shalt  }
0x82: {  	_ =	shalt  }
0x83: {  	_ =	shalt  }
0x84: {  	_ =	shalt  }
0x85: {  	_ =	shalt  }
0x86: {  	_ =	shalt  }
0x87: {  	_ =	shalt  }
.Lfunc_end0:
.L_simem_size_0:
called_computation.2_lowered:
.L_overlay_start_0:
0x88: {  	s2 =	sld [smem:$0x3FD9]  }
0x89: {  	s3 =	sld [smem:$0x3FFE];
	_ =	sdelay $0x1  }
0x8a: {  	s1 =	srdreg.scid  }
0x8b: {  	s0 =	sand.u32 $0x1, s1  }
0x8c: {  	s17 =	sshll.u32 s0, $0xA;
	s2 =	sadd.s32 s3, s2  }
0x8d: {  	s2 =	sadd.s32 s2, s17  }
0x8e: {  	[smem:$0x3FB1] =	sst s2  }
0x8f: {  	_ = 	snop  }
0x90: {  	(tm) =	ssettm $0x1  }
0x91: {  	s18 =	sld [smem:$0x3FFB];
	_ =	sdelay $0x3  }
0x92: {  	_ =	strace s18  }
0x93: {  	s2 =	sld [smem:$0x3FFC];
	_ =	sdelay $0x3  }
0x94: {  	_ =	strace s2  }
0x95: {  	s2 =	sld [smem:$0x3FFD];
	_ =	sdelay $0x3  }
0x96: {  	_ =	strace s2  }
0x97: {  	_ =	strace $0x8FFFFFFF  }
0x98: {  	s19 =	sld [smem:$0x3FDB];
	_ =	sdelay $0x1  }
0x99: {  	s20 =	simm.s32 $_scs_section_size  }
0x9a: {  	s4 =	simm.s32 $_size__tile_overlayer_lowered;
	s5 =	simm.s32 $_tile_overlayer_lowered  }
0x9b: {  	s6 =	simm.s32 $0x1BFF;
	s21 =	sshll.u32 s5, $0x1;
	s3 =	sadd.s32 s20, s19  }
0x9c: {  	s22 =	simm.s32 $0x0;
	s4 =	sshll.u32 s4, $0x1;
	s5 =	sadd.s32 s21, s3  }
0x9d: {  	[timem:s22], [sflag:s6] =	dma.local [hbm:s5], s4  }
0x9e: {  	_ =	swait.ge [sflag:s6], s4  }
0x9f: {  	s4 =	ssub.s32 $0x0, s4;
	[sflag:s6] =	ssyncset.done $0x0  }
0xa0: {  	[sflag:s6] =	ssyncadd.s32 s4;
	_ =	sdelay $0x1  }
0xa1: {  	s23 =	simm.s32 $0x1B8B  }
0xa2: {  	_ =	swait.ge [sflag:s23], $0x1  }
0xa3: {  	[sflag:s23] =	ssyncset.done $0x0  }
0xa4: {  	[sflag:s23] =	ssyncadd.s32 $0xFFFFFFFF  }
0xa5: {  	s4 =	sld [smem:$0x0]  }
0xa6: {  	s5 =	sand.u32 $0xFFFFFFFE, s1  }
0xa7: {  	p0 =	sne.s32 s1, s5  }
0xa8: {  	s5 =	sshll.u32 @p0 s5, $0xE  }
0xa9: {  	s5 =	sadd.s32 @p0 $0x11B8D, s5;
	s6 =	sshll.u32 @p0 s4, $0x11  }
0xaa: {  	s5 =	sor.u32 @p0 s6, s5  }
0xab: {  	[sflag:s5] =	ssyncadd.remote.s32 @p0 $0x1;
	_ =	sdelay $0x1  }
0xac: {  	s5 =	simm.s32 @p0 $0x1B8D  }
0xad: {  	_ =	swait.eq @p0 [sflag:s5], $0x1  }
0xae: {  	[sflag:s5] =	ssyncadd.s32 @p0 $0xFFFFFFFF  }
0xaf: {  	s6 =	sshll.u32 @!p0 s1, $0xE  }
0xb0: {  	s6 =	sor.u32 @!p0 $0x4000, s6;
	s5 =	simm.s32 @!p0 $0x1B8D  }
0xb1: {  	s4 =	sshll.u32 @!p0 s4, $0x11;
	s6 =	sadd.s32 @!p0 $0x11B8D, s6;
	_ =	swait.eq @!p0 [sflag:s5], $0x1  }
0xb2: {  	s4 =	sor.u32 @!p0 s4, s6;
	[sflag:s5] =	ssyncadd.s32 @!p0 $0xFFFFFFFF  }
0xb3: {  	s25 =	simm.s32 $0x1B8E;
	s24 =	sld [smem:$0x3FFE];
	[sflag:s4] =	ssyncadd.remote.s32 @!p0 $0x1  }
0xb4: {  	s26 =	simm.s32 $execute0_lowered;
	[smem:$0x3FD2] =	sst s25  }
0xb5: {  	s5 =	sshll.u32 s26, $0x1;
	_ =	strace $0x8000004C;
	[dreg:$0x1] =	wrdreg $0xFFFFFFFF  }
0xb6: {  	s28 =	simm.s32 $_size_execute0_lowered;
	s3 =	sadd.s32 s3, s5;
	[dreg:$0x0] =	wrdreg $0x0  }
0xb7: {  	s5 =	sshll.u32 s28, $0x1;
	[dreg:$0x2] =	wrdreg s3  }
0xb8: {  	[dreg:$0x3] =	wrdreg s5  }
0xb9: {  	[dreg:$0x4] =	wrdreg $0xC0  }
0xba: {  	_ =	task [dreg:s22], $0x5FFFF  }
0xbb: {  	[dreg:$0x1] =	wrdreg $0xFFFFFFFF  }
0xbc: {  	[dreg:$0x0] =	wrdreg $0x60  }
0xbd: {  	[dreg:$0x2] =	wrdreg s24  }
0xbe: {  	[dreg:$0x3] =	wrdreg $0x65000  }
0xbf: {  	[dreg:$0x4] =	wrdreg $0xA  }
0xc0: {  	_ =	task.clear_ibuf [dreg:s22], $0x5FFFF;
	_ =	strace $0x9000004C  }
0xc1: {  	s29 =	simm.s32 $0xA;
	_ =	strace $0x8000004E  }
0xc2: {  	_ =	swait.ge [sflag:s29], $0x1  }
0xc3: {  	[sflag:s29] =	ssyncadd.s32 $0xFFFFFFFF  }
0xc4: {  	_ =	strace $0x9000004E  }
0xc5: {  	_ =	sfence  }
0xc6: {  	s30 =	sld [smem:$0x0];
	_ =	sdelay $0x2  }
0xc7: {  	s31 =	sshll.u32 s1, $0xD;
	s1 =	sshrl.u32 s1, $0x2  }
0xc8: {  	s4 =	sand.u32 $0x4000, s31;
	s1 =	sadd.s32 s1, s30  }
0xc9: {  	s0 =	sor.u32 s4, s0;
	s1 =	sshll.u32 s1, $0x11  }
0xca: {  	s0 =	sor.u32 s1, s0  }
0xcb: {  	s0 =	sadd.s32 $0x8F2B, s0  }
0xcc: {  	[sflag:s0] =	ssyncadd.remote.s32 $0x1  }
0xcd: {  	_ =	sfence.sel $0xFFFF  }
0xce: {  	[dreg:$0x0] =	wrdreg $0xFFFFFFFF;
	(pc) =	sbr.abs _section_cstart, $3  }
0xcf: {  	[dreg:$0x1] =	wrdreg $0xFFFFFFFF  }
0xd0: {  	_ =	task.clear_ibuf [dreg:s22], $0x2FFFF;
	_ =	strace $0x9FFFFFFF  }
0xd1: {  	(tm) =	ssettm $0x7FFFFFFF  }
tec
execute0_lowered:
.L_overlay_start_1:
0x0: {  	(tag) =	ssettag $0x1  }
0x1: {  	s0 =	stileid.u32  }
0x2: {  	s1 =	srdreg.scid;
	s4 =	smul.u32 $0x12C00, s0  }
0x3: {  	s5 =	rddreg [dreg:$0x0];
	s7 =	smul.u32 $0x12C0, s0  }
0x4: {  	s2 =	rddreg [dreg:$0x1];
	s3 =	simm.s32 $0x0;
	s9 =	smul.u32 $0x2800, s0  }
0x5: {  	s6 =	sand.u32 $0x1, s1;
	s1 =	rddreg [dreg:$0x2];
	s24 =	smul.u32 $0x50000, s0  }
0x6: {  	s14 =	simm.s32 $0x0;
	[smem:$0x7FF] =	sst s3;
	s8 =	smul.u32 $0x960, s6  }
0x7: {  	s30 =	sshll.u32 s0, $0x6;
	s21 =	smul.u32 $0x28000, s6;
	_ =	strace $0x8000004D  }
0x8: {  	s28 =	ssub.s32 $0x2, s6;
	s6 =	smul.u32 $0x9600, s6;
	s10 =	sadd.s32 s4, s5  }
0x9: {  	s25 =	sadd.s32 s9, s5;
	s29 =	sshrl.u32 s28, $0x1;
	s7 =	sadd.s32 s8, s7  }
0xa: {  	s23 =	sadd.s32 s9, s21;
	s12 =	ssub.s32 s28, s29;
	s4 =	sadd.s32 $0x38A00, s25  }
0xb: {  	s31 =	sadd.s32 s6, s10;
	s22 =	sshrl.u32 s7, $0x3;
	s26 =	sadd.s32 s23, s5  }
0xc: {  	s7 =	sshrl.u32 s24, $0x2;
	s8 =	sadd.s32 $0x82A800, s31;
	s11 =	sadd.s32 s22, s5  }
0xd: {  	s13 =	sadd.s32 s7, s2;
	s5 =	sor.u32 $0x1C01, s30;
	s6 =	sadd.s32 $0xD7800, s26  }
0xe: {  	s7 =	smax.u32 s12, $0x1;
	s12 =	simm.s32 $0x100;
	s9 =	sadd.s32 $0xA800, s11  }
0xf: {  	s10 =	sshrl.u32 s13, $0x3;
	s11 =	simm.s32 $0x1;
	s13 =	simm.s32 $0xC8  }
.LBB2_1:
0x10: {  	[spmem:s10], [sflag:s5] =	dma.local [hbm:s4], $0x2800  }
0x11: {  	_ =	swait.ge [sflag:s11], $0x2800  }
0x12: {  	[sflag:s11] =	ssyncset.done $0x0  }
0x13: {  	[sflag:s11] =	ssyncadd.s32 $0xFFFFD800  }
0x14: {  	s15 =	sadd.s32 $0x0, s9;
	[bflag:$0x0] =	sbarrier.arrive $0xFFFF  }
0x15: {  	[tilespmem:s3], [sflag:$0x1] =	stream.linear.gather [hbm4b:s15+s3], $0xC8, $0x38;
	[tilespmem:$0x1A500] =	vst v63  }
0x16: {  	_ =	swait.ge [sflag:s11], $0xC8  }
0x17: {  	[sflag:s11] =	ssyncset.done $0x0  }
0x18: {  	[sflag:s11] =	ssyncadd.s32 $0xFFFFFF38  }
0x19: {  	[tilespmem:s12], [sflag:$0x1] =	stream.linear.gather [hbm4b:s8+s3], $0x6400, $0x38;
	[tilespmem:$0x1A500] =	vst v63  }
0x1a: {  	_ =	swait.ge [sflag:s11], $0x6400  }
0x1b: {  	[sflag:s11] =	ssyncset.done $0x0  }
0x1c: {  	[sflag:s11] =	ssyncadd.s32 $0xFFFF9C00  }
0x1d: {  	[spmem:s2] =	stream.indirect.scatter.add.f32 [tilespmem:s12], [sflag:$0x1], $0x80, s3, s13, $0xb8;
	[tilespmem:$0x1A500] =	vst v63  }
0x1e: {  	s16 =	simm.s32 $0x19;
	_ =	swait.ge [sflag:s11], $0x6400  }
0x1f: {  	s17 =	simm.s32 $0x32;
	s15 =	sadd.s32 $0xC80, s8;
	[sflag:s11] =	ssyncset.done $0x0  }
.LBB2_2:
0x20: {  	s18 =	sadd.s32 s16, s9  }
0x21: {  	[sflag:s11] =	ssyncadd.s32 $0xFFFF9C00;
	s16 =	smov.u32 s17;
	s19 =	sadd.s32 $0x19, s17  }
0x22: {  	[tilespmem:s3], [sflag:$0x1] =	stream.linear.gather [hbm4b:s18+s3], $0xC8, $0x38;
	[tilespmem:$0x1A500] =	vst v63  }
0x23: {  	p0 =	sne.s32 s17, $0x113;
	_ =	swait.ge [sflag:s11], $0xC8  }
0x24: {  	[sflag:s11] =	ssyncset.done $0x0  }
0x25: {  	[sflag:s11] =	ssyncadd.s32 $0xFFFFFF38  }
0x26: {  	[tilespmem:s12], [sflag:$0x1] =	stream.linear.gather [hbm4b:s15+s3], $0x6400, $0x38;
	[tilespmem:$0x1A500] =	vst v63  }
0x27: {  	_ =	swait.ge [sflag:s11], $0x6400  }
.Ltmp0:
0x28: {  	[sflag:s11] =	ssyncset.done $0x0;
	(pc) =	sbr.rel @p0 .LBB2_2-.Ltmp0, $4  }
0x29: {  	[sflag:s11] =	ssyncadd.s32 $0xFFFF9C00  }
0x2a: {  	[spmem:s2] =	stream.indirect.scatter.add.f32 [tilespmem:s12], [sflag:$0x1], $0x80, s3, s13, $0xb8;
	[tilespmem:$0x1A500] =	vst v63  }
0x2b: {  	_ =	swait.ge [sflag:s11], $0x6400  }
0x2c: {  	s17 =	smov.u32 s19;
	s15 =	sadd.s32 $0xC80, s15;
	[sflag:s11] =	ssyncset.done $0x0  }
0x2d: {  	s16 =	sadd.s32 s16, s9;
	[sflag:s11] =	ssyncadd.s32 $0xFFFF9C00  }
0x2e: {  	[tilespmem:s3], [sflag:$0x1] =	stream.linear.gather [hbm4b:s16+s3], $0xC8, $0x38;
	[tilespmem:$0x1A500] =	vst v63  }
0x2f: {  	_ =	swait.ge [sflag:s11], $0xC8  }
0x30: {  	[sflag:s11] =	ssyncset.done $0x0  }
0x31: {  	[sflag:s11] =	ssyncadd.s32 $0xFFFFFF38  }
0x32: {  	[tilespmem:s12], [sflag:$0x1] =	stream.linear.gather [hbm4b:s15+s3], $0x6400, $0x38;
	[tilespmem:$0x1A500] =	vst v63  }
0x33: {  	_ =	swait.ge [sflag:s11], $0x6400  }
0x34: {  	[sflag:s11] =	ssyncset.done $0x0  }
0x35: {  	[sflag:s11] =	ssyncadd.s32 $0xFFFF9C00  }
0x36: {  	[spmem:s2] =	stream.indirect.scatter.add.f32 [tilespmem:s12], [sflag:$0x1], $0x80, s3, s13, $0xb8;
	[tilespmem:$0x1A500] =	vst v63  }
0x37: {  	_ =	swait.ge [sflag:s11], $0x6400  }
0x38: {  	s14 =	sadd.s32 $0x1, s14;
	[sflag:s11] =	ssyncset.done $0x0  }
0x39: {  	p0 =	sne.s32 s14, s7;
	[sflag:s11] =	ssyncadd.s32 $0xFFFF9C00  }
.Ltmp1:
0x3a: {  	[bflag:$0x0] =	sbarrier.arrive $0xFFFF;
	(pc) =	sbr.rel @p0 .LBB2_1-.Ltmp1, $4  }
0x3b: {  	[hbm:s6], [sflag:s5] =	dma.local [spmem:s10], $0x2800  }
0x3c: {  	_ =	swait.ge [sflag:s11], $0x2800  }
0x3d: {  	[sflag:s11] =	ssyncset.done $0x0  }
0x3e: {  	[sflag:s11] =	ssyncadd.s32 $0xFFFFD800  }
0x3f: {  	_ =	sfence.sel $0x180000  }
0x40: {  	[bflag:$0x0] =	sbarrier.arrive $0xFFFF  }
0x41: {  	p0 =	sne.s32 s0, $0x0;
	_ =	strace $0x9000004D  }
0x42: {  	s0 =	sadd.s32 @!p0 $0x100000, s1;
	[bflag:$0x2] =	sbarrier.arrive $0xFFFF  }
0x43: {  	[sflag:s0] =	ssyncadd.tile.s32 @!p0 $0x1;
	_ =	shalt  }
.Lfunc_end2:
_tile_overlayer_lowered:
.L_overlay_start_2:
0x44: {  	(tag) =	ssettag $0x2  }
0x45: {  	s0 =	rddreg [dreg:$0x0];
	s2 =	stileid.u32  }
0x46: {  	s1 =	rddreg [dreg:$0x1];
	p0 =	sne.s32 s2, $0x0  }
0x47: {  	s3 =	rddreg [dreg:$0x2];
	[bflag:$0x3] =	sbarrier.arrive $0xFFFF;
	s2 =	simm.s32 @!p0 $0x1C01  }
0x48: {  	[timem:s3], [sflag:s2] =	dma.local @!p0 [hbm:s0], s1  }
0x49: {  	s0 =	simm.s32 @!p0 $0x1  }
0x4a: {  	_ =	swait.ge @!p0 [sflag:s0], s1  }
0x4b: {  	s1 =	ssub.s32 @!p0 $0x0, s1;
	[sflag:s0] =	ssyncset.done @!p0 $0x0  }
0x4c: {  	[sflag:s0] =	ssyncadd.s32 @!p0 s1  }
0x4d: {  	[bflag:$0x3] =	sbarrier.arrive $0xFFFF  }
0x4e: {  	_ =	shalt  }

// kernel: kernel.23.cloned.1.call-start
scs
__scs_entry_jumppad:
0x0: {  	(pc) =	sbr.rel $0x88, $3  }
0x1: {  	(tag) =	ssettag $0x0;
	lr =	simm.s32 $0x1  }
0x2: {  	[smem:$0x3F8A] =	sst lr;
	_ =	strace $0xD0000000  }
0x3: {  	_ = 	snop  }
0x4: {  	_ = 	snop  }
0x5: {  	_ = 	snop  }
0x6: {  	_ = 	snop  }
0x7: {  	_ = 	snop  }
__scs_overlays_trampoline_lowered:
0x8: {  	[smem:$0x3F99] =	sst s0  }
0x9: {  	[smem:$0x3F9A] =	sst s1  }
0xa: {  	[smem:$0x3F9B] =	sst s2  }
0xb: {  	[smem:$0x3F9C] =	sst s3  }
0xc: {  	[smem:$0x3F9D] =	sst s4  }
0xd: {  	[smem:$0x3F9E] =	sst s5  }
0xe: {  	[smem:$0x3F9F] =	sst s6  }
0xf: {  	[smem:$0x3FA0] =	sst s7  }
0x10: {  	[smem:$0x3FA1] =	sst s8  }
0x11: {  	[smem:$0x3FA2] =	sst s9;
	s0 =	simm.s32 @!p0 $0x0  }
0x12: {  	s1 =	sld [smem:$0x3F88];
	s0 =	simm.s32 @p0 $0x1  }
0x13: {  	[smem:$0x3FA3] =	sst s0;
	s0 =	simm.s32 @!p1 $0x0  }
0x14: {  	s2 =	sld [smem:$0x3F87];
	s0 =	simm.s32 @p1 $0x1  }
0x15: {  	[smem:$0x3FA4] =	sst s0;
	s0 =	simm.s32 @!p2 $0x0  }
0x16: {  	s3 =	sld [smem:$0x3FDB];
	s0 =	simm.s32 @p2 $0x1  }
0x17: {  	s4 =	simm.s32 $0x1BF5;
	[smem:$0x3FA6] =	sst s0  }
0x18: {  	s0 =	sld [smem:$0x3F89];
	_ =	swait.ge [sflag:s4], $0x0  }
0x19: {  	s7 =	sld [smem:$0x3F8A]  }
0x1a: {  	s8 =	sadd.s32 $0xFFFFE003, lr  }
0x1b: {  	s9 =	sadd.s32 $0xFFFFFEF7, lr;
	s5 =	simm.s32 $0xFFFFFFFF;
	p2 =	slt.u32 s8, $0xFFFFF086  }
0x1c: {  	p1 =	slt.u32 s9, $0xF7A;
	s5 =	simm.s32 @!p2 $0x0  }
0x1d: {  	s5 =	simm.s32 @p1 $0x1;
	p0 =	seq.s32 s7, s2  }
0x1e: {  	s7 =	smul.u32 @!p0 $0xF7A, s2;
	p2 =	seq.s32 @!p0 s5, $0x0  }
0x1f: {  	s9 =	smul.u32 $0xF7A, s1;
	s8 =	simm.s32 @!p0 $0x1BF5;
	p2 =	por !p2, p0  }
0x20: {  	[sflag:s8] =	ssyncset.s32 @!p0 $0xFFFFF086;
	s6 =	sadd.s32 @!p0 s3, s7;
	s7 =	simm.s32 @!p0 $0x108  }
0x21: {  	s3 =	sadd.s32 s3, s9;
	s6 =	sadd.s32 @!p0 $0x88, s6;
	s7 =	simm.s32 @p2 $0x1082  }
0x22: {  	[simem:s7], [sflag:s8] =	dma.local @!p0 [hbm:s6], $0xF7A  }
0x23: {  	s9 =	sor.u32 $0xD0000000, s2;
	s6 =	simm.s32 $0x108;
	_ =	swait.ge @!p0 [sflag:s8], $0x0  }
0x24: {  	s3 =	sadd.s32 $0x88, s3;
	s6 =	simm.s32 @!p1 $0x1082;
	[sflag:s4] =	ssyncset.s32 $0xFFFFF086  }
0x25: {  	[simem:s6], [sflag:s4] =	dma.local [hbm:s3], $0xF7A  }
0x26: {  	[smem:$0x3F8A] =	sst s1;
	(tag) =	ssettag s2;
	_ =	strace s9  }
0x27: {  	s1 =	sld [smem:$0x3F9A]  }
0x28: {  	s2 =	sld [smem:$0x3F9B]  }
0x29: {  	s4 =	sld [smem:$0x3F9D]  }
0x2a: {  	p0 =	seq.s32 s5, $0x0;
	s5 =	sld [smem:$0x3F9E]  }
0x2b: {  	s6 =	sld [smem:$0x3F9F]  }
0x2c: {  	s7 =	sld [smem:$0x3FA0]  }
0x2d: {  	s3 =	simm.s32 $0x108;
	s8 =	sld [smem:$0x3FA1]  }
0x2e: {  	s3 =	simm.s32 @!p0 $0x1082;
	s9 =	sld [smem:$0x3FA2]  }
0x2f: {  	lr =	sadd.s32 s0, s3;
	s0 =	sld [smem:$0x3F99]  }
0x30: {  	s3 =	sld [smem:$0x3F9C]  }
0x31: {  	[smem:$0x3FA5] =	sst s10  }
0x32: {  	s10 =	sld [smem:$0x3FA3];
	_ =	sdelay $0x3  }
0x33: {  	p0 =	seq.s32 s10, $0x1;
	s10 =	sld [smem:$0x3FA5];
	_ =	sdelay $0x3  }
0x34: {  	[smem:$0x3FA5] =	sst s10  }
0x35: {  	s10 =	sld [smem:$0x3FA4];
	_ =	sdelay $0x3  }
0x36: {  	p1 =	seq.s32 s10, $0x1;
	s10 =	sld [smem:$0x3FA5];
	_ =	sdelay $0x3  }
0x37: {  	[smem:$0x3FA5] =	sst s10  }
0x38: {  	s10 =	sld [smem:$0x3FA6]  }
0x39: {  	_ = 	snop;
	(pc) =	sbr.ind lr, $3  }
0x3a: {  	_ = 	snop  }
0x3b: {  	_ = 	snop  }
0x3c: {  	p2 =	seq.s32 s10, $0x1;
	s10 =	sld [smem:$0x3FA5]  }
0x3d: {  	_ =	shalt  }
0x3e: {  	_ =	shalt  }
0x3f: {  	_ =	shalt  }
0x40: {  	_ =	shalt  }
0x41: {  	_ =	shalt  }
0x42: {  	_ =	shalt  }
0x43: {  	_ =	shalt  }
0x44: {  	_ =	shalt  }
0x45: {  	_ =	shalt  }
0x46: {  	_ =	shalt  }
0x47: {  	_ =	shalt  }
0x48: {  	_ =	shalt  }
0x49: {  	_ =	shalt  }
0x4a: {  	_ =	shalt  }
0x4b: {  	_ =	shalt  }
0x4c: {  	_ =	shalt  }
0x4d: {  	_ =	shalt  }
0x4e: {  	_ =	shalt  }
0x4f: {  	_ =	shalt  }
0x50: {  	_ =	shalt  }
0x51: {  	_ =	shalt  }
0x52: {  	_ =	shalt  }
0x53: {  	_ =	shalt  }
0x54: {  	_ =	shalt  }
0x55: {  	_ =	shalt  }
0x56: {  	_ =	shalt  }
0x57: {  	_ =	shalt  }
0x58: {  	_ =	shalt  }
0x59: {  	_ =	shalt  }
0x5a: {  	_ =	shalt  }
0x5b: {  	_ =	shalt  }
0x5c: {  	_ =	shalt  }
0x5d: {  	_ =	shalt  }
0x5e: {  	_ =	shalt  }
0x5f: {  	_ =	shalt  }
0x60: {  	_ =	shalt  }
0x61: {  	_ =	shalt  }
0x62: {  	_ =	shalt  }
0x63: {  	_ =	shalt  }
0x64: {  	_ =	shalt  }
0x65: {  	_ =	shalt  }
0x66: {  	_ =	shalt  }
0x67: {  	_ =	shalt  }
0x68: {  	_ =	shalt  }
0x69: {  	_ =	shalt  }
0x6a: {  	_ =	shalt  }
0x6b: {  	_ =	shalt  }
0x6c: {  	_ =	shalt  }
0x6d: {  	_ =	shalt  }
0x6e: {  	_ =	shalt  }
0x6f: {  	_ =	shalt  }
0x70: {  	_ =	shalt  }
0x71: {  	_ =	shalt  }
0x72: {  	_ =	shalt  }
0x73: {  	_ =	shalt  }
0x74: {  	_ =	shalt  }
0x75: {  	_ =	shalt  }
0x76: {  	_ =	shalt  }
0x77: {  	_ =	shalt  }
0x78: {  	_ =	shalt  }
0x79: {  	_ =	shalt  }
0x7a: {  	_ =	shalt  }
0x7b: {  	_ =	shalt  }
0x7c: {  	_ =	shalt  }
0x7d: {  	_ =	shalt  }
0x7e: {  	_ =	shalt  }
0x7f: {  	_ =	shalt  }
0x80: {  	_ =	shalt  }
0x81: {  	_ =	shalt  }
0x82: {  	_ =	shalt  }
0x83: {  	_ =	shalt  }
0x84: {  	_ =	shalt  }
0x85: {  	_ =	shalt  }
0x86: {  	_ =	shalt  }
0x87: {  	_ =	shalt  }
.Lfunc_end0:
.L_simem_size_0:
called_computation.3_lowered:
.L_overlay_start_0:
0x88: {  	s2 =	sld [smem:$0x3FD9]  }
0x89: {  	s3 =	sld [smem:$0x3FFE];
	_ =	sdelay $0x1  }
0x8a: {  	s1 =	srdreg.scid  }
0x8b: {  	s0 =	sand.u32 $0x1, s1  }
0x8c: {  	s17 =	sshll.u32 s0, $0xA;
	s2 =	sadd.s32 s3, s2  }
0x8d: {  	s2 =	sadd.s32 s2, s17  }
0x8e: {  	[smem:$0x3FB1] =	sst s2  }
0x8f: {  	_ = 	snop  }
0x90: {  	s18 =	sld [smem:$0x3FD0];
	(tm) =	ssettm $0x1  }
0x91: {  	s19 =	sld [smem:$0x3FFB];
	_ =	sdelay $0x3  }
0x92: {  	_ =	strace s19  }
0x93: {  	s2 =	sld [smem:$0x3FFC];
	_ =	sdelay $0x3  }
0x94: {  	_ =	strace s2  }
0x95: {  	s2 =	sld [smem:$0x3FFD];
	_ =	sdelay $0x3  }
0x96: {  	_ =	strace s2  }
0x97: {  	_ =	strace $0x8FFFFFFF  }
0x98: {  	s20 =	sld [smem:$0x3FDB];
	_ =	sdelay $0x1  }
0x99: {  	s4 =	simm.s32 $_scs_section_size  }
0x9a: {  	s5 =	simm.s32 $_size__tile_overlayer_lowered;
	s6 =	simm.s32 $_tile_overlayer_lowered  }
0x9b: {  	s7 =	simm.s32 $0x1BFF;
	s21 =	sshll.u32 s6, $0x1;
	s4 =	sadd.s32 s4, s20  }
0x9c: {  	s22 =	simm.s32 $0x0;
	s5 =	sshll.u32 s5, $0x1;
	s6 =	sadd.s32 s21, s4  }
0x9d: {  	[timem:s22], [sflag:s7] =	dma.local [hbm:s6], s5  }
0x9e: {  	_ =	swait.ge [sflag:s7], s5  }
0x9f: {  	s5 =	ssub.s32 $0x0, s5;
	[sflag:s7] =	ssyncset.done $0x0  }
0xa0: {  	[sflag:s7] =	ssyncadd.s32 s5;
	_ =	sdelay $0x1  }
0xa1: {  	s23 =	simm.s32 $0x1B8B  }
0xa2: {  	_ =	swait.ge [sflag:s23], $0x1  }
0xa3: {  	[sflag:s23] =	ssyncset.done $0x0  }
0xa4: {  	[sflag:s23] =	ssyncadd.s32 $0xFFFFFFFF  }
0xa5: {  	s5 =	sld [smem:$0x0]  }
0xa6: {  	s6 =	sand.u32 $0xFFFFFFFE, s1  }
0xa7: {  	p0 =	sne.s32 s1, s6  }
0xa8: {  	s6 =	sshll.u32 @p0 s6, $0xE  }
0xa9: {  	s6 =	sadd.s32 @p0 $0x11B8D, s6;
	s7 =	sshll.u32 @p0 s5, $0x11  }
0xaa: {  	s6 =	sor.u32 @p0 s7, s6  }
0xab: {  	[sflag:s6] =	ssyncadd.remote.s32 @p0 $0x1;
	_ =	sdelay $0x1  }
0xac: {  	s6 =	simm.s32 @p0 $0x1B8D  }
0xad: {  	_ =	swait.eq @p0 [sflag:s6], $0x1  }
0xae: {  	[sflag:s6] =	ssyncadd.s32 @p0 $0xFFFFFFFF  }
0xaf: {  	s7 =	sshll.u32 @!p0 s1, $0xE  }
0xb0: {  	s7 =	sor.u32 @!p0 $0x4000, s7;
	s6 =	simm.s32 @!p0 $0x1B8D  }
0xb1: {  	s5 =	sshll.u32 @!p0 s5, $0x11;
	s7 =	sadd.s32 @!p0 $0x11B8D, s7;
	_ =	swait.eq @!p0 [sflag:s6], $0x1  }
0xb2: {  	s5 =	sor.u32 @!p0 s5, s7;
	[sflag:s6] =	ssyncadd.s32 @!p0 $0xFFFFFFFF  }
0xb3: {  	s25 =	simm.s32 $0x1B8E;
	s24 =	sld [smem:$0x3FFE];
	[sflag:s5] =	ssyncadd.remote.s32 @!p0 $0x1  }
0xb4: {  	s26 =	simm.s32 $execute0_lowered;
	[smem:$0x3FD2] =	sst s25  }
0xb5: {  	s6 =	sshll.u32 s26, $0x1;
	_ =	strace $0x8000004F;
	[dreg:$0x1] =	wrdreg $0xFFFFFFFF  }
0xb6: {  	s28 =	simm.s32 $_size_execute0_lowered;
	s4 =	sadd.s32 s4, s6;
	[dreg:$0x0] =	wrdreg $0x0  }
0xb7: {  	s6 =	sshll.u32 s28, $0x1;
	[dreg:$0x2] =	wrdreg s4  }
0xb8: {  	[dreg:$0x3] =	wrdreg s6  }
0xb9: {  	[dreg:$0x4] =	wrdreg $0xC0  }
0xba: {  	_ =	task [dreg:s22], $0x5FFFF  }
0xbb: {  	[dreg:$0x1] =	wrdreg $0xFFFFFFFF  }
0xbc: {  	[dreg:$0x0] =	wrdreg $0x60  }
0xbd: {  	[dreg:$0x2] =	wrdreg s24  }
0xbe: {  	[dreg:$0x3] =	wrdreg s18  }
0xbf: {  	[dreg:$0x4] =	wrdreg $0x65000  }
0xc0: {  	[dreg:$0x5] =	wrdreg $0x9  }
0xc1: {  	_ =	task.clear_ibuf [dreg:s22], $0x6FFFF;
	_ =	strace $0x9000004F  }
0xc2: {  	s29 =	simm.s32 $0x9;
	_ =	strace $0x80000051  }
0xc3: {  	_ =	swait.ge [sflag:s29], $0x1  }
0xc4: {  	[sflag:s29] =	ssyncadd.s32 $0xFFFFFFFF  }
0xc5: {  	_ =	strace $0x90000051  }
0xc6: {  	_ =	sfence  }
0xc7: {  	s30 =	sld [smem:$0x0];
	_ =	sdelay $0x2  }
0xc8: {  	s31 =	sshll.u32 s1, $0xD;
	s1 =	sshrl.u32 s1, $0x2  }
0xc9: {  	s4 =	sand.u32 $0x4000, s31;
	s1 =	sadd.s32 s1, s30  }
0xca: {  	s0 =	sor.u32 s4, s0;
	s1 =	sshll.u32 s1, $0x11  }
0xcb: {  	s0 =	sor.u32 s1, s0  }
0xcc: {  	s0 =	sadd.s32 $0x8F2B, s0  }
0xcd: {  	[sflag:s0] =	ssyncadd.remote.s32 $0x1  }
0xce: {  	_ =	sfence.sel $0xFFFF  }
0xcf: {  	[dreg:$0x0] =	wrdreg $0xFFFFFFFF;
	(pc) =	sbr.abs _section_cstart, $3  }
0xd0: {  	[dreg:$0x1] =	wrdreg $0xFFFFFFFF  }
0xd1: {  	_ =	task.clear_ibuf [dreg:s22], $0x2FFFF;
	_ =	strace $0x9FFFFFFF  }
0xd2: {  	(tm) =	ssettm $0x7FFFFFFF  }
0xd3: {  	_ =	shalt  }
tec
execute0_lowered:
.L_overlay_start_1:
0x0: {  	(tag) =	ssettag $0x1  }
0x1: {  	s4 =	rddreg [dreg:$0x0];
	s0 =	stileid.u32  }
0x2: {  	s1 =	srdreg.scid;
	s7 =	smul.u32 $0x1450, s0  }
0x3: {  	s6 =	rddreg [dreg:$0x1];
	s9 =	smul.u32 $0x14500, s0  }
0x4: {  	s2 =	rddreg [dreg:$0x2];
	s3 =	simm.s32 $0x0;
	s28 =	smul.u32 $0x2800, s0  }
0x5: {  	s5 =	sand.u32 $0x1, s1;
	s1 =	rddreg [dreg:$0x3];
	s11 =	smul.u32 $0x50000, s0  }
0x6: {  	s14 =	simm.s32 $0x0;
	[smem:$0x7FF] =	sst s3;
	s8 =	smul.u32 $0xA28, s5  }
0x7: {  	s31 =	sshll.u32 s0, $0x6;
	_ =	strace $0x80000050;
	s13 =	smul.u32 $0x28000, s5  }
0x8: {  	s29 =	ssub.s32 $0x2, s5;
	s30 =	smul.u32 $0xA280, s5;
	s5 =	sor.u32 $0x1C01, s31  }
0x9: {  	s26 =	sadd.s32 s9, s4;
	s12 =	sshrl.u32 s29, $0x1;
	s11 =	sshrl.u32 s11, $0x2  }
0xa: {  	s7 =	sadd.s32 s8, s7;
	s11 =	sadd.s32 s11, s2;
	s9 =	sadd.s32 s28, s13  }
0xb: {  	s8 =	sadd.s32 s30, s26;
	s13 =	simm.s32 $0xC8;
	s7 =	sadd.s32 $0x12C00, s7  }
0xc: {  	s6 =	sadd.s32 s6, s9;
	s8 =	sadd.s32 $0x956800, s8;
	s7 =	sshrl.u32 s7, $0x3  }
0xd: {  	s10 =	sadd.s32 s7, s4;
	s4 =	sadd.s32 s28, s4;
	s7 =	ssub.s32 s29, s12  }
0xe: {  	s12 =	simm.s32 $0x100;
	s4 =	sadd.s32 $0x38A00, s4;
	s7 =	smax.u32 s7, $0x1  }
0xf: {  	s9 =	sadd.s32 $0xA800, s10;
	s10 =	sshrl.u32 s11, $0x3;
	s11 =	simm.s32 $0x1  }
.LBB2_1:
0x10: {  	[spmem:s10], [sflag:s5] =	dma.local [hbm:s4], $0x2800  }
0x11: {  	_ =	swait.ge [sflag:s11], $0x2800  }
0x12: {  	[sflag:s11] =	ssyncset.done $0x0  }
0x13: {  	[sflag:s11] =	ssyncadd.s32 $0xFFFFD800  }
0x14: {  	s15 =	sadd.s32 $0x0, s9;
	[bflag:$0x0] =	sbarrier.arrive $0xFFFF  }
0x15: {  	[tilespmem:s3], [sflag:$0x1] =	stream.linear.gather [hbm4b:s15+s3], $0xC8, $0x38;
	[tilespmem:$0x1A500] =	vst v63  }
0x16: {  	_ =	swait.ge [sflag:s11], $0xC8  }
0x17: {  	[sflag:s11] =	ssyncset.done $0x0  }
0x18: {  	[sflag:s11] =	ssyncadd.s32 $0xFFFFFF38  }
0x19: {  	[tilespmem:s12], [sflag:$0x1] =	stream.linear.gather [hbm4b:s8+s3], $0x6400, $0x38;
	[tilespmem:$0x1A500] =	vst v63  }
0x1a: {  	_ =	swait.ge [sflag:s11], $0x6400  }
0x1b: {  	[sflag:s11] =	ssyncset.done $0x0  }
0x1c: {  	[sflag:s11] =	ssyncadd.s32 $0xFFFF9C00  }
0x1d: {  	[spmem:s2] =	stream.indirect.scatter.add.f32 [tilespmem:s12], [sflag:$0x1], $0x80, s3, s13, $0xb8;
	[tilespmem:$0x1A500] =	vst v63  }
0x1e: {  	s16 =	simm.s32 $0x19;
	_ =	swait.ge [sflag:s11], $0x6400  }
0x1f: {  	s17 =	simm.s32 $0x32;
	s15 =	sadd.s32 $0xC80, s8;
	[sflag:s11] =	ssyncset.done $0x0  }
.LBB2_2:
0x20: {  	s18 =	sadd.s32 s16, s9  }
0x21: {  	[sflag:s11] =	ssyncadd.s32 $0xFFFF9C00;
	s16 =	smov.u32 s17;
	s19 =	sadd.s32 $0x19, s17  }
0x22: {  	[tilespmem:s3], [sflag:$0x1] =	stream.linear.gather [hbm4b:s18+s3], $0xC8, $0x38;
	[tilespmem:$0x1A500] =	vst v63  }
0x23: {  	p0 =	sne.s32 s17, $0x12C;
	_ =	swait.ge [sflag:s11], $0xC8  }
0x24: {  	[sflag:s11] =	ssyncset.done $0x0  }
0x25: {  	[sflag:s11] =	ssyncadd.s32 $0xFFFFFF38  }
0x26: {  	[tilespmem:s12], [sflag:$0x1] =	stream.linear.gather [hbm4b:s15+s3], $0x6400, $0x38;
	[tilespmem:$0x1A500] =	vst v63  }
0x27: {  	_ =	swait.ge [sflag:s11], $0x6400  }
.Ltmp0:
0x28: {  	[sflag:s11] =	ssyncset.done $0x0;
	(pc) =	sbr.rel @p0 .LBB2_2-.Ltmp0, $4  }
0x29: {  	[sflag:s11] =	ssyncadd.s32 $0xFFFF9C00  }
0x2a: {  	[spmem:s2] =	stream.indirect.scatter.add.f32 [tilespmem:s12], [sflag:$0x1], $0x80, s3, s13, $0xb8;
	[tilespmem:$0x1A500] =	vst v63  }
0x2b: {  	_ =	swait.ge [sflag:s11], $0x6400  }
0x2c: {  	s17 =	smov.u32 s19;
	s15 =	sadd.s32 $0xC80, s15;
	[sflag:s11] =	ssyncset.done $0x0  }
0x2d: {  	s16 =	sadd.s32 s16, s9;
	[sflag:s11] =	ssyncadd.s32 $0xFFFF9C00  }
0x2e: {  	[tilespmem:s3], [sflag:$0x1] =	stream.linear.gather [hbm4b:s16+s3], $0xC8, $0x38;
	[tilespmem:$0x1A500] =	vst v63  }
0x2f: {  	_ =	swait.ge [sflag:s11], $0xC8  }
0x30: {  	[sflag:s11] =	ssyncset.done $0x0  }
0x31: {  	[sflag:s11] =	ssyncadd.s32 $0xFFFFFF38  }
0x32: {  	[tilespmem:s12], [sflag:$0x1] =	stream.linear.gather [hbm4b:s15+s3], $0x6400, $0x38;
	[tilespmem:$0x1A500] =	vst v63  }
0x33: {  	_ =	swait.ge [sflag:s11], $0x6400  }
0x34: {  	[sflag:s11] =	ssyncset.done $0x0  }
0x35: {  	[sflag:s11] =	ssyncadd.s32 $0xFFFF9C00  }
0x36: {  	[spmem:s2] =	stream.indirect.scatter.add.f32 [tilespmem:s12], [sflag:$0x1], $0x80, s3, s13, $0xb8;
	[tilespmem:$0x1A500] =	vst v63  }
0x37: {  	_ =	swait.ge [sflag:s11], $0x6400  }
0x38: {  	s14 =	sadd.s32 $0x1, s14;
	[sflag:s11] =	ssyncset.done $0x0  }
0x39: {  	p0 =	sne.s32 s14, s7;
	[sflag:s11] =	ssyncadd.s32 $0xFFFF9C00  }
.Ltmp1:
0x3a: {  	[bflag:$0x0] =	sbarrier.arrive $0xFFFF;
	(pc) =	sbr.rel @p0 .LBB2_1-.Ltmp1, $4  }
0x3b: {  	[hbm:s6], [sflag:s5] =	dma.local [spmem:s10], $0x2800  }
0x3c: {  	_ =	swait.ge [sflag:s11], $0x2800  }
0x3d: {  	[sflag:s11] =	ssyncset.done $0x0  }
0x3e: {  	[sflag:s11] =	ssyncadd.s32 $0xFFFFD800  }
0x3f: {  	_ =	sfence.sel $0x180000  }
0x40: {  	[bflag:$0x0] =	sbarrier.arrive $0xFFFF  }
0x41: {  	p0 =	sne.s32 s0, $0x0;
	_ =	strace $0x90000050  }
0x42: {  	s0 =	sadd.s32 @!p0 $0x100000, s1;
	[bflag:$0x2] =	sbarrier.arrive $0xFFFF  }
0x43: {  	[sflag:s0] =	ssyncadd.tile.s32 @!p0 $0x1;
	_ =	shalt  }
.Lfunc_end2:
_tile_overlayer_lowered:
.L_overlay_start_2:
0x44: {  	(tag) =	ssettag $0x2  }
0x45: {  	s0 =	rddreg [dreg:$0x0];
	s2 =	stileid.u32  }
0x46: {  	s1 =	rddreg [dreg:$0x1];
	p0 =	sne.s32 s2, $0x0  }
0x47: {  	s3 =	rddreg [dreg:$0x2];
	[bflag:$0x3] =	sbarrier.arrive $0xFFFF;
	s2 =	simm.s32 @!p0 $0x1C01  }
0x48: {  	[timem:s3], [sflag:s2] =	dma.local @!p0 [hbm:s0], s1  }
0x49: {  	s0 =	simm.s32 @!p0 $0x1  }
0x4a: {  	_ =	swait.ge @!p0 [sflag:s0], s1  }
0x4b: {  	s1 =	ssub.s32 @!p0 $0x0, s1;
	[sflag:s0] =	ssyncset.done @!p0 $0x0  }
0x4c: {  	[sflag:s0] =	ssyncadd.s32 @!p0 s1  }
0x4d: {  	[bflag:$0x3] =	sbarrier.arrive $0xFFFF  }
0x4e: {  	_ =	shalt  }

// kernel: kernel.26.cloned.1.call-start
scs
__scs_entry_jumppad:
0x0: {  	(pc) =	sbr.rel $0x88, $3  }
0x1: {  	(tag) =	ssettag $0x0;
	lr =	simm.s32 $0x1  }
0x2: {  	[smem:$0x3F8A] =	sst lr;
	_ =	strace $0xD0000000  }
0x3: {  	_ = 	snop  }
0x4: {  	_ = 	snop  }
0x5: {  	_ = 	snop  }
0x6: {  	_ = 	snop  }
0x7: {  	_ = 	snop  }
__scs_overlays_trampoline_lowered:
0x8: {  	[smem:$0x3F99] =	sst s0  }
0x9: {  	[smem:$0x3F9A] =	sst s1  }
0xa: {  	[smem:$0x3F9B] =	sst s2  }
0xb: {  	[smem:$0x3F9C] =	sst s3  }
0xc: {  	[smem:$0x3F9D] =	sst s4  }
0xd: {  	[smem:$0x3F9E] =	sst s5  }
0xe: {  	[smem:$0x3F9F] =	sst s6  }
0xf: {  	[smem:$0x3FA0] =	sst s7  }
0x10: {  	[smem:$0x3FA1] =	sst s8  }
0x11: {  	[smem:$0x3FA2] =	sst s9;
	s0 =	simm.s32 @!p0 $0x0  }
0x12: {  	s1 =	sld [smem:$0x3F88];
	s0 =	simm.s32 @p0 $0x1  }
0x13: {  	[smem:$0x3FA3] =	sst s0;
	s0 =	simm.s32 @!p1 $0x0  }
0x14: {  	s2 =	sld [smem:$0x3F87];
	s0 =	simm.s32 @p1 $0x1  }
0x15: {  	[smem:$0x3FA4] =	sst s0;
	s0 =	simm.s32 @!p2 $0x0  }
0x16: {  	s3 =	sld [smem:$0x3FDB];
	s0 =	simm.s32 @p2 $0x1  }
0x17: {  	s4 =	simm.s32 $0x1BF5;
	[smem:$0x3FA6] =	sst s0  }
0x18: {  	s0 =	sld [smem:$0x3F89];
	_ =	swait.ge [sflag:s4], $0x0  }
0x19: {  	s7 =	sld [smem:$0x3F8A]  }
0x1a: {  	s8 =	sadd.s32 $0xFFFFE003, lr  }
0x1b: {  	s9 =	sadd.s32 $0xFFFFFEF7, lr;
	s5 =	simm.s32 $0xFFFFFFFF;
	p2 =	slt.u32 s8, $0xFFFFF086  }
0x1c: {  	p1 =	slt.u32 s9, $0xF7A;
	s5 =	simm.s32 @!p2 $0x0  }
0x1d: {  	s5 =	simm.s32 @p1 $0x1;
	p0 =	seq.s32 s7, s2  }
0x1e: {  	s7 =	smul.u32 @!p0 $0xF7A, s2;
	p2 =	seq.s32 @!p0 s5, $0x0  }
0x1f: {  	s9 =	smul.u32 $0xF7A, s1;
	s8 =	simm.s32 @!p0 $0x1BF5;
	p2 =	por !p2, p0  }
0x20: {  	[sflag:s8] =	ssyncset.s32 @!p0 $0xFFFFF086;
	s6 =	sadd.s32 @!p0 s3, s7;
	s7 =	simm.s32 @!p0 $0x108  }
0x21: {  	s3 =	sadd.s32 s3, s9;
	s6 =	sadd.s32 @!p0 $0x88, s6;
	s7 =	simm.s32 @p2 $0x1082  }
0x22: {  	[simem:s7], [sflag:s8] =	dma.local @!p0 [hbm:s6], $0xF7A  }
0x23: {  	s9 =	sor.u32 $0xD0000000, s2;
	s6 =	simm.s32 $0x108;
	_ =	swait.ge @!p0 [sflag:s8], $0x0  }
0x24: {  	s3 =	sadd.s32 $0x88, s3;
	s6 =	simm.s32 @!p1 $0x1082;
	[sflag:s4] =	ssyncset.s32 $0xFFFFF086  }
0x25: {  	[simem:s6], [sflag:s4] =	dma.local [hbm:s3], $0xF7A  }
0x26: {  	[smem:$0x3F8A] =	sst s1;
	(tag) =	ssettag s2;
	_ =	strace s9  }
0x27: {  	s1 =	sld [smem:$0x3F9A]  }
0x28: {  	s2 =	sld [smem:$0x3F9B]  }
0x29: {  	s4 =	sld [smem:$0x3F9D]  }
0x2a: {  	p0 =	seq.s32 s5, $0x0;
	s5 =	sld [smem:$0x3F9E]  }
0x2b: {  	s6 =	sld [smem:$0x3F9F]  }
0x2c: {  	s7 =	sld [smem:$0x3FA0]  }
0x2d: {  	s3 =	simm.s32 $0x108;
	s8 =	sld [smem:$0x3FA1]  }
0x2e: {  	s3 =	simm.s32 @!p0 $0x1082;
	s9 =	sld [smem:$0x3FA2]  }
0x2f: {  	lr =	sadd.s32 s0, s3;
	s0 =	sld [smem:$0x3F99]  }
0x30: {  	s3 =	sld [smem:$0x3F9C]  }
0x31: {  	[smem:$0x3FA5] =	sst s10  }
0x32: {  	s10 =	sld [smem:$0x3FA3];
	_ =	sdelay $0x3  }
0x33: {  	p0 =	seq.s32 s10, $0x1;
	s10 =	sld [smem:$0x3FA5];
	_ =	sdelay $0x3  }
0x34: {  	[smem:$0x3FA5] =	sst s10  }
0x35: {  	s10 =	sld [smem:$0x3FA4];
	_ =	sdelay $0x3  }
0x36: {  	p1 =	seq.s32 s10, $0x1;
	s10 =	sld [smem:$0x3FA5];
	_ =	sdelay $0x3  }
0x37: {  	[smem:$0x3FA5] =	sst s10  }
0x38: {  	s10 =	sld [smem:$0x3FA6]  }
0x39: {  	_ = 	snop;
	(pc) =	sbr.ind lr, $3  }
0x3a: {  	_ = 	snop  }
0x3b: {  	_ = 	snop  }
0x3c: {  	p2 =	seq.s32 s10, $0x1;
	s10 =	sld [smem:$0x3FA5]  }
0x3d: {  	_ =	shalt  }
0x3e: {  	_ =	shalt  }
0x3f: {  	_ =	shalt  }
0x40: {  	_ =	shalt  }
0x41: {  	_ =	shalt  }
0x42: {  	_ =	shalt  }
0x43: {  	_ =	shalt  }
0x44: {  	_ =	shalt  }
0x45: {  	_ =	shalt  }
0x46: {  	_ =	shalt  }
0x47: {  	_ =	shalt  }
0x48: {  	_ =	shalt  }
0x49: {  	_ =	shalt  }
0x4a: {  	_ =	shalt  }
0x4b: {  	_ =	shalt  }
0x4c: {  	_ =	shalt  }
0x4d: {  	_ =	shalt  }
0x4e: {  	_ =	shalt  }
0x4f: {  	_ =	shalt  }
0x50: {  	_ =	shalt  }
0x51: {  	_ =	shalt  }
0x52: {  	_ =	shalt  }
0x53: {  	_ =	shalt  }
0x54: {  	_ =	shalt  }
0x55: {  	_ =	shalt  }
0x56: {  	_ =	shalt  }
0x57: {  	_ =	shalt  }
0x58: {  	_ =	shalt  }
0x59: {  	_ =	shalt  }
0x5a: {  	_ =	shalt  }
0x5b: {  	_ =	shalt  }
0x5c: {  	_ =	shalt  }
0x5d: {  	_ =	shalt  }
0x5e: {  	_ =	shalt  }
0x5f: {  	_ =	shalt  }
0x60: {  	_ =	shalt  }
0x61: {  	_ =	shalt  }
0x62: {  	_ =	shalt  }
0x63: {  	_ =	shalt  }
0x64: {  	_ =	shalt  }
0x65: {  	_ =	shalt  }
0x66: {  	_ =	shalt  }
0x67: {  	_ =	shalt  }
0x68: {  	_ =	shalt  }
0x69: {  	_ =	shalt  }
0x6a: {  	_ =	shalt  }
0x6b: {  	_ =	shalt  }
0x6c: {  	_ =	shalt  }
0x6d: {  	_ =	shalt  }
0x6e: {  	_ =	shalt  }
0x6f: {  	_ =	shalt  }
0x70: {  	_ =	shalt  }
0x71: {  	_ =	shalt  }
0x72: {  	_ =	shalt  }
0x73: {  	_ =	shalt  }
0x74: {  	_ =	shalt  }
0x75: {  	_ =	shalt  }
0x76: {  	_ =	shalt  }
0x77: {  	_ =	shalt  }
0x78: {  	_ =	shalt  }
0x79: {  	_ =	shalt  }
0x7a: {  	_ =	shalt  }
0x7b: {  	_ =	shalt  }
0x7c: {  	_ =	shalt  }
0x7d: {  	_ =	shalt  }
0x7e: {  	_ =	shalt  }
0x7f: {  	_ =	shalt  }
0x80: {  	_ =	shalt  }
0x81: {  	_ =	shalt  }
0x82: {  	_ =	shalt  }
0x83: {  	_ =	shalt  }
0x84: {  	_ =	shalt  }
0x85: {  	_ =	shalt  }
0x86: {  	_ =	shalt  }
0x87: {  	_ =	shalt  }
.Lfunc_end0:
.L_simem_size_0:
called_computation.4_lowered:
.L_overlay_start_0:
0x88: {  	s2 =	sld [smem:$0x3FD9]  }
0x89: {  	s3 =	sld [smem:$0x3FFE];
	_ =	sdelay $0x1  }
0x8a: {  	s1 =	srdreg.scid  }
0x8b: {  	s0 =	sand.u32 $0x1, s1  }
0x8c: {  	s17 =	sshll.u32 s0, $0xA;
	s2 =	sadd.s32 s3, s2  }
0x8d: {  	s2 =	sadd.s32 s2, s17  }
0x8e: {  	[smem:$0x3FB1] =	sst s2  }
0x8f: {  	_ = 	snop  }
0x90: {  	s2 =	sld [smem:$0x3FD0];
	(tm) =	ssettm $0x1  }
0x91: {  	s18 =	sld [smem:$0x3FFB];
	_ =	sdelay $0x3  }
0x92: {  	_ =	strace s18  }
0x93: {  	s3 =	sld [smem:$0x3FFC];
	_ =	sdelay $0x3  }
0x94: {  	_ =	strace s3  }
0x95: {  	s3 =	sld [smem:$0x3FFD];
	_ =	sdelay $0x3  }
0x96: {  	_ =	strace s3  }
0x97: {  	_ =	strace $0x8FFFFFFF  }
0x98: {  	s19 =	sld [smem:$0x3FDB];
	_ =	sdelay $0x1  }
0x99: {  	s4 =	simm.s32 $_scs_section_size  }
0x9a: {  	s5 =	simm.s32 $_size__tile_overlayer_lowered;
	s6 =	simm.s32 $_tile_overlayer_lowered  }
0x9b: {  	s22 =	simm.s32 $0x1BFF;
	s21 =	sshll.u32 s6, $0x1;
	s3 =	sadd.s32 s4, s19  }
0x9c: {  	s7 =	simm.s32 $0x0;
	s20 =	sshll.u32 s5, $0x1;
	s5 =	sadd.s32 s21, s3  }
0x9d: {  	[timem:s7], [sflag:s22] =	dma.local [hbm:s5], s20  }
0x9e: {  	_ =	swait.ge [sflag:s22], s20  }
0x9f: {  	s4 =	ssub.s32 $0x0, s20;
	[sflag:s22] =	ssyncset.done $0x0  }
0xa0: {  	[sflag:s22] =	ssyncadd.s32 s4;
	_ =	sdelay $0x1  }
0xa1: {  	s23 =	simm.s32 $0x1B8B  }
0xa2: {  	_ =	swait.ge [sflag:s23], $0x1  }
0xa3: {  	[sflag:s23] =	ssyncset.done $0x0  }
0xa4: {  	s25 =	simm.s32 $0x1B8E;
	s24 =	sld [smem:$0x3FFE];
	[sflag:s23] =	ssyncadd.s32 $0xFFFFFFFF  }
0xa5: {  	s26 =	simm.s32 $execute0_lowered;
	[smem:$0x3FD2] =	sst s25  }
0xa6: {  	s5 =	sshll.u32 s26, $0x1;
	_ =	strace $0x80000052;
	[dreg:$0x1] =	wrdreg $0xFFFFFFFF  }
0xa7: {  	s28 =	simm.s32 $_size_execute0_lowered;
	s3 =	sadd.s32 s3, s5;
	[dreg:$0x0] =	wrdreg $0x0  }
0xa8: {  	s5 =	sshll.u32 s28, $0x1;
	[dreg:$0x2] =	wrdreg s3  }
0xa9: {  	[dreg:$0x3] =	wrdreg s5  }
0xaa: {  	[dreg:$0x4] =	wrdreg $0xC0  }
0xab: {  	_ =	task [dreg:s7], $0x5FFFF  }
0xac: {  	[dreg:$0x1] =	wrdreg $0xFFFFFFFF  }
0xad: {  	[dreg:$0x0] =	wrdreg $0x60  }
0xae: {  	[dreg:$0x2] =	wrdreg s2  }
0xaf: {  	[dreg:$0x3] =	wrdreg s24  }
0xb0: {  	[dreg:$0x4] =	wrdreg $0x9  }
0xb1: {  	_ =	task.clear_ibuf [dreg:s7], $0x5FFFF;
	_ =	strace $0x90000052  }
0xb2: {  	s29 =	simm.s32 $0x9;
	_ =	strace $0x80000054  }
0xb3: {  	_ =	swait.ge [sflag:s29], $0x1  }
0xb4: {  	[sflag:s29] =	ssyncadd.s32 $0xFFFFFFFF  }
0xb5: {  	_ =	strace $0x90000054  }
0xb6: {  	_ =	sfence  }
0xb7: {  	s30 =	sld [smem:$0x0];
	_ =	sdelay $0x2  }
0xb8: {  	s31 =	sshll.u32 s1, $0xD;
	s1 =	sshrl.u32 s1, $0x2  }
0xb9: {  	s3 =	sand.u32 $0x4000, s31;
	s1 =	sadd.s32 s1, s30  }
0xba: {  	s0 =	sor.u32 s3, s0;
	s1 =	sshll.u32 s1, $0x11  }
0xbb: {  	s0 =	sor.u32 s1, s0  }
0xbc: {  	s0 =	sadd.s32 $0x8F2B, s0  }
0xbd: {  	[sflag:s0] =	ssyncadd.remote.s32 $0x1  }
0xbe: {  	_ =	sfence.sel $0xFFFF  }
0xbf: {  	[dreg:$0x0] =	wrdreg $0xFFFFFFFF;
	(pc) =	sbr.abs _section_cstart, $3  }
0xc0: {  	[dreg:$0x1] =	wrdreg $0xFFFFFFFF  }
0xc1: {  	_ =	task.clear_ibuf [dreg:s7], $0x2FFFF;
	_ =	strace $0x9FFFFFFF  }
0xc2: {  	(tm) =	ssettm $0x7FFFFFFF  }
0xc3: {  	_ =	shalt  }
tec
execute0_lowered:
.L_overlay_start_1:
0x0: {  	(tag) =	ssettag $0x1  }
0x1: {  	s2 =	rddreg [dreg:$0x0];
	s1 =	srdreg.scid  }
0x2: {  	s0 =	stileid.u32;
	s4 =	rddreg [dreg:$0x1];
	s3 =	simm.s32 $0x0  }
0x3: {  	s10 =	simm.s32 $0x1;
	s11 =	simm.s32 $0x0;
	s6 =	smul.u32 $0x12C0, s0  }
0x4: {  	s5 =	sand.u32 $0x1, s1;
	s1 =	rddreg [dreg:$0x2];
	s8 =	smul.u32 $0x12C00, s0  }
0x5: {  	[smem:$0x7FF] =	sst s3;
	s7 =	smul.u32 $0x960, s5;
	s9 =	ssub.s32 $0x2, s5  }
0x6: {  	_ =	strace $0x80000053;
	s5 =	smul.u32 $0x9600, s5;
	s31 =	sshrl.u32 s9, $0x1  }
0x7: {  	s30 =	sadd.s32 s8, s4;
	s6 =	sadd.s32 s7, s6;
	s8 =	ssub.s32 s9, s31  }
0x8: {  	s5 =	sadd.s32 s5, s30;
	s7 =	simm.s32 $0x2;
	s6 =	sshrl.u32 s6, $0x3  }
0x9: {  	s9 =	simm.s32 $0x100;
	s5 =	sadd.s32 $0x45B800, s5;
	s6 =	sadd.s32 s6, s4  }
0xa: {  	s4 =	smax.u32 s8, $0x1;
	s8 =	simm.s32 $0xC8;
	s6 =	sadd.s32 $0xA800, s6  }
.LBB2_1:
0xb: {  	s12 =	sadd.s32 $0x0, s6  }
0xc: {  	[tilespmem:s3], [sflag:$0x2] =	stream.linear.gather [hbm4b:s12+s3], $0xC8, $0x38;
	[tilespmem:$0x6500] =	vst v63  }
0xd: {  	_ =	swait.ge [sflag:s7], $0xC8  }
0xe: {  	[sflag:s7] =	ssyncset.done $0x0  }
0xf: {  	[sflag:s7] =	ssyncadd.s32 $0xFFFFFF38  }
0x10: {  	[tilespmem:s9], [sflag:$0x1] =	stream.indirect.gather [hbm4b:s2+s8], $0x80, s3, s8, $0xb8;
	[tilespmem:$0x6500] =	vst v63  }
0x11: {  	_ =	swait.ge [sflag:s10], $0x6400  }
0x12: {  	[sflag:s10] =	ssyncset.done $0x0  }
0x13: {  	[sflag:s10] =	ssyncadd.s32 $0xFFFF9C00  }
0x14: {  	[hbm4b:s5+s3] =	stream.linear.scatter [tilespmem:s9], [sflag:$0x2], $0x6400, $0x38;
	[tilespmem:$0x6500] =	vst v63  }
0x15: {  	s13 =	simm.s32 $0x19;
	_ =	swait.ge [sflag:s7], $0x6400  }
0x16: {  	s14 =	simm.s32 $0x32;
	s12 =	sadd.s32 $0xC80, s5;
	[sflag:s7] =	ssyncset.done $0x0  }
.LBB2_2:
0x17: {  	s15 =	sadd.s32 s13, s6  }
0x18: {  	[sflag:s7] =	ssyncadd.s32 $0xFFFF9C00;
	s13 =	smov.u32 s14;
	s16 =	sadd.s32 $0x19, s14  }
0x19: {  	[tilespmem:s3], [sflag:$0x2] =	stream.linear.gather [hbm4b:s15+s3], $0xC8, $0x38;
	[tilespmem:$0x6500] =	vst v63  }
0x1a: {  	p0 =	sne.s32 s14, $0x113;
	_ =	swait.ge [sflag:s7], $0xC8  }
0x1b: {  	[sflag:s7] =	ssyncset.done $0x0  }
0x1c: {  	[sflag:s7] =	ssyncadd.s32 $0xFFFFFF38  }
0x1d: {  	[tilespmem:s9], [sflag:$0x1] =	stream.indirect.gather [hbm4b:s2+s8], $0x80, s3, s8, $0xb8;
	[tilespmem:$0x6500] =	vst v63  }
0x1e: {  	_ =	swait.ge [sflag:s10], $0x6400  }
.Ltmp0:
0x1f: {  	[sflag:s10] =	ssyncset.done $0x0;
	(pc) =	sbr.rel @p0 .LBB2_2-.Ltmp0, $4  }
0x20: {  	[sflag:s10] =	ssyncadd.s32 $0xFFFF9C00  }
0x21: {  	[hbm4b:s12+s3] =	stream.linear.scatter [tilespmem:s9], [sflag:$0x2], $0x6400, $0x38;
	[tilespmem:$0x6500] =	vst v63  }
0x22: {  	_ =	swait.ge [sflag:s7], $0x6400  }
0x23: {  	s14 =	smov.u32 s16;
	s12 =	sadd.s32 $0xC80, s12;
	[sflag:s7] =	ssyncset.done $0x0  }
0x24: {  	s13 =	sadd.s32 s13, s6;
	[sflag:s7] =	ssyncadd.s32 $0xFFFF9C00  }
0x25: {  	[tilespmem:s3], [sflag:$0x2] =	stream.linear.gather [hbm4b:s13+s3], $0xC8, $0x38;
	[tilespmem:$0x6500] =	vst v63  }
0x26: {  	_ =	swait.ge [sflag:s7], $0xC8  }
0x27: {  	[sflag:s7] =	ssyncset.done $0x0  }
0x28: {  	[sflag:s7] =	ssyncadd.s32 $0xFFFFFF38  }
0x29: {  	[tilespmem:s9], [sflag:$0x1] =	stream.indirect.gather [hbm4b:s2+s8], $0x80, s3, s8, $0xb8;
	[tilespmem:$0x6500] =	vst v63  }
0x2a: {  	s11 =	sadd.s32 $0x1, s11;
	_ =	swait.ge [sflag:s10], $0x6400  }
0x2b: {  	p0 =	sne.s32 s11, s4;
	[sflag:s10] =	ssyncset.done $0x0  }
.Ltmp1:
0x2c: {  	[sflag:s10] =	ssyncadd.s32 $0xFFFF9C00;
	(pc) =	sbr.rel @p0 .LBB2_1-.Ltmp1, $4  }
0x2d: {  	[hbm4b:s12+s3] =	stream.linear.scatter [tilespmem:s9], [sflag:$0x2], $0x6400, $0x38;
	[tilespmem:$0x6500] =	vst v63  }
0x2e: {  	_ =	swait.ge [sflag:s7], $0x6400  }
0x2f: {  	[sflag:s7] =	ssyncset.done $0x0  }
0x30: {  	[sflag:s7] =	ssyncadd.s32 $0xFFFF9C00  }
0x31: {  	_ =	sfence.sel $0x180000  }
0x32: {  	[bflag:$0x0] =	sbarrier.arrive $0xFFFF  }
0x33: {  	p0 =	sne.s32 s0, $0x0;
	_ =	strace $0x90000053  }
0x34: {  	s0 =	sadd.s32 @!p0 $0x100000, s1;
	[bflag:$0x2] =	sbarrier.arrive $0xFFFF  }
0x35: {  	[sflag:s0] =	ssyncadd.tile.s32 @!p0 $0x1;
	_ =	shalt  }
.Lfunc_end2:
_tile_overlayer_lowered:
.L_overlay_start_2:
0x36: {  	(tag) =	ssettag $0x2  }
0x37: {  	s0 =	rddreg [dreg:$0x0];
	s2 =	stileid.u32  }
0x38: {  	s1 =	rddreg [dreg:$0x1];
	p0 =	sne.s32 s2, $0x0  }
0x39: {  	s3 =	rddreg [dreg:$0x2];
	[bflag:$0x3] =	sbarrier.arrive $0xFFFF;
	s2 =	simm.s32 @!p0 $0x1C02  }
0x3a: {  	[timem:s3], [sflag:s2] =	dma.local @!p0 [hbm:s0], s1  }
0x3b: {  	s0 =	simm.s32 @!p0 $0x2  }
0x3c: {  	_ =	swait.ge @!p0 [sflag:s0], s1  }
0x3d: {  	s1 =	ssub.s32 @!p0 $0x0, s1;
	[sflag:s0] =	ssyncset.done @!p0 $0x0  }
0x3e: {  	[sflag:s0] =	ssyncadd.s32 @!p0 s1  }
0x3f: {  	[bflag:$0x3] =	sbarrier.arrive $0xFFFF  }
0x40: {  	_ =	shalt  }

// kernel: kernel.29.cloned.1.call-start
scs
__scs_entry_jumppad:
0x0: {  	(pc) =	sbr.rel $0x88, $3  }
0x1: {  	(tag) =	ssettag $0x0;
	lr =	simm.s32 $0x1  }
0x2: {  	[smem:$0x3F8A] =	sst lr;
	_ =	strace $0xD0000000  }
0x3: {  	_ = 	snop  }
0x4: {  	_ = 	snop  }
0x5: {  	_ = 	snop  }
0x6: {  	_ = 	snop  }
0x7: {  	_ = 	snop  }
__scs_overlays_trampoline_lowered:
0x8: {  	[smem:$0x3F99] =	sst s0  }
0x9: {  	[smem:$0x3F9A] =	sst s1  }
0xa: {  	[smem:$0x3F9B] =	sst s2  }
0xb: {  	[smem:$0x3F9C] =	sst s3  }
0xc: {  	[smem:$0x3F9D] =	sst s4  }
0xd: {  	[smem:$0x3F9E] =	sst s5  }
0xe: {  	[smem:$0x3F9F] =	sst s6  }
0xf: {  	[smem:$0x3FA0] =	sst s7  }
0x10: {  	[smem:$0x3FA1] =	sst s8  }
0x11: {  	[smem:$0x3FA2] =	sst s9;
	s0 =	simm.s32 @!p0 $0x0  }
0x12: {  	s1 =	sld [smem:$0x3F88];
	s0 =	simm.s32 @p0 $0x1  }
0x13: {  	[smem:$0x3FA3] =	sst s0;
	s0 =	simm.s32 @!p1 $0x0  }
0x14: {  	s2 =	sld [smem:$0x3F87];
	s0 =	simm.s32 @p1 $0x1  }
0x15: {  	[smem:$0x3FA4] =	sst s0;
	s0 =	simm.s32 @!p2 $0x0  }
0x16: {  	s3 =	sld [smem:$0x3FDB];
	s0 =	simm.s32 @p2 $0x1  }
0x17: {  	s4 =	simm.s32 $0x1BF5;
	[smem:$0x3FA6] =	sst s0  }
0x18: {  	s0 =	sld [smem:$0x3F89];
	_ =	swait.ge [sflag:s4], $0x0  }
0x19: {  	s7 =	sld [smem:$0x3F8A]  }
0x1a: {  	s8 =	sadd.s32 $0xFFFFE003, lr  }
0x1b: {  	s9 =	sadd.s32 $0xFFFFFEF7, lr;
	s5 =	simm.s32 $0xFFFFFFFF;
	p2 =	slt.u32 s8, $0xFFFFF086  }
0x1c: {  	p1 =	slt.u32 s9, $0xF7A;
	s5 =	simm.s32 @!p2 $0x0  }
0x1d: {  	s5 =	simm.s32 @p1 $0x1;
	p0 =	seq.s32 s7, s2  }
0x1e: {  	s7 =	smul.u32 @!p0 $0xF7A, s2;
	p2 =	seq.s32 @!p0 s5, $0x0  }
0x1f: {  	s9 =	smul.u32 $0xF7A, s1;
	s8 =	simm.s32 @!p0 $0x1BF5;
	p2 =	por !p2, p0  }
0x20: {  	[sflag:s8] =	ssyncset.s32 @!p0 $0xFFFFF086;
	s6 =	sadd.s32 @!p0 s3, s7;
	s7 =	simm.s32 @!p0 $0x108  }
0x21: {  	s3 =	sadd.s32 s3, s9;
	s6 =	sadd.s32 @!p0 $0x88, s6;
	s7 =	simm.s32 @p2 $0x1082  }
0x22: {  	[simem:s7], [sflag:s8] =	dma.local @!p0 [hbm:s6], $0xF7A  }
0x23: {  	s9 =	sor.u32 $0xD0000000, s2;
	s6 =	simm.s32 $0x108;
	_ =	swait.ge @!p0 [sflag:s8], $0x0  }
0x24: {  	s3 =	sadd.s32 $0x88, s3;
	s6 =	simm.s32 @!p1 $0x1082;
	[sflag:s4] =	ssyncset.s32 $0xFFFFF086  }
0x25: {  	[simem:s6], [sflag:s4] =	dma.local [hbm:s3], $0xF7A  }
0x26: {  	[smem:$0x3F8A] =	sst s1;
	(tag) =	ssettag s2;
	_ =	strace s9  }
0x27: {  	s1 =	sld [smem:$0x3F9A]  }
0x28: {  	s2 =	sld [smem:$0x3F9B]  }
0x29: {  	s4 =	sld [smem:$0x3F9D]  }
0x2a: {  	p0 =	seq.s32 s5, $0x0;
	s5 =	sld [smem:$0x3F9E]  }
0x2b: {  	s6 =	sld [smem:$0x3F9F]  }
0x2c: {  	s7 =	sld [smem:$0x3FA0]  }
0x2d: {  	s3 =	simm.s32 $0x108;
	s8 =	sld [smem:$0x3FA1]  }
0x2e: {  	s3 =	simm.s32 @!p0 $0x1082;
	s9 =	sld [smem:$0x3FA2]  }
0x2f: {  	lr =	sadd.s32 s0, s3;
	s0 =	sld [smem:$0x3F99]  }
0x30: {  	s3 =	sld [smem:$0x3F9C]  }
0x31: {  	[smem:$0x3FA5] =	sst s10  }
0x32: {  	s10 =	sld [smem:$0x3FA3];
	_ =	sdelay $0x3  }
0x33: {  	p0 =	seq.s32 s10, $0x1;
	s10 =	sld [smem:$0x3FA5];
	_ =	sdelay $0x3  }
0x34: {  	[smem:$0x3FA5] =	sst s10  }
0x35: {  	s10 =	sld [smem:$0x3FA4];
	_ =	sdelay $0x3  }
0x36: {  	p1 =	seq.s32 s10, $0x1;
	s10 =	sld [smem:$0x3FA5];
	_ =	sdelay $0x3  }
0x37: {  	[smem:$0x3FA5] =	sst s10  }
0x38: {  	s10 =	sld [smem:$0x3FA6]  }
0x39: {  	_ = 	snop;
	(pc) =	sbr.ind lr, $3  }
0x3a: {  	_ = 	snop  }
0x3b: {  	_ = 	snop  }
0x3c: {  	p2 =	seq.s32 s10, $0x1;
	s10 =	sld [smem:$0x3FA5]  }
0x3d: {  	_ =	shalt  }
0x3e: {  	_ =	shalt  }
0x3f: {  	_ =	shalt  }
0x40: {  	_ =	shalt  }
0x41: {  	_ =	shalt  }
0x42: {  	_ =	shalt  }
0x43: {  	_ =	shalt  }
0x44: {  	_ =	shalt  }
0x45: {  	_ =	shalt  }
0x46: {  	_ =	shalt  }
0x47: {  	_ =	shalt  }
0x48: {  	_ =	shalt  }
0x49: {  	_ =	shalt  }
0x4a: {  	_ =	shalt  }
0x4b: {  	_ =	shalt  }
0x4c: {  	_ =	shalt  }
0x4d: {  	_ =	shalt  }
0x4e: {  	_ =	shalt  }
0x4f: {  	_ =	shalt  }
0x50: {  	_ =	shalt  }
0x51: {  	_ =	shalt  }
0x52: {  	_ =	shalt  }
0x53: {  	_ =	shalt  }
0x54: {  	_ =	shalt  }
0x55: {  	_ =	shalt  }
0x56: {  	_ =	shalt  }
0x57: {  	_ =	shalt  }
0x58: {  	_ =	shalt  }
0x59: {  	_ =	shalt  }
0x5a: {  	_ =	shalt  }
0x5b: {  	_ =	shalt  }
0x5c: {  	_ =	shalt  }
0x5d: {  	_ =	shalt  }
0x5e: {  	_ =	shalt  }
0x5f: {  	_ =	shalt  }
0x60: {  	_ =	shalt  }
0x61: {  	_ =	shalt  }
0x62: {  	_ =	shalt  }
0x63: {  	_ =	shalt  }
0x64: {  	_ =	shalt  }
0x65: {  	_ =	shalt  }
0x66: {  	_ =	shalt  }
0x67: {  	_ =	shalt  }
0x68: {  	_ =	shalt  }
0x69: {  	_ =	shalt  }
0x6a: {  	_ =	shalt  }
0x6b: {  	_ =	shalt  }
0x6c: {  	_ =	shalt  }
0x6d: {  	_ =	shalt  }
0x6e: {  	_ =	shalt  }
0x6f: {  	_ =	shalt  }
0x70: {  	_ =	shalt  }
0x71: {  	_ =	shalt  }
0x72: {  	_ =	shalt  }
0x73: {  	_ =	shalt  }
0x74: {  	_ =	shalt  }
0x75: {  	_ =	shalt  }
0x76: {  	_ =	shalt  }
0x77: {  	_ =	shalt  }
0x78: {  	_ =	shalt  }
0x79: {  	_ =	shalt  }
0x7a: {  	_ =	shalt  }
0x7b: {  	_ =	shalt  }
0x7c: {  	_ =	shalt  }
0x7d: {  	_ =	shalt  }
0x7e: {  	_ =	shalt  }
0x7f: {  	_ =	shalt  }
0x80: {  	_ =	shalt  }
0x81: {  	_ =	shalt  }
0x82: {  	_ =	shalt  }
0x83: {  	_ =	shalt  }
0x84: {  	_ =	shalt  }
0x85: {  	_ =	shalt  }
0x86: {  	_ =	shalt  }
0x87: {  	_ =	shalt  }
.Lfunc_end0:
.L_simem_size_0:
called_computation.5_lowered:
.L_overlay_start_0:
0x88: {  	s2 =	sld [smem:$0x3FD9]  }
0x89: {  	s3 =	sld [smem:$0x3FFE];
	_ =	sdelay $0x1  }
0x8a: {  	s1 =	srdreg.scid  }
0x8b: {  	s0 =	sand.u32 $0x1, s1  }
0x8c: {  	s17 =	sshll.u32 s0, $0xA;
	s2 =	sadd.s32 s3, s2  }
0x8d: {  	s2 =	sadd.s32 s2, s17  }
0x8e: {  	[smem:$0x3FB1] =	sst s2  }
0x8f: {  	_ = 	snop  }
0x90: {  	s18 =	sld [smem:$0x3FD0];
	(tm) =	ssettm $0x1  }
0x91: {  	s19 =	sld [smem:$0x3FFB];
	_ =	sdelay $0x3  }
0x92: {  	_ =	strace s19  }
0x93: {  	s2 =	sld [smem:$0x3FFC];
	_ =	sdelay $0x3  }
0x94: {  	_ =	strace s2  }
0x95: {  	s2 =	sld [smem:$0x3FFD];
	_ =	sdelay $0x3  }
0x96: {  	_ =	strace s2  }
0x97: {  	_ =	strace $0x8FFFFFFF  }
0x98: {  	s20 =	sld [smem:$0x3FDB];
	_ =	sdelay $0x1  }
0x99: {  	s4 =	simm.s32 $_scs_section_size  }
0x9a: {  	s5 =	simm.s32 $_size__tile_overlayer_lowered;
	s6 =	simm.s32 $_tile_overlayer_lowered  }
0x9b: {  	s7 =	simm.s32 $0x1BFF;
	s21 =	sshll.u32 s6, $0x1;
	s4 =	sadd.s32 s4, s20  }
0x9c: {  	s22 =	simm.s32 $0x0;
	s5 =	sshll.u32 s5, $0x1;
	s6 =	sadd.s32 s21, s4  }
0x9d: {  	[timem:s22], [sflag:s7] =	dma.local [hbm:s6], s5  }
0x9e: {  	_ =	swait.ge [sflag:s7], s5  }
0x9f: {  	s5 =	ssub.s32 $0x0, s5;
	[sflag:s7] =	ssyncset.done $0x0  }
0xa0: {  	[sflag:s7] =	ssyncadd.s32 s5;
	_ =	sdelay $0x1  }
0xa1: {  	s23 =	simm.s32 $0x1B8B  }
0xa2: {  	_ =	swait.ge [sflag:s23], $0x1  }
0xa3: {  	[sflag:s23] =	ssyncset.done $0x0  }
0xa4: {  	[sflag:s23] =	ssyncadd.s32 $0xFFFFFFFF  }
0xa5: {  	s5 =	sld [smem:$0x0]  }
0xa6: {  	s6 =	sand.u32 $0xFFFFFFFE, s1  }
0xa7: {  	p0 =	sne.s32 s1, s6  }
0xa8: {  	s6 =	sshll.u32 @p0 s6, $0xE  }
0xa9: {  	s6 =	sadd.s32 @p0 $0x11B8D, s6;
	s7 =	sshll.u32 @p0 s5, $0x11  }
0xaa: {  	s6 =	sor.u32 @p0 s7, s6  }
0xab: {  	[sflag:s6] =	ssyncadd.remote.s32 @p0 $0x1;
	_ =	sdelay $0x1  }
0xac: {  	s6 =	simm.s32 @p0 $0x1B8D  }
0xad: {  	_ =	swait.eq @p0 [sflag:s6], $0x1  }
0xae: {  	[sflag:s6] =	ssyncadd.s32 @p0 $0xFFFFFFFF  }
0xaf: {  	s7 =	sshll.u32 @!p0 s1, $0xE  }
0xb0: {  	s7 =	sor.u32 @!p0 $0x4000, s7;
	s6 =	simm.s32 @!p0 $0x1B8D  }
0xb1: {  	s5 =	sshll.u32 @!p0 s5, $0x11;
	s7 =	sadd.s32 @!p0 $0x11B8D, s7;
	_ =	swait.eq @!p0 [sflag:s6], $0x1  }
0xb2: {  	s5 =	sor.u32 @!p0 s5, s7;
	[sflag:s6] =	ssyncadd.s32 @!p0 $0xFFFFFFFF  }
0xb3: {  	s25 =	simm.s32 $0x1B8E;
	s24 =	sld [smem:$0x3FFE];
	[sflag:s5] =	ssyncadd.remote.s32 @!p0 $0x1  }
0xb4: {  	s26 =	simm.s32 $execute0_lowered;
	[smem:$0x3FD2] =	sst s25  }
0xb5: {  	s6 =	sshll.u32 s26, $0x1;
	_ =	strace $0x80000055;
	[dreg:$0x1] =	wrdreg $0xFFFFFFFF  }
0xb6: {  	s28 =	simm.s32 $_size_execute0_lowered;
	s4 =	sadd.s32 s4, s6;
	[dreg:$0x0] =	wrdreg $0x0  }
0xb7: {  	s6 =	sshll.u32 s28, $0x1;
	[dreg:$0x2] =	wrdreg s4  }
0xb8: {  	[dreg:$0x3] =	wrdreg s6  }
0xb9: {  	[dreg:$0x4] =	wrdreg $0xC0  }
0xba: {  	_ =	task [dreg:s22], $0x5FFFF  }
0xbb: {  	[dreg:$0x1] =	wrdreg $0xFFFFFFFF  }
0xbc: {  	[dreg:$0x0] =	wrdreg $0x60  }
0xbd: {  	[dreg:$0x2] =	wrdreg s18  }
0xbe: {  	[dreg:$0x3] =	wrdreg s24  }
0xbf: {  	[dreg:$0x4] =	wrdreg $0xA  }
0xc0: {  	_ =	task.clear_ibuf [dreg:s22], $0x5FFFF;
	_ =	strace $0x90000055  }
0xc1: {  	s29 =	simm.s32 $0xA;
	_ =	strace $0x80000057  }
0xc2: {  	_ =	swait.ge [sflag:s29], $0x1  }
0xc3: {  	[sflag:s29] =	ssyncadd.s32 $0xFFFFFFFF  }
0xc4: {  	_ =	strace $0x90000057  }
0xc5: {  	_ =	sfence  }
0xc6: {  	s30 =	sld [smem:$0x0];
	_ =	sdelay $0x2  }
0xc7: {  	s31 =	sshll.u32 s1, $0xD;
	s1 =	sshrl.u32 s1, $0x2  }
0xc8: {  	s4 =	sand.u32 $0x4000, s31;
	s1 =	sadd.s32 s1, s30  }
0xc9: {  	s0 =	sor.u32 s4, s0;
	s1 =	sshll.u32 s1, $0x11  }
0xca: {  	s0 =	sor.u32 s1, s0  }
0xcb: {  	s0 =	sadd.s32 $0x8F2B, s0  }
0xcc: {  	[sflag:s0] =	ssyncadd.remote.s32 $0x1  }
0xcd: {  	_ =	sfence.sel $0xFFFF  }
0xce: {  	[dreg:$0x0] =	wrdreg $0xFFFFFFFF;
	(pc) =	sbr.abs _section_cstart, $3  }
0xcf: {  	[dreg:$0x1] =	wrdreg $0xFFFFFFFF  }
0xd0: {  	_ =	task.clear_ibuf [dreg:s22], $0x2FFFF;
	_ =	strace $0x9FFFFFFF  }
0xd1: {  	(tm) =	ssettm $0x7FFFFFFF  }
tec
execute0_lowered:
.L_overlay_start_1:
0x0: {  	(tag) =	ssettag $0x1  }
0x1: {  	s2 =	rddreg [dreg:$0x0]  }
0x2: {  	s4 =	rddreg [dreg:$0x1]  }
0x3: {  	s0 =	rddreg [dreg:$0x2]  }
0x4: {  	s5 =	srdreg.scid;
	s1 =	stileid.u32;
	s3 =	simm.s32 $0x0  }
0x5: {  	s10 =	simm.s32 $0x1;
	s5 =	sand.u32 $0x1, s5;
	s6 =	smul.u32 $0x1450, s1  }
0x6: {  	s11 =	simm.s32 $0x0;
	[smem:$0x7FF] =	sst s3;
	s7 =	smul.u32 $0xA28, s5  }
0x7: {  	s8 =	smul.u32 $0x14500, s1;
	_ =	strace $0x80000056;
	s31 =	ssub.s32 $0x2, s5  }
0x8: {  	s5 =	smul.u32 $0xA280, s5;
	s9 =	sshrl.u32 s31, $0x1;
	s6 =	sadd.s32 s7, s6  }
0x9: {  	s8 =	sadd.s32 s8, s4;
	s7 =	ssub.s32 s31, s9;
	s6 =	sadd.s32 $0x12C00, s6  }
0xa: {  	s5 =	sadd.s32 s5, s8;
	s8 =	simm.s32 $0xC8;
	s6 =	sshrl.u32 s6, $0x3  }
0xb: {  	s9 =	simm.s32 $0x100;
	s5 =	sadd.s32 $0x38A00, s5;
	s6 =	sadd.s32 s6, s4  }
0xc: {  	s4 =	smax.u32 s7, $0x1;
	s7 =	simm.s32 $0x2;
	s6 =	sadd.s32 $0xA800, s6  }
.LBB2_1:
0xd: {  	s12 =	sadd.s32 $0x0, s6  }
0xe: {  	[tilespmem:s3], [sflag:$0x2] =	stream.linear.gather [hbm4b:s12+s3], $0xC8, $0x38;
	[tilespmem:$0x6500] =	vst v63  }
0xf: {  	_ =	swait.ge [sflag:s7], $0xC8  }
0x10: {  	[sflag:s7] =	ssyncset.done $0x0  }
0x11: {  	[sflag:s7] =	ssyncadd.s32 $0xFFFFFF38  }
0x12: {  	[tilespmem:s9], [sflag:$0x1] =	stream.indirect.gather [hbm4b:s2+s8], $0x80, s3, s8, $0xb8;
	[tilespmem:$0x6500] =	vst v63  }
0x13: {  	_ =	swait.ge [sflag:s10], $0x6400  }
0x14: {  	[sflag:s10] =	ssyncset.done $0x0  }
0x15: {  	[sflag:s10] =	ssyncadd.s32 $0xFFFF9C00  }
0x16: {  	[hbm4b:s5+s3] =	stream.linear.scatter [tilespmem:s9], [sflag:$0x2], $0x6400, $0x38;
	[tilespmem:$0x6500] =	vst v63  }
0x17: {  	s13 =	simm.s32 $0x19;
	_ =	swait.ge [sflag:s7], $0x6400  }
0x18: {  	s14 =	simm.s32 $0x32;
	s12 =	sadd.s32 $0xC80, s5;
	[sflag:s7] =	ssyncset.done $0x0  }
.LBB2_2:
0x19: {  	s15 =	sadd.s32 s13, s6  }
0x1a: {  	[sflag:s7] =	ssyncadd.s32 $0xFFFF9C00;
	s13 =	smov.u32 s14;
	s16 =	sadd.s32 $0x19, s14  }
0x1b: {  	[tilespmem:s3], [sflag:$0x2] =	stream.linear.gather [hbm4b:s15+s3], $0xC8, $0x38;
	[tilespmem:$0x6500] =	vst v63  }
0x1c: {  	p0 =	sne.s32 s14, $0x12C;
	_ =	swait.ge [sflag:s7], $0xC8  }
0x1d: {  	[sflag:s7] =	ssyncset.done $0x0  }
0x1e: {  	[sflag:s7] =	ssyncadd.s32 $0xFFFFFF38  }
0x1f: {  	[tilespmem:s9], [sflag:$0x1] =	stream.indirect.gather [hbm4b:s2+s8], $0x80, s3, s8, $0xb8;
	[tilespmem:$0x6500] =	vst v63  }
0x20: {  	_ =	swait.ge [sflag:s10], $0x6400  }
.Ltmp0:
0x21: {  	[sflag:s10] =	ssyncset.done $0x0;
	(pc) =	sbr.rel @p0 .LBB2_2-.Ltmp0, $4  }
0x22: {  	[sflag:s10] =	ssyncadd.s32 $0xFFFF9C00  }
0x23: {  	[hbm4b:s12+s3] =	stream.linear.scatter [tilespmem:s9], [sflag:$0x2], $0x6400, $0x38;
	[tilespmem:$0x6500] =	vst v63  }
0x24: {  	_ =	swait.ge [sflag:s7], $0x6400  }
0x25: {  	s14 =	smov.u32 s16;
	s12 =	sadd.s32 $0xC80, s12;
	[sflag:s7] =	ssyncset.done $0x0  }
0x26: {  	s13 =	sadd.s32 s13, s6;
	[sflag:s7] =	ssyncadd.s32 $0xFFFF9C00  }
0x27: {  	[tilespmem:s3], [sflag:$0x2] =	stream.linear.gather [hbm4b:s13+s3], $0xC8, $0x38;
	[tilespmem:$0x6500] =	vst v63  }
0x28: {  	_ =	swait.ge [sflag:s7], $0xC8  }
0x29: {  	[sflag:s7] =	ssyncset.done $0x0  }
0x2a: {  	[sflag:s7] =	ssyncadd.s32 $0xFFFFFF38  }
0x2b: {  	[tilespmem:s9], [sflag:$0x1] =	stream.indirect.gather [hbm4b:s2+s8], $0x80, s3, s8, $0xb8;
	[tilespmem:$0x6500] =	vst v63  }
0x2c: {  	s11 =	sadd.s32 $0x1, s11;
	_ =	swait.ge [sflag:s10], $0x6400  }
0x2d: {  	p0 =	sne.s32 s11, s4;
	[sflag:s10] =	ssyncset.done $0x0  }
.Ltmp1:
0x2e: {  	[sflag:s10] =	ssyncadd.s32 $0xFFFF9C00;
	(pc) =	sbr.rel @p0 .LBB2_1-.Ltmp1, $4  }
0x2f: {  	[hbm4b:s12+s3] =	stream.linear.scatter [tilespmem:s9], [sflag:$0x2], $0x6400, $0x38;
	[tilespmem:$0x6500] =	vst v63  }
0x30: {  	_ =	swait.ge [sflag:s7], $0x6400  }
0x31: {  	[sflag:s7] =	ssyncset.done $0x0  }
0x32: {  	[sflag:s7] =	ssyncadd.s32 $0xFFFF9C00  }
0x33: {  	_ =	sfence.sel $0x180000  }
0x34: {  	[bflag:$0x0] =	sbarrier.arrive $0xFFFF  }
0x35: {  	p0 =	sne.s32 s1, $0x0;
	_ =	strace $0x90000056  }
0x36: {  	s0 =	sadd.s32 @!p0 $0x100000, s0;
	[bflag:$0x2] =	sbarrier.arrive $0xFFFF  }
0x37: {  	[sflag:s0] =	ssyncadd.tile.s32 @!p0 $0x1;
	_ =	shalt  }
.Lfunc_end2:
_tile_overlayer_lowered:
.L_overlay_start_2:
0x38: {  	(tag) =	ssettag $0x2  }
0x39: {  	s0 =	rddreg [dreg:$0x0];
	s2 =	stileid.u32  }
0x3a: {  	s1 =	rddreg [dreg:$0x1];
	p0 =	sne.s32 s2, $0x0  }
0x3b: {  	s3 =	rddreg [dreg:$0x2];
	[bflag:$0x3] =	sbarrier.arrive $0xFFFF;
	s2 =	simm.s32 @!p0 $0x1C02  }
0x3c: {  	[timem:s3], [sflag:s2] =	dma.local @!p0 [hbm:s0], s1  }
0x3d: {  	s0 =	simm.s32 @!p0 $0x2  }
0x3e: {  	_ =	swait.ge @!p0 [sflag:s0], s1  }
0x3f: {  	s1 =	ssub.s32 @!p0 $0x0, s1;
	[sflag:s0] =	ssyncset.done @!p0 $0x0  }
0x40: {  	[sflag:s0] =	ssyncadd.s32 @!p0 s1  }
0x41: {  	[bflag:$0x3] =	sbarrier.arrive $0xFFFF  }
0x42: {  	_ =	shalt  }

</sc_bundles>
